<compile_context>
chip_gen: v7x
topology: tpu7x:2x2x1
jax: 0.10.2.dev20260603
libtpu: 0.0.44.dev20260713+nightly
codegen_flags: <defaults>
</compile_context>

<pallas_src>
import functools

import jax
import jax.numpy as jnp
from jax import lax
from jax.experimental import pallas as pl
from jax.experimental.pallas import tpu as pltpu
from jax.experimental.pallas import tpu_sc as plsc

N_PART = 262144
N_GRID = 128
NCELL = N_GRID * N_GRID
DX = 1.0 / N_GRID
INV_DX = float(N_GRID)
DT = 0.0001
P_VOL = (DX * 0.5) ** 2
P_RHO = 1.0
GRAVITY = 10.0
P_MASS = P_VOL * P_RHO

NW = 32
PPW = N_PART // NW
P2G_CH = 1024
G2P_CH = 4096
NPL = 7
DEDUP_SZ = 4096

_SC_MESH = dict(core_axis_name="c", subcore_axis_name="s",
                num_cores=2, num_subcores=16)
_SC_PARAMS = pltpu.CompilerParams(needs_layout_passes=False)


def _bspline_w(fx):
    t0 = 1.5 - fx
    t1 = fx - 1.0
    t2 = fx - 0.5
    return (0.5 * t0 * t0, 0.75 - t1 * t1, 0.5 * t2 * t2)


def _phase1_body(consts, xT, vT, CT, FT, JpT, RT, JT, FTn, pay, cellp):
    mu0 = consts[0]
    lam0 = consts[1]
    x0 = xT[0, :]
    x1 = xT[1, :]
    v0 = vT[0, :]
    v1 = vT[1, :]
    C00 = CT[0, :]
    C01 = CT[1, :]
    C10 = CT[2, :]
    C11 = CT[3, :]
    Jp = JpT[0, :]

    xs0 = x0 * INV_DX
    xs1 = x1 * INV_DX
    b0 = (xs0 - 0.5).astype(jnp.int32)
    b1 = (xs1 - 0.5).astype(jnp.int32)
    fx0 = xs0 - b0.astype(jnp.float32)
    fx1 = xs1 - b1.astype(jnp.float32)

    a = FT[0, :] + DT * (C00 * FT[0, :] + C01 * FT[2, :])
    b = FT[1, :] + DT * (C00 * FT[1, :] + C01 * FT[3, :])
    c = FT[2, :] + DT * (C10 * FT[0, :] + C11 * FT[2, :])
    d = FT[3, :] + DT * (C10 * FT[1, :] + C11 * FT[3, :])

    h = jnp.exp(10.0 * (1.0 - Jp))
    mu = mu0 * h
    lam = lam0 * h

    R00 = RT[0, :]
    R01 = RT[1, :]
    R10 = RT[2, :]
    R11 = RT[3, :]
    J = JT[0, :]

    e00 = a - R00
    e01 = b - R01
    e10 = c - R10
    e11 = d - R11
    M00 = e00 * a + e01 * b
    M01 = e00 * c + e01 * d
    M10 = e10 * a + e11 * b
    M11 = e10 * c + e11 * d
    lj = lam * J * (J - 1.0)
    ks = -DT * P_VOL * 4.0 * INV_DX * INV_DX
    A00 = ks * (2.0 * mu * M00 + lj) + P_MASS * C00
    A01 = ks * (2.0 * mu * M01) + P_MASS * C01
    A10 = ks * (2.0 * mu * M10) + P_MASS * C10
    A11 = ks * (2.0 * mu * M11 + lj) + P_MASS * C11

    vadd0 = P_MASS * v0 - (A00 * x0 + A01 * x1)
    vadd1 = P_MASS * v1 - (A10 * x0 + A11 * x1)

    FTn[0, :] = a
    FTn[1, :] = b
    FTn[2, :] = c
    FTn[3, :] = d
    pay[0, :] = fx0
    pay[1, :] = fx1
    pay[2, :] = vadd0
    pay[3, :] = vadd1
    pay[4, :] = A00
    pay[5, :] = A01
    pay[6, :] = A10
    pay[7, :] = A11
    cellp[0, :] = b0 * N_GRID + b1


def _phase1(consts, xT, vT, CT, FT, JpT, RT, JT):
    blk = 8192
    return pl.pallas_call(
        _phase1_body,
        grid=(N_PART // blk,),
        in_specs=[
            pl.BlockSpec(memory_space=pltpu.SMEM),
            pl.BlockSpec((2, blk), lambda i: (0, i)),
            pl.BlockSpec((2, blk), lambda i: (0, i)),
            pl.BlockSpec((4, blk), lambda i: (0, i)),
            pl.BlockSpec((4, blk), lambda i: (0, i)),
            pl.BlockSpec((1, blk), lambda i: (0, i)),
            pl.BlockSpec((4, blk), lambda i: (0, i)),
            pl.BlockSpec((1, blk), lambda i: (0, i)),
        ],
        out_specs=[
            pl.BlockSpec((4, blk), lambda i: (0, i)),
            pl.BlockSpec((8, blk), lambda i: (0, i)),
            pl.BlockSpec((1, blk), lambda i: (0, i)),
        ],
        out_shape=[
            jax.ShapeDtypeStruct((4, N_PART), jnp.float32),
            jax.ShapeDtypeStruct((8, N_PART), jnp.float32),
            jax.ShapeDtypeStruct((1, N_PART), jnp.int32),
        ],
    )(consts, xT, vT, CT, FT, JpT, RT, JT)


def _p2g(pay, cell):
    mesh = plsc.VectorSubcoreMesh(**_SC_MESH)

    @functools.partial(
        pl.kernel,
        out_type=jax.ShapeDtypeStruct((NW, NPL * NCELL), jnp.float32),
        mesh=mesh,
        scratch_types=[
            pltpu.VMEM((NPL * NCELL,), jnp.float32),
            pltpu.VMEM((8, P2G_CH), jnp.float32),
            pltpu.VMEM((P2G_CH,), jnp.int32),
            pltpu.VMEM((DEDUP_SZ,), jnp.int32),
        ],
        compiler_params=_SC_PARAMS,
    )
    def k(pay_hbm, cell_hbm, out_hbm, grid_v, pay_v, cell_v, dedup_v):
        wid = lax.axis_index("s") * 2 + lax.axis_index("c")
        base_p = wid * PPW

        def zbody(i, _):
            grid_v[pl.ds(i * 16, 16)] = jnp.zeros((16,), jnp.float32)
            return 0

        lax.fori_loop(0, NPL * NCELL // 16, zbody, 0)

        def chunk(ci, _):
            st = base_p + ci * P2G_CH
            pltpu.sync_copy(pay_hbm.at[:, pl.ds(st, P2G_CH)], pay_v)
            pltpu.sync_copy(cell_hbm.at[0, pl.ds(st, P2G_CH)], cell_v)

            def group(g, _):
                o = g * 16
                cell16 = cell_v[pl.ds(o, 16)]
                fx0 = pay_v[0, pl.ds(o, 16)]
                fx1 = pay_v[1, pl.ds(o, 16)]
                vadd0 = pay_v[2, pl.ds(o, 16)]
                vadd1 = pay_v[3, pl.ds(o, 16)]
                a00 = pay_v[4, pl.ds(o, 16)]
                a01 = pay_v[5, pl.ds(o, 16)]
                a10 = pay_v[6, pl.ds(o, 16)]
                a11 = pay_v[7, pl.ds(o, 16)]
                wx = _bspline_w(fx0)
                wy = _bspline_w(fx1)
                lane = lax.iota(jnp.int32, 16)
                slot = jnp.bitwise_and(cell16, DEDUP_SZ - 1)

                def round_body(pending):
                    plsc.store_scatter(dedup_v, [slot], lane, mask=pending)
                    got = plsc.load_gather(dedup_v, [slot], mask=pending)
                    win = jnp.logical_and(got == lane, pending)
                    for i in range(3):
                        for j in range(3):
                            wt = wx[i] * wy[j]
                            cidx = cell16 + (i * N_GRID + j)
                            plsc.addupdate_scatter(grid_v, [cidx], wt * P_MASS, mask=win)
                            plsc.addupdate_scatter(grid_v, [cidx + NCELL], wt * vadd0, mask=win)
                            plsc.addupdate_scatter(grid_v, [cidx + 2 * NCELL], wt * vadd1, mask=win)
                            plsc.addupdate_scatter(grid_v, [cidx + 3 * NCELL], wt * a00, mask=win)
                            plsc.addupdate_scatter(grid_v, [cidx + 4 * NCELL], wt * a01, mask=win)
                            plsc.addupdate_scatter(grid_v, [cidx + 5 * NCELL], wt * a10, mask=win)
                            plsc.addupdate_scatter(grid_v, [cidx + 6 * NCELL], wt * a11, mask=win)
                    return jnp.logical_and(pending, jnp.logical_not(win))

                lax.while_loop(jnp.any, round_body, lane >= 0)
                return 0

            lax.fori_loop(0, P2G_CH // 16, group, 0)
            return 0

        lax.fori_loop(0, PPW // P2G_CH, chunk, 0)
        pltpu.sync_copy(grid_v, out_hbm.at[wid])

    return k(pay, cell)


def _phase2_body(part, out):
    s = jnp.sum(part[...], axis=0)
    m = s[0]
    v0 = s[1]
    v1 = s[2]
    row = lax.broadcasted_iota(jnp.int32, (N_GRID, N_GRID), 0)
    col = lax.broadcasted_iota(jnp.int32, (N_GRID, N_GRID), 1)
    gi = row.astype(jnp.float32) * DX
    gj = col.astype(jnp.float32) * DX
    v0 = v0 + s[3] * gi + s[4] * gj
    v1 = v1 + s[5] * gi + s[6] * gj
    mask = m > 0.0
    sm = jnp.where(mask, m, 1.0)
    v0 = jnp.where(mask, v0 / sm, v0)
    v1 = jnp.where(mask, v1 / sm, v1)
    v1 = v1 - DT * GRAVITY
    v0 = jnp.where(row < 3, jnp.maximum(v0, 0.0), v0)
    v0 = jnp.where(row >= N_GRID - 2, jnp.minimum(v0, 0.0), v0)
    v1 = jnp.where(col < 3, jnp.maximum(v1, 0.0), v1)
    v1 = jnp.where(col >= N_GRID - 2, jnp.minimum(v1, 0.0), v1)
    out[0] = v0
    out[1] = v1


def _phase2(partial):
    return pl.pallas_call(
        _phase2_body,
        out_shape=jax.ShapeDtypeStruct((2, N_GRID, N_GRID), jnp.float32),
    )(partial)


def _g2p(pay, cell, xT, gridv):
    mesh = plsc.VectorSubcoreMesh(**_SC_MESH)

    @functools.partial(
        pl.kernel,
        out_type=jax.ShapeDtypeStruct((8, N_PART), jnp.float32),
        mesh=mesh,
        scratch_types=[
            pltpu.VMEM((NCELL,), jnp.float32),
            pltpu.VMEM((NCELL,), jnp.float32),
            pltpu.VMEM((2, G2P_CH), jnp.float32),
            pltpu.VMEM((G2P_CH,), jnp.int32),
            pltpu.VMEM((2, G2P_CH), jnp.float32),
            pltpu.VMEM((8, G2P_CH), jnp.float32),
        ],
        compiler_params=_SC_PARAMS,
    )
    def k(pay_hbm, cell_hbm, xT_hbm, gv_hbm, out_hbm, gv0_v, gv1_v, fx_v, cell_v, x_v, o_v):
        wid = lax.axis_index("s") * 2 + lax.axis_index("c")
        base_p = wid * PPW
        pltpu.sync_copy(gv_hbm.at[0], gv0_v)
        pltpu.sync_copy(gv_hbm.at[1], gv1_v)

        def chunk(ci, _):
            st = base_p + ci * G2P_CH
            pltpu.sync_copy(pay_hbm.at[pl.ds(0, 2), pl.ds(st, G2P_CH)], fx_v)
            pltpu.sync_copy(cell_hbm.at[0, pl.ds(st, G2P_CH)], cell_v)
            pltpu.sync_copy(xT_hbm.at[:, pl.ds(st, G2P_CH)], x_v)

            def group(g, _):
                o = g * 16
                cell16 = cell_v[pl.ds(o, 16)]
                fx0 = fx_v[0, pl.ds(o, 16)]
                fx1 = fx_v[1, pl.ds(o, 16)]
                x0 = x_v[0, pl.ds(o, 16)]
                x1 = x_v[1, pl.ds(o, 16)]
                b0f = jnp.right_shift(cell16, 7).astype(jnp.float32)
                b1f = jnp.bitwise_and(cell16, N_GRID - 1).astype(jnp.float32)
                wx = _bspline_w(fx0)
                wy = _bspline_w(fx1)
                gif = [(b0f + float(i)) * DX for i in range(3)]
                gjf = [(b1f + float(j)) * DX for j in range(3)]
                zero = jnp.zeros((16,), jnp.float32)
                nv0 = zero
                nv1 = zero
                nvx00 = zero
                nvx01 = zero
                nvx10 = zero
                nvx11 = zero
                for i in range(3):
                    for j in range(3):
                        wt = wx[i] * wy[j]
                        cidx = cell16 + (i * N_GRID + j)
                        g0 = plsc.load_gather(gv0_v, [cidx])
                        g1 = plsc.load_gather(gv1_v, [cidx])
                        wg0 = wt * g0
                        wg1 = wt * g1
                        nv0 = nv0 + wg0
                        nv1 = nv1 + wg1
                        nvx00 = nvx00 + wg0 * gif[i]
                        nvx01 = nvx01 + wg0 * gjf[j]
                        nvx10 = nvx10 + wg1 * gif[i]
                        nvx11 = nvx11 + wg1 * gjf[j]
                k4 = 4.0 * INV_DX * INV_DX
                o_v[0, pl.ds(o, 16)] = x0 + DT * nv0
                o_v[1, pl.ds(o, 16)] = x1 + DT * nv1
                o_v[2, pl.ds(o, 16)] = nv0
                o_v[3, pl.ds(o, 16)] = nv1
                o_v[4, pl.ds(o, 16)] = (nvx00 - nv0 * x0) * k4
                o_v[5, pl.ds(o, 16)] = (nvx01 - nv0 * x1) * k4
                o_v[6, pl.ds(o, 16)] = (nvx10 - nv1 * x0) * k4
                o_v[7, pl.ds(o, 16)] = (nvx11 - nv1 * x1) * k4
                return 0

            lax.fori_loop(0, G2P_CH // 16, group, 0)
            pltpu.sync_copy(o_v, out_hbm.at[:, pl.ds(st, G2P_CH)])
            return 0

        lax.fori_loop(0, PPW // G2P_CH, chunk, 0)

    return k(pay, cell, xT, gridv)


def kernel(x, v, C, F, material, Jp, E, nu):
    xT = x.T
    vT = v.T
    CT = C.reshape(N_PART, 4).T
    FT = F.reshape(N_PART, 4).T
    JpT = Jp.reshape(1, N_PART)

    e0 = E[0]
    nu0 = nu[0]
    mu0 = e0 / (2.0 * (1.0 + nu0))
    lam0 = e0 * nu0 / ((1.0 + nu0) * (1.0 - 2.0 * nu0))
    consts = jnp.stack([mu0, lam0])

    F2 = F + DT * jnp.matmul(C, F)
    U_, S_, Vt_ = jnp.linalg.svd(F2, full_matrices=False)
    R_ = jnp.matmul(U_, Vt_)
    J_ = jnp.prod(S_, axis=-1)
    RT = R_.reshape(N_PART, 4).T
    JT = J_.reshape(1, N_PART)

    FTn, pay, cell = _phase1(consts, xT, vT, CT, FT, JpT, RT, JT)
    partial = _p2g(pay, cell)
    gridv = _phase2(partial.reshape(NW, NPL, N_GRID, N_GRID))
    out = _g2p(pay, cell, xT, gridv.reshape(2, NCELL))

    x_o = out[0:2].T
    v_o = out[2:4].T
    C_o = out[4:8].T.reshape(N_PART, 2, 2)
    F_o = FTn.T.reshape(N_PART, 2, 2)
    return (x_o, v_o, C_o, F_o, material, Jp)

# --- scband reference (transcript-rebuilt; emitter-appended) ---
"""Pipeline reference for scband-mpmmodel-58213986730458 (READ-ONLY COPY).

The authoritative reference and input builder live on the scoring server;
editing this copy changes nothing except your own understanding.
"""

import jax, jax.numpy as jnp
import numpy as np

N_PART = 262144
N_GRID = 128
DX = 1.0 / N_GRID
INV_DX = float(N_GRID)
DT = 0.0001
P_VOL = (DX * 0.5) ** 2
P_RHO = 1.0
GRAVITY = 10.0
P_MASS = P_VOL * P_RHO


def setup_inputs(seed: int = 0) -> dict:
    key = jax.random.key(seed)
    k1, k2, k3, k4 = jax.random.split(key, 4)
    # particle positions well inside the unit box so base+2 stays in-grid
    x = 0.1 + 0.8 * jax.random.uniform(k1, (N_PART, 2), dtype=jnp.float32)
    v = jax.random.normal(k2, (N_PART, 2), dtype=jnp.float32)
    C = 0.1 * jax.random.normal(k3, (N_PART, 2, 2), dtype=jnp.float32)
    # near-diag deformation gradient with well-separated singular values (stable SVD)
    F = jnp.array([[1.0, 0.0], [0.0, 0.9]], dtype=jnp.float32)[None] + 0.02 * jax.random.normal(k4, (N_PART, 2, 2), dtype=jnp.float32)
    material = jnp.zeros((N_PART,), dtype=jnp.int32)
    Jp = jnp.ones((N_PART,), dtype=jnp.float32)
    E = jnp.full((1,), 1000.0, dtype=jnp.float32)
    nu = jnp.full((1,), 0.2, dtype=jnp.float32)
    return {'x': x, 'v': v, 'C': C, 'F': F, 'material': material, 'Jp': Jp, 'E': E, 'nu': nu}


def _mpm_step(x, v, C, F, Jp, E, nu):
    mu_0 = E / (2.0 * (1.0 + nu))
    lambda_0 = E * nu / ((1.0 + nu) * (1.0 - 2.0 * nu))
    base = (x * INV_DX - 0.5).astype(jnp.int32)  # trunc like torch .int(); x>=0.1 so trunc==floor
    fx = x * INV_DX - base.astype(jnp.float32)
    w = jnp.stack([0.5 * (1.5 - fx) ** 2, 0.75 - (fx - 1.0) ** 2, 0.5 * (fx - 0.5) ** 2], axis=0)  # [3,N,2]
    F = F + DT * jnp.matmul(C, F)
    h = jnp.exp(10.0 * (1.0 - Jp))
    mu = mu_0 * h
    lam = lambda_0 * h
    # svd3x3 of [[F,0],[0,0]] truncated to 2x2 == 2x2 SVD of F (3rd singular value is 0)
    U, sig, Vt = jnp.linalg.svd(F, full_matrices=False)
    J = jnp.prod(sig, axis=-1)
    R = jnp.matmul(U, Vt)
    stress = 2.0 * mu[:, None, None] * jnp.matmul(F - R, jnp.swapaxes(F, -1, -2)) + jnp.eye(2, dtype=jnp.float32)[None] * (lam * J * (J - 1.0))[:, None, None]
    stress = -DT * P_VOL * 4.0 * INV_DX ** 2 * stress
    affine = stress + P_MASS * C
    v_add = P_MASS * v - jnp.squeeze(jnp.matmul(affine, x[:, :, None]), -1)
    aff_flat = affine.reshape(-1, 4)
    # P2G scatter-add (z axis of the original 3D grid collapses: its weights sum to 1)
    grid_v = jnp.zeros((N_GRID, N_GRID, 2), jnp.float32)
    grid_a = jnp.zeros((N_GRID, N_GRID, 4), jnp.float32)
    grid_m = jnp.zeros((N_GRID, N_GRID), jnp.float32)
    for i in range(3):
        for j in range(3):
            weight = w[i, :, 0] * w[j, :, 1]
            gi = base[:, 0] + i
            gj = base[:, 1] + j
            grid_v = grid_v.at[gi, gj].add(weight[:, None] * v_add)
            grid_a = grid_a.at[gi, gj].add(weight[:, None] * aff_flat)
            grid_m = grid_m.at[gi, gj].add(weight * P_MASS)
    grid_affine = grid_a.reshape(N_GRID, N_GRID, 2, 2)
    gx_mesh = jnp.stack(jnp.meshgrid(jnp.arange(N_GRID), jnp.arange(N_GRID), indexing='ij'), axis=-1).astype(jnp.float32) * DX
    grid_v = grid_v + jnp.squeeze(jnp.matmul(grid_affine, gx_mesh[..., None]), -1)
    mask = grid_m > 0
    safe_m = jnp.where(mask, grid_m, 1.0)
    grid_v = jnp.where(mask[..., None], grid_v / safe_m[..., None], grid_v)
    grid_v = grid_v.at[:, :, 1].add(-DT * GRAVITY)
    grid_v = grid_v.at[:3, :, 0].set(jnp.maximum(grid_v[:3, :, 0], 0.0))
    grid_v = grid_v.at[-2:, :, 0].set(jnp.minimum(grid_v[-2:, :, 0], 0.0))
    grid_v = grid_v.at[:, :3, 1].set(jnp.maximum(grid_v[:, :3, 1], 0.0))
    grid_v = grid_v.at[:, -2:, 1].set(jnp.minimum(grid_v[:, -2:, 1], 0.0))
    # G2P gather
    new_v = jnp.zeros_like(v)
    new_vx = jnp.zeros((x.shape[0], 2, 2), jnp.float32)
    for i in range(3):
        for j in range(3):
            weight = w[i, :, 0] * w[j, :, 1]
            gi = base[:, 0] + i
            gj = base[:, 1] + j
            gv = grid_v[gi, gj]
            gxp = jnp.stack([gi.astype(jnp.float32), gj.astype(jnp.float32)], axis=-1) * DX
            new_v = new_v + weight[:, None] * gv
            new_vx = new_vx + weight[:, None, None] * (gv[:, :, None] * gxp[:, None, :])
    new_C = (new_vx - new_v[:, :, None] * x[:, None, :]) * (4.0 * INV_DX ** 2)
    x = x + DT * new_v
    return x, new_v, new_C, F, Jp


def reference(x, v, C, F, material, Jp, E, nu):
    x_o, v_o, C_o, F_o, Jp_o = _mpm_step(x, v, C, F, Jp, E, nu)
    return (x_o, v_o, C_o, F_o, material, Jp_o)

if __name__ == "__main__":
    import jax
    _d = setup_inputs()
    print(jax.jit(kernel)(*tuple(_d.values())))

</pallas_src>

<mosaic_0001>
#map = affine_map<(d0, d1) -> (0, 0)>
module attributes {stable_mosaic.version = 14 : i64} {
  func.func @k(%arg0: i32, %arg1: i32, %arg2: memref<8x262144xf32, #tpu.memory_space<hbm>>, %arg3: memref<1x262144xi32, #tpu.memory_space<hbm>>, %arg4: memref<2x262144xf32, #tpu.memory_space<hbm>>, %arg5: memref<2x16384xf32, #tpu.memory_space<hbm>>, %arg6: memref<8x262144xf32, #tpu.memory_space<hbm>>, %arg7: memref<16384xf32, #tpu.memory_space<vmem>>, %arg8: memref<16384xf32, #tpu.memory_space<vmem>>, %arg9: memref<2x4096xf32, #tpu.memory_space<vmem>>, %arg10: memref<4096xi32, #tpu.memory_space<vmem>>, %arg11: memref<2x4096xf32, #tpu.memory_space<vmem>>, %arg12: memref<8x4096xf32, #tpu.memory_space<vmem>>) attributes {dimension_semantics = [#tpu.dimension_semantics<core_parallel>, #tpu.dimension_semantics<subcore_parallel>], iteration_bounds = array<i64: 2, 16>, scalar_prefetch = 0 : i64, scratch_operands = 6 : i64, tpu.core_type = #tpu.core_type<sc_vector_subcore>, window_params = [{transform_indices = #map}, {transform_indices = #map}, {transform_indices = #map}, {transform_indices = #map}, {transform_indices = #map}]} {
    %mul3A = arith.constant 2 : i32
    %mul3A_0 = arith.muli %arg1, %mul3A : i32
    %add3A = arith.addi %mul3A_0, %arg0 : i32
    %mul3A_1 = arith.constant 8192 : i32
    %mul3A_2 = arith.muli %add3A, %mul3A_1 : i32
    %run_scoped3A = arith.constant 0 : i32
    "tpu.region"() ({
      %run_scoped3A_10 = tpu.sem_alloc : memref<!tpu.dma_semaphore, #tpu.memory_space<semaphore_mem>>
      %dma_start3A = arith.constant 0 : i32
      %dma_start3A_11 = tpu.memref_slice %arg5[%run_scoped3A, %dma_start3A] : memref<2x16384xf32, #tpu.memory_space<hbm>> -> memref<1x16384xf32, #tpu.memory_space<hbm>>
      %dma_start3A_12 = tpu.memref_squeeze %dma_start3A_11 : memref<1x16384xf32, #tpu.memory_space<hbm>> -> memref<16384xf32, #tpu.memory_space<hbm>>
      %dma_start3A_13 = arith.constant 0 : i32
      %dma_start3A_14 = tpu.memref_slice %arg5[%run_scoped3A, %dma_start3A_13] : memref<2x16384xf32, #tpu.memory_space<hbm>> -> memref<1x16384xf32, #tpu.memory_space<hbm>>
      %dma_start3A_15 = tpu.memref_squeeze %dma_start3A_14 : memref<1x16384xf32, #tpu.memory_space<hbm>> -> memref<16384xf32, #tpu.memory_space<hbm>>
      tpu.enqueue_dma source(%dma_start3A_15 : memref<16384xf32, #tpu.memory_space<hbm>>) target(%arg7 : memref<16384xf32, #tpu.memory_space<vmem>>) target_semaphore(%run_scoped3A_10 : memref<!tpu.dma_semaphore, #tpu.memory_space<semaphore_mem>>)
      %dma_wait3A = arith.constant 0 : i32
      %dma_wait3A_16 = tpu.memref_slice %arg5[%run_scoped3A, %dma_wait3A] : memref<2x16384xf32, #tpu.memory_space<hbm>> -> memref<1x16384xf32, #tpu.memory_space<hbm>>
      %dma_wait3A_17 = tpu.memref_squeeze %dma_wait3A_16 : memref<1x16384xf32, #tpu.memory_space<hbm>> -> memref<16384xf32, #tpu.memory_space<hbm>>
      %dma_wait3A_18 = arith.constant 0 : i32
      %dma_wait3A_19 = tpu.memref_slice %arg5[%run_scoped3A, %dma_wait3A_18] : memref<2x16384xf32, #tpu.memory_space<hbm>> -> memref<1x16384xf32, #tpu.memory_space<hbm>>
      %dma_wait3A_20 = tpu.memref_squeeze %dma_wait3A_19 : memref<1x16384xf32, #tpu.memory_space<hbm>> -> memref<16384xf32, #tpu.memory_space<hbm>>
      tpu.wait_dma2 semaphore(%run_scoped3A_10 : memref<!tpu.dma_semaphore, #tpu.memory_space<semaphore_mem>>) src(%dma_wait3A_20 : memref<16384xf32, #tpu.memory_space<hbm>>) dst(%arg7 : memref<16384xf32, #tpu.memory_space<vmem>>)
      tpu.yield
    }) : () -> ()
    %run_scoped3A_3 = arith.constant 1 : i32
    "tpu.region"() ({
      %run_scoped3A_10 = tpu.sem_alloc : memref<!tpu.dma_semaphore, #tpu.memory_space<semaphore_mem>>
      %dma_start3A = arith.constant 0 : i32
      %dma_start3A_11 = tpu.memref_slice %arg5[%run_scoped3A_3, %dma_start3A] : memref<2x16384xf32, #tpu.memory_space<hbm>> -> memref<1x16384xf32, #tpu.memory_space<hbm>>
      %dma_start3A_12 = tpu.memref_squeeze %dma_start3A_11 : memref<1x16384xf32, #tpu.memory_space<hbm>> -> memref<16384xf32, #tpu.memory_space<hbm>>
      %dma_start3A_13 = arith.constant 0 : i32
      %dma_start3A_14 = tpu.memref_slice %arg5[%run_scoped3A_3, %dma_start3A_13] : memref<2x16384xf32, #tpu.memory_space<hbm>> -> memref<1x16384xf32, #tpu.memory_space<hbm>>
      %dma_start3A_15 = tpu.memref_squeeze %dma_start3A_14 : memref<1x16384xf32, #tpu.memory_space<hbm>> -> memref<16384xf32, #tpu.memory_space<hbm>>
      tpu.enqueue_dma source(%dma_start3A_15 : memref<16384xf32, #tpu.memory_space<hbm>>) target(%arg8 : memref<16384xf32, #tpu.memory_space<vmem>>) target_semaphore(%run_scoped3A_10 : memref<!tpu.dma_semaphore, #tpu.memory_space<semaphore_mem>>)
      %dma_wait3A = arith.constant 0 : i32
      %dma_wait3A_16 = tpu.memref_slice %arg5[%run_scoped3A_3, %dma_wait3A] : memref<2x16384xf32, #tpu.memory_space<hbm>> -> memref<1x16384xf32, #tpu.memory_space<hbm>>
      %dma_wait3A_17 = tpu.memref_squeeze %dma_wait3A_16 : memref<1x16384xf32, #tpu.memory_space<hbm>> -> memref<16384xf32, #tpu.memory_space<hbm>>
      %dma_wait3A_18 = arith.constant 0 : i32
      %dma_wait3A_19 = tpu.memref_slice %arg5[%run_scoped3A_3, %dma_wait3A_18] : memref<2x16384xf32, #tpu.memory_space<hbm>> -> memref<1x16384xf32, #tpu.memory_space<hbm>>
      %dma_wait3A_20 = tpu.memref_squeeze %dma_wait3A_19 : memref<1x16384xf32, #tpu.memory_space<hbm>> -> memref<16384xf32, #tpu.memory_space<hbm>>
      tpu.wait_dma2 semaphore(%run_scoped3A_10 : memref<!tpu.dma_semaphore, #tpu.memory_space<semaphore_mem>>) src(%dma_wait3A_20 : memref<16384xf32, #tpu.memory_space<hbm>>) dst(%arg8 : memref<16384xf32, #tpu.memory_space<vmem>>)
      tpu.yield
    }) : () -> ()
    %scan3A = arith.constant 0 : i32
    %scan3A_4 = arith.constant 0 : i32
    %scan3A_5 = arith.constant 2 : i32
    %scan3A_6 = arith.addi %scan3A_4, %scan3A_5 : i32
    %scan3A_7 = arith.constant 1 : i32
    %scan3A_8 = scf.for %scan3A_10 = %scan3A_4 to %scan3A_6 step %scan3A_7 iter_args(%scan3A_11 = %scan3A) -> (i32)  : i32 {
      %mul3A_12 = arith.constant 4096 : i32
      %mul3A_13 = arith.muli %scan3A_10, %mul3A_12 : i32
      %add3A_14 = arith.addi %mul3A_2, %mul3A_13 : i32
      "tpu.region"() ({
        %run_scoped3A_24 = tpu.sem_alloc : memref<!tpu.dma_semaphore, #tpu.memory_space<semaphore_mem>>
        %dma_start3A = arith.constant 0 : i32
        %dma_start3A_25 = tpu.memref_slice %arg2[%dma_start3A, %add3A_14] : memref<8x262144xf32, #tpu.memory_space<hbm>> -> memref<2x4096xf32, #tpu.memory_space<hbm>>
        %dma_start3A_26 = arith.constant 0 : i32
        %dma_start3A_27 = tpu.memref_slice %arg2[%dma_start3A_26, %add3A_14] : memref<8x262144xf32, #tpu.memory_space<hbm>> -> memref<2x4096xf32, #tpu.memory_space<hbm>>
        tpu.enqueue_dma source(%dma_start3A_27 : memref<2x4096xf32, #tpu.memory_space<hbm>>) target(%arg9 : memref<2x4096xf32, #tpu.memory_space<vmem>>) target_semaphore(%run_scoped3A_24 : memref<!tpu.dma_semaphore, #tpu.memory_space<semaphore_mem>>)
        %dma_wait3A = arith.constant 0 : i32
        %dma_wait3A_28 = tpu.memref_slice %arg2[%dma_wait3A, %add3A_14] : memref<8x262144xf32, #tpu.memory_space<hbm>> -> memref<2x4096xf32, #tpu.memory_space<hbm>>
        %dma_wait3A_29 = arith.constant 0 : i32
        %dma_wait3A_30 = tpu.memref_slice %arg2[%dma_wait3A_29, %add3A_14] : memref<8x262144xf32, #tpu.memory_space<hbm>> -> memref<2x4096xf32, #tpu.memory_space<hbm>>
        tpu.wait_dma2 semaphore(%run_scoped3A_24 : memref<!tpu.dma_semaphore, #tpu.memory_space<semaphore_mem>>) src(%dma_wait3A_30 : memref<2x4096xf32, #tpu.memory_space<hbm>>) dst(%arg9 : memref<2x4096xf32, #tpu.memory_space<vmem>>)
        tpu.yield
      }) : () -> ()
      %run_scoped3A_15 = arith.constant 0 : i32
      "tpu.region"() ({
        %run_scoped3A_24 = tpu.sem_alloc : memref<!tpu.dma_semaphore, #tpu.memory_space<semaphore_mem>>
        %dma_start3A = tpu.memref_slice %arg3[%run_scoped3A_15, %add3A_14] : memref<1x262144xi32, #tpu.memory_space<hbm>> -> memref<1x4096xi32, #tpu.memory_space<hbm>>
        %dma_start3A_25 = tpu.memref_squeeze %dma_start3A : memref<1x4096xi32, #tpu.memory_space<hbm>> -> memref<4096xi32, #tpu.memory_space<hbm>>
        %dma_start3A_26 = tpu.memref_slice %arg3[%run_scoped3A_15, %add3A_14] : memref<1x262144xi32, #tpu.memory_space<hbm>> -> memref<1x4096xi32, #tpu.memory_space<hbm>>
        %dma_start3A_27 = tpu.memref_squeeze %dma_start3A_26 : memref<1x4096xi32, #tpu.memory_space<hbm>> -> memref<4096xi32, #tpu.memory_space<hbm>>
        tpu.enqueue_dma source(%dma_start3A_27 : memref<4096xi32, #tpu.memory_space<hbm>>) target(%arg10 : memref<4096xi32, #tpu.memory_space<vmem>>) target_semaphore(%run_scoped3A_24 : memref<!tpu.dma_semaphore, #tpu.memory_space<semaphore_mem>>)
        %dma_wait3A = tpu.memref_slice %arg3[%run_scoped3A_15, %add3A_14] : memref<1x262144xi32, #tpu.memory_space<hbm>> -> memref<1x4096xi32, #tpu.memory_space<hbm>>
        %dma_wait3A_28 = tpu.memref_squeeze %dma_wait3A : memref<1x4096xi32, #tpu.memory_space<hbm>> -> memref<4096xi32, #tpu.memory_space<hbm>>
        %dma_wait3A_29 = tpu.memref_slice %arg3[%run_scoped3A_15, %add3A_14] : memref<1x262144xi32, #tpu.memory_space<hbm>> -> memref<1x4096xi32, #tpu.memory_space<hbm>>
        %dma_wait3A_30 = tpu.memref_squeeze %dma_wait3A_29 : memref<1x4096xi32, #tpu.memory_space<hbm>> -> memref<4096xi32, #tpu.memory_space<hbm>>
        tpu.wait_dma2 semaphore(%run_scoped3A_24 : memref<!tpu.dma_semaphore, #tpu.memory_space<semaphore_mem>>) src(%dma_wait3A_30 : memref<4096xi32, #tpu.memory_space<hbm>>) dst(%arg10 : memref<4096xi32, #tpu.memory_space<vmem>>)
        tpu.yield
      }) : () -> ()
      "tpu.region"() ({
        %run_scoped3A_24 = tpu.sem_alloc : memref<!tpu.dma_semaphore, #tpu.memory_space<semaphore_mem>>
        %dma_start3A = arith.constant 0 : i32
        %dma_start3A_25 = tpu.memref_slice %arg4[%dma_start3A, %add3A_14] : memref<2x262144xf32, #tpu.memory_space<hbm>> -> memref<2x4096xf32, #tpu.memory_space<hbm>>
        %dma_start3A_26 = arith.constant 0 : i32
        %dma_start3A_27 = tpu.memref_slice %arg4[%dma_start3A_26, %add3A_14] : memref<2x262144xf32, #tpu.memory_space<hbm>> -> memref<2x4096xf32, #tpu.memory_space<hbm>>
        tpu.enqueue_dma source(%dma_start3A_27 : memref<2x4096xf32, #tpu.memory_space<hbm>>) target(%arg11 : memref<2x4096xf32, #tpu.memory_space<vmem>>) target_semaphore(%run_scoped3A_24 : memref<!tpu.dma_semaphore, #tpu.memory_space<semaphore_mem>>)
        %dma_wait3A = arith.constant 0 : i32
        %dma_wait3A_28 = tpu.memref_slice %arg4[%dma_wait3A, %add3A_14] : memref<2x262144xf32, #tpu.memory_space<hbm>> -> memref<2x4096xf32, #tpu.memory_space<hbm>>
        %dma_wait3A_29 = arith.constant 0 : i32
        %dma_wait3A_30 = tpu.memref_slice %arg4[%dma_wait3A_29, %add3A_14] : memref<2x262144xf32, #tpu.memory_space<hbm>> -> memref<2x4096xf32, #tpu.memory_space<hbm>>
        tpu.wait_dma2 semaphore(%run_scoped3A_24 : memref<!tpu.dma_semaphore, #tpu.memory_space<semaphore_mem>>) src(%dma_wait3A_30 : memref<2x4096xf32, #tpu.memory_space<hbm>>) dst(%arg11 : memref<2x4096xf32, #tpu.memory_space<vmem>>)
        tpu.yield
      }) : () -> ()
      %scan3A_16 = arith.constant 0 : i32
      %scan3A_17 = arith.constant 0 : i32
      %scan3A_18 = arith.constant 256 : i32
      %scan3A_19 = arith.addi %scan3A_17, %scan3A_18 : i32
      %scan3A_20 = arith.constant 1 : i32
      %scan3A_21 = scf.for %scan3A_24 = %scan3A_17 to %scan3A_19 step %scan3A_20 iter_args(%scan3A_25 = %scan3A_16) -> (i32)  : i32 {
        %mul3A_26 = arith.constant 16 : i32
        %mul3A_27 = arith.muli %scan3A_24, %mul3A_26 : i32
        %get3A = arith.index_cast %mul3A_27 : i32 to index
        %get3A_28 = tpu.vector_load %arg10[%get3A] {strides = array<i32>} : memref<4096xi32, #tpu.memory_space<vmem>>, vector<16xi32>,
        %get3A_29 = arith.constant 0 : i32
        %get3A_30 = arith.index_cast %get3A_29 : i32 to index
        %get3A_31 = arith.index_cast %mul3A_27 : i32 to index
        %get3A_32 = tpu.vector_load %arg9[%get3A_30, %get3A_31] {strides = array<i32>} : memref<2x4096xf32, #tpu.memory_space<vmem>>, vector<16xf32>,
        %get3A_33 = arith.constant 1 : i32
        %get3A_34 = arith.index_cast %get3A_33 : i32 to index
        %get3A_35 = arith.index_cast %mul3A_27 : i32 to index
        %get3A_36 = tpu.vector_load %arg9[%get3A_34, %get3A_35] {strides = array<i32>} : memref<2x4096xf32, #tpu.memory_space<vmem>>, vector<16xf32>,
        %get3A_37 = arith.constant 0 : i32
        %get3A_38 = arith.index_cast %get3A_37 : i32 to index
        %get3A_39 = arith.index_cast %mul3A_27 : i32 to index
        %get3A_40 = tpu.vector_load %arg11[%get3A_38, %get3A_39] {strides = array<i32>} : memref<2x4096xf32, #tpu.memory_space<vmem>>, vector<16xf32>,
        %get3A_41 = arith.constant 1 : i32
        %get3A_42 = arith.index_cast %get3A_41 : i32 to index
        %get3A_43 = arith.index_cast %mul3A_27 : i32 to index
        %get3A_44 = tpu.vector_load %arg11[%get3A_42, %get3A_43] {strides = array<i32>} : memref<2x4096xf32, #tpu.memory_space<vmem>>, vector<16xf32>,
        %shift_right_arithmetic3A = arith.constant 7 : i32
        %shift_right_arithmetic3A_45 = vector.broadcast %shift_right_arithmetic3A : i32 to vector<16xi32>
        %shift_right_arithmetic3A_46 = arith.shrsi %get3A_28, %shift_right_arithmetic3A_45 : vector<16xi32>
        %convert_element_type3A = arith.sitofp %shift_right_arithmetic3A_46 : vector<16xi32> to vector<16xf32>
        %and3A = arith.constant 127 : i32
        %and3A_47 = vector.broadcast %and3A : i32 to vector<16xi32>
        %and3A_48 = arith.andi %get3A_28, %and3A_47 : vector<16xi32>
        %convert_element_type3A_49 = arith.sitofp %and3A_48 : vector<16xi32> to vector<16xf32>
        %sub3A = arith.constant 1.500000e+00 : f32
        %sub3A_50 = vector.broadcast %sub3A : f32 to vector<16xf32>
        %sub3A_51 = arith.subf %sub3A_50, %get3A_32 : vector<16xf32>
        %sub3A_52 = arith.constant 1.000000e+00 : f32
        %sub3A_53 = vector.broadcast %sub3A_52 : f32 to vector<16xf32>
        %sub3A_54 = arith.subf %get3A_32, %sub3A_53 : vector<16xf32>
        %sub3A_55 = arith.constant 5.000000e-01 : f32
        %sub3A_56 = vector.broadcast %sub3A_55 : f32 to vector<16xf32>
        %sub3A_57 = arith.subf %get3A_32, %sub3A_56 : vector<16xf32>
        %mul3A_58 = arith.constant 5.000000e-01 : f32
        %mul3A_59 = vector.broadcast %mul3A_58 : f32 to vector<16xf32>
        %mul3A_60 = arith.mulf %mul3A_59, %sub3A_51 : vector<16xf32>
        %mul3A_61 = arith.mulf %mul3A_60, %sub3A_51 : vector<16xf32>
        %mul3A_62 = arith.mulf %sub3A_54, %sub3A_54 : vector<16xf32>
        %sub3A_63 = arith.constant 7.500000e-01 : f32
        %sub3A_64 = vector.broadcast %sub3A_63 : f32 to vector<16xf32>
        %sub3A_65 = arith.subf %sub3A_64, %mul3A_62 : vector<16xf32>
        %mul3A_66 = arith.constant 5.000000e-01 : f32
        %mul3A_67 = vector.broadcast %mul3A_66 : f32 to vector<16xf32>
        %mul3A_68 = arith.mulf %mul3A_67, %sub3A_57 : vector<16xf32>
        %mul3A_69 = arith.mulf %mul3A_68, %sub3A_57 : vector<16xf32>
        %sub3A_70 = arith.constant 1.500000e+00 : f32
        %sub3A_71 = vector.broadcast %sub3A_70 : f32 to vector<16xf32>
        %sub3A_72 = arith.subf %sub3A_71, %get3A_36 : vector<16xf32>
        %sub3A_73 = arith.constant 1.000000e+00 : f32
        %sub3A_74 = vector.broadcast %sub3A_73 : f32 to vector<16xf32>
        %sub3A_75 = arith.subf %get3A_36, %sub3A_74 : vector<16xf32>
        %sub3A_76 = arith.constant 5.000000e-01 : f32
        %sub3A_77 = vector.broadcast %sub3A_76 : f32 to vector<16xf32>
        %sub3A_78 = arith.subf %get3A_36, %sub3A_77 : vector<16xf32>
        %mul3A_79 = arith.constant 5.000000e-01 : f32
        %mul3A_80 = vector.broadcast %mul3A_79 : f32 to vector<16xf32>
        %mul3A_81 = arith.mulf %mul3A_80, %sub3A_72 : vector<16xf32>
        %mul3A_82 = arith.mulf %mul3A_81, %sub3A_72 : vector<16xf32>
        %mul3A_83 = arith.mulf %sub3A_75, %sub3A_75 : vector<16xf32>
        %sub3A_84 = arith.constant 7.500000e-01 : f32
        %sub3A_85 = vector.broadcast %sub3A_84 : f32 to vector<16xf32>
        %sub3A_86 = arith.subf %sub3A_85, %mul3A_83 : vector<16xf32>
        %mul3A_87 = arith.constant 5.000000e-01 : f32
        %mul3A_88 = vector.broadcast %mul3A_87 : f32 to vector<16xf32>
        %mul3A_89 = arith.mulf %mul3A_88, %sub3A_78 : vector<16xf32>
        %mul3A_90 = arith.mulf %mul3A_89, %sub3A_78 : vector<16xf32>
        %add3A_91 = arith.constant 0.000000e+00 : f32
        %add3A_92 = vector.broadcast %add3A_91 : f32 to vector<16xf32>
        %add3A_93 = arith.addf %convert_element_type3A, %add3A_92 : vector<16xf32>
        %mul3A_94 = arith.constant 7.812500e-03 : f32
        %mul3A_95 = vector.broadcast %mul3A_94 : f32 to vector<16xf32>
        %mul3A_96 = arith.mulf %add3A_93, %mul3A_95 : vector<16xf32>
        %add3A_97 = arith.constant 1.000000e+00 : f32
        %add3A_98 = vector.broadcast %add3A_97 : f32 to vector<16xf32>
        %add3A_99 = arith.addf %convert_element_type3A, %add3A_98 : vector<16xf32>
        %mul3A_100 = arith.constant 7.812500e-03 : f32
        %mul3A_101 = vector.broadcast %mul3A_100 : f32 to vector<16xf32>
        %mul3A_102 = arith.mulf %add3A_99, %mul3A_101 : vector<16xf32>
        %add3A_103 = arith.constant 2.000000e+00 : f32
        %add3A_104 = vector.broadcast %add3A_103 : f32 to vector<16xf32>
        %add3A_105 = arith.addf %convert_element_type3A, %add3A_104 : vector<16xf32>
        %mul3A_106 = arith.constant 7.812500e-03 : f32
        %mul3A_107 = vector.broadcast %mul3A_106 : f32 to vector<16xf32>
        %mul3A_108 = arith.mulf %add3A_105, %mul3A_107 : vector<16xf32>
        %add3A_109 = arith.constant 0.000000e+00 : f32
        %add3A_110 = vector.broadcast %add3A_109 : f32 to vector<16xf32>
        %add3A_111 = arith.addf %convert_element_type3A_49, %add3A_110 : vector<16xf32>
        %mul3A_112 = arith.constant 7.812500e-03 : f32
        %mul3A_113 = vector.broadcast %mul3A_112 : f32 to vector<16xf32>
        %mul3A_114 = arith.mulf %add3A_111, %mul3A_113 : vector<16xf32>
        %add3A_115 = arith.constant 1.000000e+00 : f32
        %add3A_116 = vector.broadcast %add3A_115 : f32 to vector<16xf32>
        %add3A_117 = arith.addf %convert_element_type3A_49, %add3A_116 : vector<16xf32>
        %mul3A_118 = arith.constant 7.812500e-03 : f32
        %mul3A_119 = vector.broadcast %mul3A_118 : f32 to vector<16xf32>
        %mul3A_120 = arith.mulf %add3A_117, %mul3A_119 : vector<16xf32>
        %add3A_121 = arith.constant 2.000000e+00 : f32
        %add3A_122 = vector.broadcast %add3A_121 : f32 to vector<16xf32>
        %add3A_123 = arith.addf %convert_element_type3A_49, %add3A_122 : vector<16xf32>
        %mul3A_124 = arith.constant 7.812500e-03 : f32
        %mul3A_125 = vector.broadcast %mul3A_124 : f32 to vector<16xf32>
        %mul3A_126 = arith.mulf %add3A_123, %mul3A_125 : vector<16xf32>
        %broadcast_in_dim3A = arith.constant 0.000000e+00 : f32
        %broadcast_in_dim3A_127 = vector.broadcast %broadcast_in_dim3A : f32 to vector<16xf32>
        %mul3A_128 = arith.mulf %mul3A_61, %mul3A_82 : vector<16xf32>
        %add3A_129 = arith.constant 0 : i32
        %add3A_130 = vector.broadcast %add3A_129 : i32 to vector<16xi32>
        %add3A_131 = arith.addi %get3A_28, %add3A_130 : vector<16xi32>
        %gather3A = tpu.vector_load_idx %arg7[%add3A_131] : memref<16384xf32, #tpu.memory_space<vmem>>[vector<16xi32>], vector<16xf32>,
        %gather3A_132 = tpu.vector_load_idx %arg8[%add3A_131] : memref<16384xf32, #tpu.memory_space<vmem>>[vector<16xi32>], vector<16xf32>,
        %mul3A_133 = arith.mulf %mul3A_128, %gather3A : vector<16xf32>
        %mul3A_134 = arith.mulf %mul3A_128, %gather3A_132 : vector<16xf32>
        %add3A_135 = arith.addf %broadcast_in_dim3A_127, %mul3A_133 : vector<16xf32>
        %add3A_136 = arith.addf %broadcast_in_dim3A_127, %mul3A_134 : vector<16xf32>
        %mul3A_137 = arith.mulf %mul3A_133, %mul3A_96 : vector<16xf32>
        %add3A_138 = arith.addf %broadcast_in_dim3A_127, %mul3A_137 : vector<16xf32>
        %mul3A_139 = arith.mulf %mul3A_133, %mul3A_114 : vector<16xf32>
        %add3A_140 = arith.addf %broadcast_in_dim3A_127, %mul3A_139 : vector<16xf32>
        %mul3A_141 = arith.mulf %mul3A_134, %mul3A_96 : vector<16xf32>
        %add3A_142 = arith.addf %broadcast_in_dim3A_127, %mul3A_141 : vector<16xf32>
        %mul3A_143 = arith.mulf %mul3A_134, %mul3A_114 : vector<16xf32>
        %add3A_144 = arith.addf %broadcast_in_dim3A_127, %mul3A_143 : vector<16xf32>
        %mul3A_145 = arith.mulf %mul3A_61, %sub3A_86 : vector<16xf32>
        %add3A_146 = arith.constant 1 : i32
        %add3A_147 = vector.broadcast %add3A_146 : i32 to vector<16xi32>
        %add3A_148 = arith.addi %get3A_28, %add3A_147 : vector<16xi32>
        %gather3A_149 = tpu.vector_load_idx %arg7[%add3A_148] : memref<16384xf32, #tpu.memory_space<vmem>>[vector<16xi32>], vector<16xf32>,
        %gather3A_150 = tpu.vector_load_idx %arg8[%add3A_148] : memref<16384xf32, #tpu.memory_space<vmem>>[vector<16xi32>], vector<16xf32>,
        %mul3A_151 = arith.mulf %mul3A_145, %gather3A_149 : vector<16xf32>
        %mul3A_152 = arith.mulf %mul3A_145, %gather3A_150 : vector<16xf32>
        %add3A_153 = arith.addf %add3A_135, %mul3A_151 : vector<16xf32>
        %add3A_154 = arith.addf %add3A_136, %mul3A_152 : vector<16xf32>
        %mul3A_155 = arith.mulf %mul3A_151, %mul3A_96 : vector<16xf32>
        %add3A_156 = arith.addf %add3A_138, %mul3A_155 : vector<16xf32>
        %mul3A_157 = arith.mulf %mul3A_151, %mul3A_120 : vector<16xf32>
        %add3A_158 = arith.addf %add3A_140, %mul3A_157 : vector<16xf32>
        %mul3A_159 = arith.mulf %mul3A_152, %mul3A_96 : vector<16xf32>
        %add3A_160 = arith.addf %add3A_142, %mul3A_159 : vector<16xf32>
        %mul3A_161 = arith.mulf %mul3A_152, %mul3A_120 : vector<16xf32>
        %add3A_162 = arith.addf %add3A_144, %mul3A_161 : vector<16xf32>
        %mul3A_163 = arith.mulf %mul3A_61, %mul3A_90 : vector<16xf32>
        %add3A_164 = arith.constant 2 : i32
        %add3A_165 = vector.broadcast %add3A_164 : i32 to vector<16xi32>
        %add3A_166 = arith.addi %get3A_28, %add3A_165 : vector<16xi32>
        %gather3A_167 = tpu.vector_load_idx %arg7[%add3A_166] : memref<16384xf32, #tpu.memory_space<vmem>>[vector<16xi32>], vector<16xf32>,
        %gather3A_168 = tpu.vector_load_idx %arg8[%add3A_166] : memref<16384xf32, #tpu.memory_space<vmem>>[vector<16xi32>], vector<16xf32>,
        %mul3A_169 = arith.mulf %mul3A_163, %gather3A_167 : vector<16xf32>
        %mul3A_170 = arith.mulf %mul3A_163, %gather3A_168 : vector<16xf32>
        %add3A_171 = arith.addf %add3A_153, %mul3A_169 : vector<16xf32>
        %add3A_172 = arith.addf %add3A_154, %mul3A_170 : vector<16xf32>
        %mul3A_173 = arith.mulf %mul3A_169, %mul3A_96 : vector<16xf32>
        %add3A_174 = arith.addf %add3A_156, %mul3A_173 : vector<16xf32>
        %mul3A_175 = arith.mulf %mul3A_169, %mul3A_126 : vector<16xf32>
        %add3A_176 = arith.addf %add3A_158, %mul3A_175 : vector<16xf32>
        %mul3A_177 = arith.mulf %mul3A_170, %mul3A_96 : vector<16xf32>
        %add3A_178 = arith.addf %add3A_160, %mul3A_177 : vector<16xf32>
        %mul3A_179 = arith.mulf %mul3A_170, %mul3A_126 : vector<16xf32>
        %add3A_180 = arith.addf %add3A_162, %mul3A_179 : vector<16xf32>
        %mul3A_181 = arith.mulf %sub3A_65, %mul3A_82 : vector<16xf32>
        %add3A_182 = arith.constant 128 : i32
        %add3A_183 = vector.broadcast %add3A_182 : i32 to vector<16xi32>
        %add3A_184 = arith.addi %get3A_28, %add3A_183 : vector<16xi32>
        %gather3A_185 = tpu.vector_load_idx %arg7[%add3A_184] : memref<16384xf32, #tpu.memory_space<vmem>>[vector<16xi32>], vector<16xf32>,
        %gather3A_186 = tpu.vector_load_idx %arg8[%add3A_184] : memref<16384xf32, #tpu.memory_space<vmem>>[vector<16xi32>], vector<16xf32>,
        %mul3A_187 = arith.mulf %mul3A_181, %gather3A_185 : vector<16xf32>
        %mul3A_188 = arith.mulf %mul3A_181, %gather3A_186 : vector<16xf32>
        %add3A_189 = arith.addf %add3A_171, %mul3A_187 : vector<16xf32>
        %add3A_190 = arith.addf %add3A_172, %mul3A_188 : vector<16xf32>
        %mul3A_191 = arith.mulf %mul3A_187, %mul3A_102 : vector<16xf32>
        %add3A_192 = arith.addf %add3A_174, %mul3A_191 : vector<16xf32>
        %mul3A_193 = arith.mulf %mul3A_187, %mul3A_114 : vector<16xf32>
        %add3A_194 = arith.addf %add3A_176, %mul3A_193 : vector<16xf32>
        %mul3A_195 = arith.mulf %mul3A_188, %mul3A_102 : vector<16xf32>
        %add3A_196 = arith.addf %add3A_178, %mul3A_195 : vector<16xf32>
        %mul3A_197 = arith.mulf %mul3A_188, %mul3A_114 : vector<16xf32>
        %add3A_198 = arith.addf %add3A_180, %mul3A_197 : vector<16xf32>
        %mul3A_199 = arith.mulf %sub3A_65, %sub3A_86 : vector<16xf32>
        %add3A_200 = arith.constant 129 : i32
        %add3A_201 = vector.broadcast %add3A_200 : i32 to vector<16xi32>
        %add3A_202 = arith.addi %get3A_28, %add3A_201 : vector<16xi32>
        %gather3A_203 = tpu.vector_load_idx %arg7[%add3A_202] : memref<16384xf32, #tpu.memory_space<vmem>>[vector<16xi32>], vector<16xf32>,
        %gather3A_204 = tpu.vector_load_idx %arg8[%add3A_202] : memref<16384xf32, #tpu.memory_space<vmem>>[vector<16xi32>], vector<16xf32>,
        %mul3A_205 = arith.mulf %mul3A_199, %gather3A_203 : vector<16xf32>
        %mul3A_206 = arith.mulf %mul3A_199, %gather3A_204 : vector<16xf32>
        %add3A_207 = arith.addf %add3A_189, %mul3A_205 : vector<16xf32>
        %add3A_208 = arith.addf %add3A_190, %mul3A_206 : vector<16xf32>
        %mul3A_209 = arith.mulf %mul3A_205, %mul3A_102 : vector<16xf32>
        %add3A_210 = arith.addf %add3A_192, %mul3A_209 : vector<16xf32>
        %mul3A_211 = arith.mulf %mul3A_205, %mul3A_120 : vector<16xf32>
        %add3A_212 = arith.addf %add3A_194, %mul3A_211 : vector<16xf32>
        %mul3A_213 = arith.mulf %mul3A_206, %mul3A_102 : vector<16xf32>
        %add3A_214 = arith.addf %add3A_196, %mul3A_213 : vector<16xf32>
        %mul3A_215 = arith.mulf %mul3A_206, %mul3A_120 : vector<16xf32>
        %add3A_216 = arith.addf %add3A_198, %mul3A_215 : vector<16xf32>
        %mul3A_217 = arith.mulf %sub3A_65, %mul3A_90 : vector<16xf32>
        %add3A_218 = arith.constant 130 : i32
        %add3A_219 = vector.broadcast %add3A_218 : i32 to vector<16xi32>
        %add3A_220 = arith.addi %get3A_28, %add3A_219 : vector<16xi32>
        %gather3A_221 = tpu.vector_load_idx %arg7[%add3A_220] : memref<16384xf32, #tpu.memory_space<vmem>>[vector<16xi32>], vector<16xf32>,
        %gather3A_222 = tpu.vector_load_idx %arg8[%add3A_220] : memref<16384xf32, #tpu.memory_space<vmem>>[vector<16xi32>], vector<16xf32>,
        %mul3A_223 = arith.mulf %mul3A_217, %gather3A_221 : vector<16xf32>
        %mul3A_224 = arith.mulf %mul3A_217, %gather3A_222 : vector<16xf32>
        %add3A_225 = arith.addf %add3A_207, %mul3A_223 : vector<16xf32>
        %add3A_226 = arith.addf %add3A_208, %mul3A_224 : vector<16xf32>
        %mul3A_227 = arith.mulf %mul3A_223, %mul3A_102 : vector<16xf32>
        %add3A_228 = arith.addf %add3A_210, %mul3A_227 : vector<16xf32>
        %mul3A_229 = arith.mulf %mul3A_223, %mul3A_126 : vector<16xf32>
        %add3A_230 = arith.addf %add3A_212, %mul3A_229 : vector<16xf32>
        %mul3A_231 = arith.mulf %mul3A_224, %mul3A_102 : vector<16xf32>
        %add3A_232 = arith.addf %add3A_214, %mul3A_231 : vector<16xf32>
        %mul3A_233 = arith.mulf %mul3A_224, %mul3A_126 : vector<16xf32>
        %add3A_234 = arith.addf %add3A_216, %mul3A_233 : vector<16xf32>
        %mul3A_235 = arith.mulf %mul3A_69, %mul3A_82 : vector<16xf32>
        %add3A_236 = arith.constant 256 : i32
        %add3A_237 = vector.broadcast %add3A_236 : i32 to vector<16xi32>
        %add3A_238 = arith.addi %get3A_28, %add3A_237 : vector<16xi32>
        %gather3A_239 = tpu.vector_load_idx %arg7[%add3A_238] : memref<16384xf32, #tpu.memory_space<vmem>>[vector<16xi32>], vector<16xf32>,
        %gather3A_240 = tpu.vector_load_idx %arg8[%add3A_238] : memref<16384xf32, #tpu.memory_space<vmem>>[vector<16xi32>], vector<16xf32>,
        %mul3A_241 = arith.mulf %mul3A_235, %gather3A_239 : vector<16xf32>
        %mul3A_242 = arith.mulf %mul3A_235, %gather3A_240 : vector<16xf32>
        %add3A_243 = arith.addf %add3A_225, %mul3A_241 : vector<16xf32>
        %add3A_244 = arith.addf %add3A_226, %mul3A_242 : vector<16xf32>
        %mul3A_245 = arith.mulf %mul3A_241, %mul3A_108 : vector<16xf32>
        %add3A_246 = arith.addf %add3A_228, %mul3A_245 : vector<16xf32>
        %mul3A_247 = arith.mulf %mul3A_241, %mul3A_114 : vector<16xf32>
        %add3A_248 = arith.addf %add3A_230, %mul3A_247 : vector<16xf32>
        %mul3A_249 = arith.mulf %mul3A_242, %mul3A_108 : vector<16xf32>
        %add3A_250 = arith.addf %add3A_232, %mul3A_249 : vector<16xf32>
        %mul3A_251 = arith.mulf %mul3A_242, %mul3A_114 : vector<16xf32>
        %add3A_252 = arith.addf %add3A_234, %mul3A_251 : vector<16xf32>
        %mul3A_253 = arith.mulf %mul3A_69, %sub3A_86 : vector<16xf32>
        %add3A_254 = arith.constant 257 : i32
        %add3A_255 = vector.broadcast %add3A_254 : i32 to vector<16xi32>
        %add3A_256 = arith.addi %get3A_28, %add3A_255 : vector<16xi32>
        %gather3A_257 = tpu.vector_load_idx %arg7[%add3A_256] : memref<16384xf32, #tpu.memory_space<vmem>>[vector<16xi32>], vector<16xf32>,
        %gather3A_258 = tpu.vector_load_idx %arg8[%add3A_256] : memref<16384xf32, #tpu.memory_space<vmem>>[vector<16xi32>], vector<16xf32>,
        %mul3A_259 = arith.mulf %mul3A_253, %gather3A_257 : vector<16xf32>
        %mul3A_260 = arith.mulf %mul3A_253, %gather3A_258 : vector<16xf32>
        %add3A_261 = arith.addf %add3A_243, %mul3A_259 : vector<16xf32>
        %add3A_262 = arith.addf %add3A_244, %mul3A_260 : vector<16xf32>
        %mul3A_263 = arith.mulf %mul3A_259, %mul3A_108 : vector<16xf32>
        %add3A_264 = arith.addf %add3A_246, %mul3A_263 : vector<16xf32>
        %mul3A_265 = arith.mulf %mul3A_259, %mul3A_120 : vector<16xf32>
        %add3A_266 = arith.addf %add3A_248, %mul3A_265 : vector<16xf32>
        %mul3A_267 = arith.mulf %mul3A_260, %mul3A_108 : vector<16xf32>
        %add3A_268 = arith.addf %add3A_250, %mul3A_267 : vector<16xf32>
        %mul3A_269 = arith.mulf %mul3A_260, %mul3A_120 : vector<16xf32>
        %add3A_270 = arith.addf %add3A_252, %mul3A_269 : vector<16xf32>
        %mul3A_271 = arith.mulf %mul3A_69, %mul3A_90 : vector<16xf32>
        %add3A_272 = arith.constant 258 : i32
        %add3A_273 = vector.broadcast %add3A_272 : i32 to vector<16xi32>
        %add3A_274 = arith.addi %get3A_28, %add3A_273 : vector<16xi32>
        %gather3A_275 = tpu.vector_load_idx %arg7[%add3A_274] : memref<16384xf32, #tpu.memory_space<vmem>>[vector<16xi32>], vector<16xf32>,
        %gather3A_276 = tpu.vector_load_idx %arg8[%add3A_274] : memref<16384xf32, #tpu.memory_space<vmem>>[vector<16xi32>], vector<16xf32>,
        %mul3A_277 = arith.mulf %mul3A_271, %gather3A_275 : vector<16xf32>
        %mul3A_278 = arith.mulf %mul3A_271, %gather3A_276 : vector<16xf32>
        %add3A_279 = arith.addf %add3A_261, %mul3A_277 : vector<16xf32>
        %add3A_280 = arith.addf %add3A_262, %mul3A_278 : vector<16xf32>
        %mul3A_281 = arith.mulf %mul3A_277, %mul3A_108 : vector<16xf32>
        %add3A_282 = arith.addf %add3A_264, %mul3A_281 : vector<16xf32>
        %mul3A_283 = arith.mulf %mul3A_277, %mul3A_126 : vector<16xf32>
        %add3A_284 = arith.addf %add3A_266, %mul3A_283 : vector<16xf32>
        %mul3A_285 = arith.mulf %mul3A_278, %mul3A_108 : vector<16xf32>
        %add3A_286 = arith.addf %add3A_268, %mul3A_285 : vector<16xf32>
        %mul3A_287 = arith.mulf %mul3A_278, %mul3A_126 : vector<16xf32>
        %add3A_288 = arith.addf %add3A_270, %mul3A_287 : vector<16xf32>
        %mul3A_289 = arith.constant 9.99999974E-5 : f32
        %mul3A_290 = vector.broadcast %mul3A_289 : f32 to vector<16xf32>
        %mul3A_291 = arith.mulf %mul3A_290, %add3A_279 : vector<16xf32>
        %add3A_292 = arith.addf %get3A_40, %mul3A_291 : vector<16xf32>
        %swap3A = arith.constant 0 : i32
        %swap3A_293 = arith.index_cast %swap3A : i32 to index
        %swap3A_294 = arith.index_cast %mul3A_27 : i32 to index
        %swap3A_295 = tpu.vector_load %arg12[%swap3A_293, %swap3A_294] {strides = array<i32>} : memref<8x4096xf32, #tpu.memory_space<vmem>>, vector<16xf32>,
        tpu.vector_store %arg12[%swap3A_293, %swap3A_294], %add3A_292 {strides = array<i32>} : memref<8x4096xf32, #tpu.memory_space<vmem>>, vector<16xf32>,
        %mul3A_296 = arith.constant 9.99999974E-5 : f32
        %mul3A_297 = vector.broadcast %mul3A_296 : f32 to vector<16xf32>
        %mul3A_298 = arith.mulf %mul3A_297, %add3A_280 : vector<16xf32>
        %add3A_299 = arith.addf %get3A_44, %mul3A_298 : vector<16xf32>
        %swap3A_300 = arith.constant 1 : i32
        %swap3A_301 = arith.index_cast %swap3A_300 : i32 to index
        %swap3A_302 = arith.index_cast %mul3A_27 : i32 to index
        %swap3A_303 = tpu.vector_load %arg12[%swap3A_301, %swap3A_302] {strides = array<i32>} : memref<8x4096xf32, #tpu.memory_space<vmem>>, vector<16xf32>,
        tpu.vector_store %arg12[%swap3A_301, %swap3A_302], %add3A_299 {strides = array<i32>} : memref<8x4096xf32, #tpu.memory_space<vmem>>, vector<16xf32>,
        %swap3A_304 = arith.constant 2 : i32
        %swap3A_305 = arith.index_cast %swap3A_304 : i32 to index
        %swap3A_306 = arith.index_cast %mul3A_27 : i32 to index
        %swap3A_307 = tpu.vector_load %arg12[%swap3A_305, %swap3A_306] {strides = array<i32>} : memref<8x4096xf32, #tpu.memory_space<vmem>>, vector<16xf32>,
        tpu.vector_store %arg12[%swap3A_305, %swap3A_306], %add3A_279 {strides = array<i32>} : memref<8x4096xf32, #tpu.memory_space<vmem>>, vector<16xf32>,
        %swap3A_308 = arith.constant 3 : i32
        %swap3A_309 = arith.index_cast %swap3A_308 : i32 to index
        %swap3A_310 = arith.index_cast %mul3A_27 : i32 to index
        %swap3A_311 = tpu.vector_load %arg12[%swap3A_309, %swap3A_310] {strides = array<i32>} : memref<8x4096xf32, #tpu.memory_space<vmem>>, vector<16xf32>,
        tpu.vector_store %arg12[%swap3A_309, %swap3A_310], %add3A_280 {strides = array<i32>} : memref<8x4096xf32, #tpu.memory_space<vmem>>, vector<16xf32>,
        %mul3A_312 = arith.mulf %add3A_279, %get3A_40 : vector<16xf32>
        %sub3A_313 = arith.subf %add3A_282, %mul3A_312 : vector<16xf32>
        %mul3A_314 = arith.constant 6.553600e+04 : f32
        %mul3A_315 = vector.broadcast %mul3A_314 : f32 to vector<16xf32>
        %mul3A_316 = arith.mulf %sub3A_313, %mul3A_315 : vector<16xf32>
        %swap3A_317 = arith.constant 4 : i32
        %swap3A_318 = arith.index_cast %swap3A_317 : i32 to index
        %swap3A_319 = arith.index_cast %mul3A_27 : i32 to index
        %swap3A_320 = tpu.vector_load %arg12[%swap3A_318, %swap3A_319] {strides = array<i32>} : memref<8x4096xf32, #tpu.memory_space<vmem>>, vector<16xf32>,
        tpu.vector_store %arg12[%swap3A_318, %swap3A_319], %mul3A_316 {strides = array<i32>} : memref<8x4096xf32, #tpu.memory_space<vmem>>, vector<16xf32>,
        %mul3A_321 = arith.mulf %add3A_279, %get3A_44 : vector<16xf32>
        %sub3A_322 = arith.subf %add3A_284, %mul3A_321 : vector<16xf32>
        %mul3A_323 = arith.constant 6.553600e+04 : f32
        %mul3A_324 = vector.broadcast %mul3A_323 : f32 to vector<16xf32>
        %mul3A_325 = arith.mulf %sub3A_322, %mul3A_324 : vector<16xf32>
        %swap3A_326 = arith.constant 5 : i32
        %swap3A_327 = arith.index_cast %swap3A_326 : i32 to index
        %swap3A_328 = arith.index_cast %mul3A_27 : i32 to index
        %swap3A_329 = tpu.vector_load %arg12[%swap3A_327, %swap3A_328] {strides = array<i32>} : memref<8x4096xf32, #tpu.memory_space<vmem>>, vector<16xf32>,
        tpu.vector_store %arg12[%swap3A_327, %swap3A_328], %mul3A_325 {strides = array<i32>} : memref<8x4096xf32, #tpu.memory_space<vmem>>, vector<16xf32>,
        %mul3A_330 = arith.mulf %add3A_280, %get3A_40 : vector<16xf32>
        %sub3A_331 = arith.subf %add3A_286, %mul3A_330 : vector<16xf32>
        %mul3A_332 = arith.constant 6.553600e+04 : f32
        %mul3A_333 = vector.broadcast %mul3A_332 : f32 to vector<16xf32>
        %mul3A_334 = arith.mulf %sub3A_331, %mul3A_333 : vector<16xf32>
        %swap3A_335 = arith.constant 6 : i32
        %swap3A_336 = arith.index_cast %swap3A_335 : i32 to index
        %swap3A_337 = arith.index_cast %mul3A_27 : i32 to index
        %swap3A_338 = tpu.vector_load %arg12[%swap3A_336, %swap3A_337] {strides = array<i32>} : memref<8x4096xf32, #tpu.memory_space<vmem>>, vector<16xf32>,
        tpu.vector_store %arg12[%swap3A_336, %swap3A_337], %mul3A_334 {strides = array<i32>} : memref<8x4096xf32, #tpu.memory_space<vmem>>, vector<16xf32>,
        %mul3A_339 = arith.mulf %add3A_280, %get3A_44 : vector<16xf32>
        %sub3A_340 = arith.subf %add3A_288, %mul3A_339 : vector<16xf32>
        %mul3A_341 = arith.constant 6.553600e+04 : f32
        %mul3A_342 = vector.broadcast %mul3A_341 : f32 to vector<16xf32>
        %mul3A_343 = arith.mulf %sub3A_340, %mul3A_342 : vector<16xf32>
        %swap3A_344 = arith.constant 7 : i32
        %swap3A_345 = arith.index_cast %swap3A_344 : i32 to index
        %swap3A_346 = arith.index_cast %mul3A_27 : i32 to index
        %swap3A_347 = tpu.vector_load %arg12[%swap3A_345, %swap3A_346] {strides = array<i32>} : memref<8x4096xf32, #tpu.memory_space<vmem>>, vector<16xf32>,
        tpu.vector_store %arg12[%swap3A_345, %swap3A_346], %mul3A_343 {strides = array<i32>} : memref<8x4096xf32, #tpu.memory_space<vmem>>, vector<16xf32>,
        %scan3A_348 = arith.constant 0 : i32
        scf.yield %scan3A_348 : i32
      }
      %scan3A_22 = arith.constant 256 : i32
      "tpu.region"() ({
        %run_scoped3A_24 = tpu.sem_alloc : memref<!tpu.dma_semaphore, #tpu.memory_space<semaphore_mem>>
        %dma_start3A = arith.constant 0 : i32
        %dma_start3A_25 = tpu.memref_slice %arg6[%dma_start3A, %add3A_14] : memref<8x262144xf32, #tpu.memory_space<hbm>> -> memref<8x4096xf32, #tpu.memory_space<hbm>>
        %dma_start3A_26 = arith.constant 0 : i32
        %dma_start3A_27 = tpu.memref_slice %arg6[%dma_start3A_26, %add3A_14] : memref<8x262144xf32, #tpu.memory_space<hbm>> -> memref<8x4096xf32, #tpu.memory_space<hbm>>
        tpu.enqueue_dma source(%arg12 : memref<8x4096xf32, #tpu.memory_space<vmem>>) target(%dma_start3A_27 : memref<8x4096xf32, #tpu.memory_space<hbm>>) target_semaphore(%run_scoped3A_24 : memref<!tpu.dma_semaphore, #tpu.memory_space<semaphore_mem>>)
        %dma_wait3A = arith.constant 0 : i32
        %dma_wait3A_28 = tpu.memref_slice %arg6[%dma_wait3A, %add3A_14] : memref<8x262144xf32, #tpu.memory_space<hbm>> -> memref<8x4096xf32, #tpu.memory_space<hbm>>
        %dma_wait3A_29 = arith.constant 0 : i32
        %dma_wait3A_30 = tpu.memref_slice %arg6[%dma_wait3A_29, %add3A_14] : memref<8x262144xf32, #tpu.memory_space<hbm>> -> memref<8x4096xf32, #tpu.memory_space<hbm>>
        tpu.wait_dma2 semaphore(%run_scoped3A_24 : memref<!tpu.dma_semaphore, #tpu.memory_space<semaphore_mem>>) src(%arg12 : memref<8x4096xf32, #tpu.memory_space<vmem>>) dst(%dma_wait3A_30 : memref<8x4096xf32, #tpu.memory_space<hbm>>)
        tpu.yield
      }) : () -> ()
      %scan3A_23 = arith.constant 0 : i32
      scf.yield %scan3A_23 : i32
    }
    %scan3A_9 = arith.constant 2 : i32
    return
  }
}

#map = affine_map<(d0, d1) -> (0, 0)>
module attributes {stable_mosaic.version = 14 : i64} {
  func.func @k(%arg0: i32, %arg1: i32, %arg2: memref<8x262144xf32, #tpu.memory_space<hbm>>, %arg3: memref<1x262144xi32, #tpu.memory_space<hbm>>, %arg4: memref<32x114688xf32, #tpu.memory_space<hbm>>, %arg5: memref<114688xf32, #tpu.memory_space<vmem>>, %arg6: memref<8x1024xf32, #tpu.memory_space<vmem>>, %arg7: memref<1024xi32, #tpu.memory_space<vmem>>, %arg8: memref<4096xi32, #tpu.memory_space<vmem>>) attributes {dimension_semantics = [#tpu.dimension_semantics<core_parallel>, #tpu.dimension_semantics<subcore_parallel>], iteration_bounds = array<i64: 2, 16>, scalar_prefetch = 0 : i64, scratch_operands = 4 : i64, tpu.core_type = #tpu.core_type<sc_vector_subcore>, window_params = [{transform_indices = #map}, {transform_indices = #map}, {transform_indices = #map}]} {
    %mul3A = arith.constant 2 : i32
    %mul3A_0 = arith.muli %arg1, %mul3A : i32
    %add3A = arith.addi %mul3A_0, %arg0 : i32
    %mul3A_1 = arith.constant 8192 : i32
    %mul3A_2 = arith.muli %add3A, %mul3A_1 : i32
    %scan3A = arith.constant 0 : i32
    %scan3A_3 = arith.constant 0 : i32
    %scan3A_4 = arith.constant 7168 : i32
    %scan3A_5 = arith.addi %scan3A_3, %scan3A_4 : i32
    %scan3A_6 = arith.constant 1 : i32
    %scan3A_7 = scf.for %scan3A_16 = %scan3A_3 to %scan3A_5 step %scan3A_6 iter_args(%scan3A_17 = %scan3A) -> (i32)  : i32 {
      %broadcast_in_dim3A = arith.constant 0.000000e+00 : f32
      %broadcast_in_dim3A_18 = vector.broadcast %broadcast_in_dim3A : f32 to vector<16xf32>
      %mul3A_19 = arith.constant 16 : i32
      %mul3A_20 = arith.muli %scan3A_16, %mul3A_19 : i32
      %swap3A = arith.index_cast %mul3A_20 : i32 to index
      %swap3A_21 = tpu.vector_load %arg5[%swap3A] {strides = array<i32>} : memref<114688xf32, #tpu.memory_space<vmem>>, vector<16xf32>,
      tpu.vector_store %arg5[%swap3A], %broadcast_in_dim3A_18 {strides = array<i32>} : memref<114688xf32, #tpu.memory_space<vmem>>, vector<16xf32>,
      %scan3A_22 = arith.constant 0 : i32
      scf.yield %scan3A_22 : i32
    }
    %scan3A_8 = arith.constant 7168 : i32
    %scan3A_9 = arith.constant 0 : i32
    %scan3A_10 = arith.constant 0 : i32
    %scan3A_11 = arith.constant 8 : i32
    %scan3A_12 = arith.addi %scan3A_10, %scan3A_11 : i32
    %scan3A_13 = arith.constant 1 : i32
    %scan3A_14 = scf.for %scan3A_16 = %scan3A_10 to %scan3A_12 step %scan3A_13 iter_args(%scan3A_17 = %scan3A_9) -> (i32)  : i32 {
      %mul3A_18 = arith.constant 1024 : i32
      %mul3A_19 = arith.muli %scan3A_16, %mul3A_18 : i32
      %add3A_20 = arith.addi %mul3A_2, %mul3A_19 : i32
      "tpu.region"() ({
        %run_scoped3A_29 = tpu.sem_alloc : memref<!tpu.dma_semaphore, #tpu.memory_space<semaphore_mem>>
        %dma_start3A = arith.constant 0 : i32
        %dma_start3A_30 = tpu.memref_slice %arg2[%dma_start3A, %add3A_20] : memref<8x262144xf32, #tpu.memory_space<hbm>> -> memref<8x1024xf32, #tpu.memory_space<hbm>>
        %dma_start3A_31 = arith.constant 0 : i32
        %dma_start3A_32 = tpu.memref_slice %arg2[%dma_start3A_31, %add3A_20] : memref<8x262144xf32, #tpu.memory_space<hbm>> -> memref<8x1024xf32, #tpu.memory_space<hbm>>
        tpu.enqueue_dma source(%dma_start3A_32 : memref<8x1024xf32, #tpu.memory_space<hbm>>) target(%arg6 : memref<8x1024xf32, #tpu.memory_space<vmem>>) target_semaphore(%run_scoped3A_29 : memref<!tpu.dma_semaphore, #tpu.memory_space<semaphore_mem>>)
        %dma_wait3A = arith.constant 0 : i32
        %dma_wait3A_33 = tpu.memref_slice %arg2[%dma_wait3A, %add3A_20] : memref<8x262144xf32, #tpu.memory_space<hbm>> -> memref<8x1024xf32, #tpu.memory_space<hbm>>
        %dma_wait3A_34 = arith.constant 0 : i32
        %dma_wait3A_35 = tpu.memref_slice %arg2[%dma_wait3A_34, %add3A_20] : memref<8x262144xf32, #tpu.memory_space<hbm>> -> memref<8x1024xf32, #tpu.memory_space<hbm>>
        tpu.wait_dma2 semaphore(%run_scoped3A_29 : memref<!tpu.dma_semaphore, #tpu.memory_space<semaphore_mem>>) src(%dma_wait3A_35 : memref<8x1024xf32, #tpu.memory_space<hbm>>) dst(%arg6 : memref<8x1024xf32, #tpu.memory_space<vmem>>)
        tpu.yield
      }) : () -> ()
      %run_scoped3A = arith.constant 0 : i32
      "tpu.region"() ({
        %run_scoped3A_29 = tpu.sem_alloc : memref<!tpu.dma_semaphore, #tpu.memory_space<semaphore_mem>>
        %dma_start3A = tpu.memref_slice %arg3[%run_scoped3A, %add3A_20] : memref<1x262144xi32, #tpu.memory_space<hbm>> -> memref<1x1024xi32, #tpu.memory_space<hbm>>
        %dma_start3A_30 = tpu.memref_squeeze %dma_start3A : memref<1x1024xi32, #tpu.memory_space<hbm>> -> memref<1024xi32, #tpu.memory_space<hbm>>
        %dma_start3A_31 = tpu.memref_slice %arg3[%run_scoped3A, %add3A_20] : memref<1x262144xi32, #tpu.memory_space<hbm>> -> memref<1x1024xi32, #tpu.memory_space<hbm>>
        %dma_start3A_32 = tpu.memref_squeeze %dma_start3A_31 : memref<1x1024xi32, #tpu.memory_space<hbm>> -> memref<1024xi32, #tpu.memory_space<hbm>>
        tpu.enqueue_dma source(%dma_start3A_32 : memref<1024xi32, #tpu.memory_space<hbm>>) target(%arg7 : memref<1024xi32, #tpu.memory_space<vmem>>) target_semaphore(%run_scoped3A_29 : memref<!tpu.dma_semaphore, #tpu.memory_space<semaphore_mem>>)
        %dma_wait3A = tpu.memref_slice %arg3[%run_scoped3A, %add3A_20] : memref<1x262144xi32, #tpu.memory_space<hbm>> -> memref<1x1024xi32, #tpu.memory_space<hbm>>
        %dma_wait3A_33 = tpu.memref_squeeze %dma_wait3A : memref<1x1024xi32, #tpu.memory_space<hbm>> -> memref<1024xi32, #tpu.memory_space<hbm>>
        %dma_wait3A_34 = tpu.memref_slice %arg3[%run_scoped3A, %add3A_20] : memref<1x262144xi32, #tpu.memory_space<hbm>> -> memref<1x1024xi32, #tpu.memory_space<hbm>>
        %dma_wait3A_35 = tpu.memref_squeeze %dma_wait3A_34 : memref<1x1024xi32, #tpu.memory_space<hbm>> -> memref<1024xi32, #tpu.memory_space<hbm>>
        tpu.wait_dma2 semaphore(%run_scoped3A_29 : memref<!tpu.dma_semaphore, #tpu.memory_space<semaphore_mem>>) src(%dma_wait3A_35 : memref<1024xi32, #tpu.memory_space<hbm>>) dst(%arg7 : memref<1024xi32, #tpu.memory_space<vmem>>)
        tpu.yield
      }) : () -> ()
      %scan3A_21 = arith.constant 0 : i32
      %scan3A_22 = arith.constant 0 : i32
      %scan3A_23 = arith.constant 64 : i32
      %scan3A_24 = arith.addi %scan3A_22, %scan3A_23 : i32
      %scan3A_25 = arith.constant 1 : i32
      %scan3A_26 = scf.for %scan3A_29 = %scan3A_22 to %scan3A_24 step %scan3A_25 iter_args(%scan3A_30 = %scan3A_21) -> (i32)  : i32 {
        %mul3A_31 = arith.constant 16 : i32
        %mul3A_32 = arith.muli %scan3A_29, %mul3A_31 : i32
        %get3A = arith.index_cast %mul3A_32 : i32 to index
        %get3A_33 = tpu.vector_load %arg7[%get3A] {strides = array<i32>} : memref<1024xi32, #tpu.memory_space<vmem>>, vector<16xi32>,
        %get3A_34 = arith.constant 0 : i32
        %get3A_35 = arith.index_cast %get3A_34 : i32 to index
        %get3A_36 = arith.index_cast %mul3A_32 : i32 to index
        %get3A_37 = tpu.vector_load %arg6[%get3A_35, %get3A_36] {strides = array<i32>} : memref<8x1024xf32, #tpu.memory_space<vmem>>, vector<16xf32>,
        %get3A_38 = arith.constant 1 : i32
        %get3A_39 = arith.index_cast %get3A_38 : i32 to index
        %get3A_40 = arith.index_cast %mul3A_32 : i32 to index
        %get3A_41 = tpu.vector_load %arg6[%get3A_39, %get3A_40] {strides = array<i32>} : memref<8x1024xf32, #tpu.memory_space<vmem>>, vector<16xf32>,
        %get3A_42 = arith.constant 2 : i32
        %get3A_43 = arith.index_cast %get3A_42 : i32 to index
        %get3A_44 = arith.index_cast %mul3A_32 : i32 to index
        %get3A_45 = tpu.vector_load %arg6[%get3A_43, %get3A_44] {strides = array<i32>} : memref<8x1024xf32, #tpu.memory_space<vmem>>, vector<16xf32>,
        %get3A_46 = arith.constant 3 : i32
        %get3A_47 = arith.index_cast %get3A_46 : i32 to index
        %get3A_48 = arith.index_cast %mul3A_32 : i32 to index
        %get3A_49 = tpu.vector_load %arg6[%get3A_47, %get3A_48] {strides = array<i32>} : memref<8x1024xf32, #tpu.memory_space<vmem>>, vector<16xf32>,
        %get3A_50 = arith.constant 4 : i32
        %get3A_51 = arith.index_cast %get3A_50 : i32 to index
        %get3A_52 = arith.index_cast %mul3A_32 : i32 to index
        %get3A_53 = tpu.vector_load %arg6[%get3A_51, %get3A_52] {strides = array<i32>} : memref<8x1024xf32, #tpu.memory_space<vmem>>, vector<16xf32>,
        %get3A_54 = arith.constant 5 : i32
        %get3A_55 = arith.index_cast %get3A_54 : i32 to index
        %get3A_56 = arith.index_cast %mul3A_32 : i32 to index
        %get3A_57 = tpu.vector_load %arg6[%get3A_55, %get3A_56] {strides = array<i32>} : memref<8x1024xf32, #tpu.memory_space<vmem>>, vector<16xf32>,
        %get3A_58 = arith.constant 6 : i32
        %get3A_59 = arith.index_cast %get3A_58 : i32 to index
        %get3A_60 = arith.index_cast %mul3A_32 : i32 to index
        %get3A_61 = tpu.vector_load %arg6[%get3A_59, %get3A_60] {strides = array<i32>} : memref<8x1024xf32, #tpu.memory_space<vmem>>, vector<16xf32>,
        %get3A_62 = arith.constant 7 : i32
        %get3A_63 = arith.index_cast %get3A_62 : i32 to index
        %get3A_64 = arith.index_cast %mul3A_32 : i32 to index
        %get3A_65 = tpu.vector_load %arg6[%get3A_63, %get3A_64] {strides = array<i32>} : memref<8x1024xf32, #tpu.memory_space<vmem>>, vector<16xf32>,
        %sub3A = arith.constant 1.500000e+00 : f32
        %sub3A_66 = vector.broadcast %sub3A : f32 to vector<16xf32>
        %sub3A_67 = arith.subf %sub3A_66, %get3A_37 : vector<16xf32>
        %sub3A_68 = arith.constant 1.000000e+00 : f32
        %sub3A_69 = vector.broadcast %sub3A_68 : f32 to vector<16xf32>
        %sub3A_70 = arith.subf %get3A_37, %sub3A_69 : vector<16xf32>
        %sub3A_71 = arith.constant 5.000000e-01 : f32
        %sub3A_72 = vector.broadcast %sub3A_71 : f32 to vector<16xf32>
        %sub3A_73 = arith.subf %get3A_37, %sub3A_72 : vector<16xf32>
        %mul3A_74 = arith.constant 5.000000e-01 : f32
        %mul3A_75 = vector.broadcast %mul3A_74 : f32 to vector<16xf32>
        %mul3A_76 = arith.mulf %mul3A_75, %sub3A_67 : vector<16xf32>
        %mul3A_77 = arith.mulf %mul3A_76, %sub3A_67 : vector<16xf32>
        %mul3A_78 = arith.mulf %sub3A_70, %sub3A_70 : vector<16xf32>
        %sub3A_79 = arith.constant 7.500000e-01 : f32
        %sub3A_80 = vector.broadcast %sub3A_79 : f32 to vector<16xf32>
        %sub3A_81 = arith.subf %sub3A_80, %mul3A_78 : vector<16xf32>
        %mul3A_82 = arith.constant 5.000000e-01 : f32
        %mul3A_83 = vector.broadcast %mul3A_82 : f32 to vector<16xf32>
        %mul3A_84 = arith.mulf %mul3A_83, %sub3A_73 : vector<16xf32>
        %mul3A_85 = arith.mulf %mul3A_84, %sub3A_73 : vector<16xf32>
        %sub3A_86 = arith.constant 1.500000e+00 : f32
        %sub3A_87 = vector.broadcast %sub3A_86 : f32 to vector<16xf32>
        %sub3A_88 = arith.subf %sub3A_87, %get3A_41 : vector<16xf32>
        %sub3A_89 = arith.constant 1.000000e+00 : f32
        %sub3A_90 = vector.broadcast %sub3A_89 : f32 to vector<16xf32>
        %sub3A_91 = arith.subf %get3A_41, %sub3A_90 : vector<16xf32>
        %sub3A_92 = arith.constant 5.000000e-01 : f32
        %sub3A_93 = vector.broadcast %sub3A_92 : f32 to vector<16xf32>
        %sub3A_94 = arith.subf %get3A_41, %sub3A_93 : vector<16xf32>
        %mul3A_95 = arith.constant 5.000000e-01 : f32
        %mul3A_96 = vector.broadcast %mul3A_95 : f32 to vector<16xf32>
        %mul3A_97 = arith.mulf %mul3A_96, %sub3A_88 : vector<16xf32>
        %mul3A_98 = arith.mulf %mul3A_97, %sub3A_88 : vector<16xf32>
        %mul3A_99 = arith.mulf %sub3A_91, %sub3A_91 : vector<16xf32>
        %sub3A_100 = arith.constant 7.500000e-01 : f32
        %sub3A_101 = vector.broadcast %sub3A_100 : f32 to vector<16xf32>
        %sub3A_102 = arith.subf %sub3A_101, %mul3A_99 : vector<16xf32>
        %mul3A_103 = arith.constant 5.000000e-01 : f32
        %mul3A_104 = vector.broadcast %mul3A_103 : f32 to vector<16xf32>
        %mul3A_105 = arith.mulf %mul3A_104, %sub3A_94 : vector<16xf32>
        %mul3A_106 = arith.mulf %mul3A_105, %sub3A_94 : vector<16xf32>
        %iota3A = tpu.iota {dimensions = array<i32: 0>} : vector<16xi32>
        %and3A = arith.constant 4095 : i32
        %and3A_107 = vector.broadcast %and3A : i32 to vector<16xi32>
        %and3A_108 = arith.andi %get3A_33, %and3A_107 : vector<16xi32>
        %ge3A = arith.constant 0 : i32
        %ge3A_109 = vector.broadcast %ge3A : i32 to vector<16xi32>
        %ge3A_110 = arith.cmpi sge, %iota3A, %ge3A_109 : vector<16xi32>
        %while3A = scf.while (%while3A_112 = %ge3A_110) : (vector<16xi1>) -> vector<16xi1> {
          %reduce_or3A = arith.constant 1.000000e+00 : f32
          %reduce_or3A_113 = arith.constant 0.000000e+00 : f32
          %reduce_or3A_114 = vector.broadcast %reduce_or3A : f32 to vector<16xf32>
          %reduce_or3A_115 = vector.broadcast %reduce_or3A_113 : f32 to vector<16xf32>
          %reduce_or3A_116 = arith.select %while3A_112, %reduce_or3A_114, %reduce_or3A_115 : vector<16xi1>, vector<16xf32>
          %reduce_or3A_117 = arith.constant true
          %reduce_or3A_118 = vector.broadcast %reduce_or3A_117 : i1 to vector<16xi1>
          %reduce_or3A_119 = tpu.scan <max>, %reduce_or3A_116 masked %reduce_or3A_118 : vector<16xf32>, vector<16xi1> -> vector<16xf32>
          %reduce_or3A_120 = vector.extract %reduce_or3A_119[15] : f32 from vector<16xf32>
          %reduce_or3A_121 = arith.constant 0.000000e+00 : f32
          %reduce_or3A_122 = arith.cmpf ogt, %reduce_or3A_120, %reduce_or3A_121 : f32
          scf.condition(%reduce_or3A_122) %while3A_112 : vector<16xi1>
        } do {
        ^bb0(%while3A_112: vector<16xi1>):
          tpu.vector_store_idx %arg8[%and3A_108], %iota3A masked %while3A_112 : memref<4096xi32, #tpu.memory_space<vmem>>[vector<16xi32>], vector<16xi32>, vector<16xi1>
          %gather3A = tpu.vector_load_idx %arg8[%and3A_108] masked %while3A_112 : memref<4096xi32, #tpu.memory_space<vmem>>[vector<16xi32>], vector<16xi32>, vector<16xi1>
          %eq3A = arith.cmpi eq, %gather3A, %iota3A : vector<16xi32>
          %and3A_113 = arith.andi %eq3A, %while3A_112 : vector<16xi1>
          %mul3A_114 = arith.mulf %mul3A_77, %mul3A_98 : vector<16xf32>
          %add3A_115 = arith.constant 0 : i32
          %add3A_116 = vector.broadcast %add3A_115 : i32 to vector<16xi32>
          %add3A_117 = arith.addi %get3A_33, %add3A_116 : vector<16xi32>
          %mul3A_118 = arith.constant 1.52587891E-5 : f32
          %mul3A_119 = vector.broadcast %mul3A_118 : f32 to vector<16xf32>
          %mul3A_120 = arith.mulf %mul3A_114, %mul3A_119 : vector<16xf32>
          tpu.vector_store_idx %arg5[%add3A_117], %mul3A_120 masked %and3A_113 {add = true} : memref<114688xf32, #tpu.memory_space<vmem>>[vector<16xi32>], vector<16xf32>, vector<16xi1>
          %add3A_121 = arith.constant 16384 : i32
          %add3A_122 = vector.broadcast %add3A_121 : i32 to vector<16xi32>
          %add3A_123 = arith.addi %add3A_117, %add3A_122 : vector<16xi32>
          %mul3A_124 = arith.mulf %mul3A_114, %get3A_45 : vector<16xf32>
          tpu.vector_store_idx %arg5[%add3A_123], %mul3A_124 masked %and3A_113 {add = true} : memref<114688xf32, #tpu.memory_space<vmem>>[vector<16xi32>], vector<16xf32>, vector<16xi1>
          %add3A_125 = arith.constant 32768 : i32
          %add3A_126 = vector.broadcast %add3A_125 : i32 to vector<16xi32>
          %add3A_127 = arith.addi %add3A_117, %add3A_126 : vector<16xi32>
          %mul3A_128 = arith.mulf %mul3A_114, %get3A_49 : vector<16xf32>
          tpu.vector_store_idx %arg5[%add3A_127], %mul3A_128 masked %and3A_113 {add = true} : memref<114688xf32, #tpu.memory_space<vmem>>[vector<16xi32>], vector<16xf32>, vector<16xi1>
          %add3A_129 = arith.constant 49152 : i32
          %add3A_130 = vector.broadcast %add3A_129 : i32 to vector<16xi32>
          %add3A_131 = arith.addi %add3A_117, %add3A_130 : vector<16xi32>
          %mul3A_132 = arith.mulf %mul3A_114, %get3A_53 : vector<16xf32>
          tpu.vector_store_idx %arg5[%add3A_131], %mul3A_132 masked %and3A_113 {add = true} : memref<114688xf32, #tpu.memory_space<vmem>>[vector<16xi32>], vector<16xf32>, vector<16xi1>
          %add3A_133 = arith.constant 65536 : i32
          %add3A_134 = vector.broadcast %add3A_133 : i32 to vector<16xi32>
          %add3A_135 = arith.addi %add3A_117, %add3A_134 : vector<16xi32>
          %mul3A_136 = arith.mulf %mul3A_114, %get3A_57 : vector<16xf32>
          tpu.vector_store_idx %arg5[%add3A_135], %mul3A_136 masked %and3A_113 {add = true} : memref<114688xf32, #tpu.memory_space<vmem>>[vector<16xi32>], vector<16xf32>, vector<16xi1>
          %add3A_137 = arith.constant 81920 : i32
          %add3A_138 = vector.broadcast %add3A_137 : i32 to vector<16xi32>
          %add3A_139 = arith.addi %add3A_117, %add3A_138 : vector<16xi32>
          %mul3A_140 = arith.mulf %mul3A_114, %get3A_61 : vector<16xf32>
          tpu.vector_store_idx %arg5[%add3A_139], %mul3A_140 masked %and3A_113 {add = true} : memref<114688xf32, #tpu.memory_space<vmem>>[vector<16xi32>], vector<16xf32>, vector<16xi1>
          %add3A_141 = arith.constant 98304 : i32
          %add3A_142 = vector.broadcast %add3A_141 : i32 to vector<16xi32>
          %add3A_143 = arith.addi %add3A_117, %add3A_142 : vector<16xi32>
          %mul3A_144 = arith.mulf %mul3A_114, %get3A_65 : vector<16xf32>
          tpu.vector_store_idx %arg5[%add3A_143], %mul3A_144 masked %and3A_113 {add = true} : memref<114688xf32, #tpu.memory_space<vmem>>[vector<16xi32>], vector<16xf32>, vector<16xi1>
          %mul3A_145 = arith.mulf %mul3A_77, %sub3A_102 : vector<16xf32>
          %add3A_146 = arith.constant 1 : i32
          %add3A_147 = vector.broadcast %add3A_146 : i32 to vector<16xi32>
          %add3A_148 = arith.addi %get3A_33, %add3A_147 : vector<16xi32>
          %mul3A_149 = arith.constant 1.52587891E-5 : f32
          %mul3A_150 = vector.broadcast %mul3A_149 : f32 to vector<16xf32>
          %mul3A_151 = arith.mulf %mul3A_145, %mul3A_150 : vector<16xf32>
          tpu.vector_store_idx %arg5[%add3A_148], %mul3A_151 masked %and3A_113 {add = true} : memref<114688xf32, #tpu.memory_space<vmem>>[vector<16xi32>], vector<16xf32>, vector<16xi1>
          %add3A_152 = arith.constant 16384 : i32
          %add3A_153 = vector.broadcast %add3A_152 : i32 to vector<16xi32>
          %add3A_154 = arith.addi %add3A_148, %add3A_153 : vector<16xi32>
          %mul3A_155 = arith.mulf %mul3A_145, %get3A_45 : vector<16xf32>
          tpu.vector_store_idx %arg5[%add3A_154], %mul3A_155 masked %and3A_113 {add = true} : memref<114688xf32, #tpu.memory_space<vmem>>[vector<16xi32>], vector<16xf32>, vector<16xi1>
          %add3A_156 = arith.constant 32768 : i32
          %add3A_157 = vector.broadcast %add3A_156 : i32 to vector<16xi32>
          %add3A_158 = arith.addi %add3A_148, %add3A_157 : vector<16xi32>
          %mul3A_159 = arith.mulf %mul3A_145, %get3A_49 : vector<16xf32>
          tpu.vector_store_idx %arg5[%add3A_158], %mul3A_159 masked %and3A_113 {add = true} : memref<114688xf32, #tpu.memory_space<vmem>>[vector<16xi32>], vector<16xf32>, vector<16xi1>
          %add3A_160 = arith.constant 49152 : i32
          %add3A_161 = vector.broadcast %add3A_160 : i32 to vector<16xi32>
          %add3A_162 = arith.addi %add3A_148, %add3A_161 : vector<16xi32>
          %mul3A_163 = arith.mulf %mul3A_145, %get3A_53 : vector<16xf32>
          tpu.vector_store_idx %arg5[%add3A_162], %mul3A_163 masked %and3A_113 {add = true} : memref<114688xf32, #tpu.memory_space<vmem>>[vector<16xi32>], vector<16xf32>, vector<16xi1>
          %add3A_164 = arith.constant 65536 : i32
          %add3A_165 = vector.broadcast %add3A_164 : i32 to vector<16xi32>
          %add3A_166 = arith.addi %add3A_148, %add3A_165 : vector<16xi32>
          %mul3A_167 = arith.mulf %mul3A_145, %get3A_57 : vector<16xf32>
          tpu.vector_store_idx %arg5[%add3A_166], %mul3A_167 masked %and3A_113 {add = true} : memref<114688xf32, #tpu.memory_space<vmem>>[vector<16xi32>], vector<16xf32>, vector<16xi1>
          %add3A_168 = arith.constant 81920 : i32
          %add3A_169 = vector.broadcast %add3A_168 : i32 to vector<16xi32>
          %add3A_170 = arith.addi %add3A_148, %add3A_169 : vector<16xi32>
          %mul3A_171 = arith.mulf %mul3A_145, %get3A_61 : vector<16xf32>
          tpu.vector_store_idx %arg5[%add3A_170], %mul3A_171 masked %and3A_113 {add = true} : memref<114688xf32, #tpu.memory_space<vmem>>[vector<16xi32>], vector<16xf32>, vector<16xi1>
          %add3A_172 = arith.constant 98304 : i32
          %add3A_173 = vector.broadcast %add3A_172 : i32 to vector<16xi32>
          %add3A_174 = arith.addi %add3A_148, %add3A_173 : vector<16xi32>
          %mul3A_175 = arith.mulf %mul3A_145, %get3A_65 : vector<16xf32>
          tpu.vector_store_idx %arg5[%add3A_174], %mul3A_175 masked %and3A_113 {add = true} : memref<114688xf32, #tpu.memory_space<vmem>>[vector<16xi32>], vector<16xf32>, vector<16xi1>
          %mul3A_176 = arith.mulf %mul3A_77, %mul3A_106 : vector<16xf32>
          %add3A_177 = arith.constant 2 : i32
          %add3A_178 = vector.broadcast %add3A_177 : i32 to vector<16xi32>
          %add3A_179 = arith.addi %get3A_33, %add3A_178 : vector<16xi32>
          %mul3A_180 = arith.constant 1.52587891E-5 : f32
          %mul3A_181 = vector.broadcast %mul3A_180 : f32 to vector<16xf32>
          %mul3A_182 = arith.mulf %mul3A_176, %mul3A_181 : vector<16xf32>
          tpu.vector_store_idx %arg5[%add3A_179], %mul3A_182 masked %and3A_113 {add = true} : memref<114688xf32, #tpu.memory_space<vmem>>[vector<16xi32>], vector<16xf32>, vector<16xi1>
          %add3A_183 = arith.constant 16384 : i32
          %add3A_184 = vector.broadcast %add3A_183 : i32 to vector<16xi32>
          %add3A_185 = arith.addi %add3A_179, %add3A_184 : vector<16xi32>
          %mul3A_186 = arith.mulf %mul3A_176, %get3A_45 : vector<16xf32>
          tpu.vector_store_idx %arg5[%add3A_185], %mul3A_186 masked %and3A_113 {add = true} : memref<114688xf32, #tpu.memory_space<vmem>>[vector<16xi32>], vector<16xf32>, vector<16xi1>
          %add3A_187 = arith.constant 32768 : i32
          %add3A_188 = vector.broadcast %add3A_187 : i32 to vector<16xi32>
          %add3A_189 = arith.addi %add3A_179, %add3A_188 : vector<16xi32>
          %mul3A_190 = arith.mulf %mul3A_176, %get3A_49 : vector<16xf32>
          tpu.vector_store_idx %arg5[%add3A_189], %mul3A_190 masked %and3A_113 {add = true} : memref<114688xf32, #tpu.memory_space<vmem>>[vector<16xi32>], vector<16xf32>, vector<16xi1>
          %add3A_191 = arith.constant 49152 : i32
          %add3A_192 = vector.broadcast %add3A_191 : i32 to vector<16xi32>
          %add3A_193 = arith.addi %add3A_179, %add3A_192 : vector<16xi32>
          %mul3A_194 = arith.mulf %mul3A_176, %get3A_53 : vector<16xf32>
          tpu.vector_store_idx %arg5[%add3A_193], %mul3A_194 masked %and3A_113 {add = true} : memref<114688xf32, #tpu.memory_space<vmem>>[vector<16xi32>], vector<16xf32>, vector<16xi1>
          %add3A_195 = arith.constant 65536 : i32
          %add3A_196 = vector.broadcast %add3A_195 : i32 to vector<16xi32>
          %add3A_197 = arith.addi %add3A_179, %add3A_196 : vector<16xi32>
          %mul3A_198 = arith.mulf %mul3A_176, %get3A_57 : vector<16xf32>
          tpu.vector_store_idx %arg5[%add3A_197], %mul3A_198 masked %and3A_113 {add = true} : memref<114688xf32, #tpu.memory_space<vmem>>[vector<16xi32>], vector<16xf32>, vector<16xi1>
          %add3A_199 = arith.constant 81920 : i32
          %add3A_200 = vector.broadcast %add3A_199 : i32 to vector<16xi32>
          %add3A_201 = arith.addi %add3A_179, %add3A_200 : vector<16xi32>
          %mul3A_202 = arith.mulf %mul3A_176, %get3A_61 : vector<16xf32>
          tpu.vector_store_idx %arg5[%add3A_201], %mul3A_202 masked %and3A_113 {add = true} : memref<114688xf32, #tpu.memory_space<vmem>>[vector<16xi32>], vector<16xf32>, vector<16xi1>
          %add3A_203 = arith.constant 98304 : i32
          %add3A_204 = vector.broadcast %add3A_203 : i32 to vector<16xi32>
          %add3A_205 = arith.addi %add3A_179, %add3A_204 : vector<16xi32>
          %mul3A_206 = arith.mulf %mul3A_176, %get3A_65 : vector<16xf32>
          tpu.vector_store_idx %arg5[%add3A_205], %mul3A_206 masked %and3A_113 {add = true} : memref<114688xf32, #tpu.memory_space<vmem>>[vector<16xi32>], vector<16xf32>, vector<16xi1>
          %mul3A_207 = arith.mulf %sub3A_81, %mul3A_98 : vector<16xf32>
          %add3A_208 = arith.constant 128 : i32
          %add3A_209 = vector.broadcast %add3A_208 : i32 to vector<16xi32>
          %add3A_210 = arith.addi %get3A_33, %add3A_209 : vector<16xi32>
          %mul3A_211 = arith.constant 1.52587891E-5 : f32
          %mul3A_212 = vector.broadcast %mul3A_211 : f32 to vector<16xf32>
          %mul3A_213 = arith.mulf %mul3A_207, %mul3A_212 : vector<16xf32>
          tpu.vector_store_idx %arg5[%add3A_210], %mul3A_213 masked %and3A_113 {add = true} : memref<114688xf32, #tpu.memory_space<vmem>>[vector<16xi32>], vector<16xf32>, vector<16xi1>
          %add3A_214 = arith.constant 16384 : i32
          %add3A_215 = vector.broadcast %add3A_214 : i32 to vector<16xi32>
          %add3A_216 = arith.addi %add3A_210, %add3A_215 : vector<16xi32>
          %mul3A_217 = arith.mulf %mul3A_207, %get3A_45 : vector<16xf32>
          tpu.vector_store_idx %arg5[%add3A_216], %mul3A_217 masked %and3A_113 {add = true} : memref<114688xf32, #tpu.memory_space<vmem>>[vector<16xi32>], vector<16xf32>, vector<16xi1>
          %add3A_218 = arith.constant 32768 : i32
          %add3A_219 = vector.broadcast %add3A_218 : i32 to vector<16xi32>
          %add3A_220 = arith.addi %add3A_210, %add3A_219 : vector<16xi32>
          %mul3A_221 = arith.mulf %mul3A_207, %get3A_49 : vector<16xf32>
          tpu.vector_store_idx %arg5[%add3A_220], %mul3A_221 masked %and3A_113 {add = true} : memref<114688xf32, #tpu.memory_space<vmem>>[vector<16xi32>], vector<16xf32>, vector<16xi1>
          %add3A_222 = arith.constant 49152 : i32
          %add3A_223 = vector.broadcast %add3A_222 : i32 to vector<16xi32>
          %add3A_224 = arith.addi %add3A_210, %add3A_223 : vector<16xi32>
          %mul3A_225 = arith.mulf %mul3A_207, %get3A_53 : vector<16xf32>
          tpu.vector_store_idx %arg5[%add3A_224], %mul3A_225 masked %and3A_113 {add = true} : memref<114688xf32, #tpu.memory_space<vmem>>[vector<16xi32>], vector<16xf32>, vector<16xi1>
          %add3A_226 = arith.constant 65536 : i32
          %add3A_227 = vector.broadcast %add3A_226 : i32 to vector<16xi32>
          %add3A_228 = arith.addi %add3A_210, %add3A_227 : vector<16xi32>
          %mul3A_229 = arith.mulf %mul3A_207, %get3A_57 : vector<16xf32>
          tpu.vector_store_idx %arg5[%add3A_228], %mul3A_229 masked %and3A_113 {add = true} : memref<114688xf32, #tpu.memory_space<vmem>>[vector<16xi32>], vector<16xf32>, vector<16xi1>
          %add3A_230 = arith.constant 81920 : i32
          %add3A_231 = vector.broadcast %add3A_230 : i32 to vector<16xi32>
          %add3A_232 = arith.addi %add3A_210, %add3A_231 : vector<16xi32>
          %mul3A_233 = arith.mulf %mul3A_207, %get3A_61 : vector<16xf32>
          tpu.vector_store_idx %arg5[%add3A_232], %mul3A_233 masked %and3A_113 {add = true} : memref<114688xf32, #tpu.memory_space<vmem>>[vector<16xi32>], vector<16xf32>, vector<16xi1>
          %add3A_234 = arith.constant 98304 : i32
          %add3A_235 = vector.broadcast %add3A_234 : i32 to vector<16xi32>
          %add3A_236 = arith.addi %add3A_210, %add3A_235 : vector<16xi32>
          %mul3A_237 = arith.mulf %mul3A_207, %get3A_65 : vector<16xf32>
          tpu.vector_store_idx %arg5[%add3A_236], %mul3A_237 masked %and3A_113 {add = true} : memref<114688xf32, #tpu.memory_space<vmem>>[vector<16xi32>], vector<16xf32>, vector<16xi1>
          %mul3A_238 = arith.mulf %sub3A_81, %sub3A_102 : vector<16xf32>
          %add3A_239 = arith.constant 129 : i32
          %add3A_240 = vector.broadcast %add3A_239 : i32 to vector<16xi32>
          %add3A_241 = arith.addi %get3A_33, %add3A_240 : vector<16xi32>
          %mul3A_242 = arith.constant 1.52587891E-5 : f32
          %mul3A_243 = vector.broadcast %mul3A_242 : f32 to vector<16xf32>
          %mul3A_244 = arith.mulf %mul3A_238, %mul3A_243 : vector<16xf32>
          tpu.vector_store_idx %arg5[%add3A_241], %mul3A_244 masked %and3A_113 {add = true} : memref<114688xf32, #tpu.memory_space<vmem>>[vector<16xi32>], vector<16xf32>, vector<16xi1>
          %add3A_245 = arith.constant 16384 : i32
          %add3A_246 = vector.broadcast %add3A_245 : i32 to vector<16xi32>
          %add3A_247 = arith.addi %add3A_241, %add3A_246 : vector<16xi32>
          %mul3A_248 = arith.mulf %mul3A_238, %get3A_45 : vector<16xf32>
          tpu.vector_store_idx %arg5[%add3A_247], %mul3A_248 masked %and3A_113 {add = true} : memref<114688xf32, #tpu.memory_space<vmem>>[vector<16xi32>], vector<16xf32>, vector<16xi1>
          %add3A_249 = arith.constant 32768 : i32
          %add3A_250 = vector.broadcast %add3A_249 : i32 to vector<16xi32>
          %add3A_251 = arith.addi %add3A_241, %add3A_250 : vector<16xi32>
          %mul3A_252 = arith.mulf %mul3A_238, %get3A_49 : vector<16xf32>
          tpu.vector_store_idx %arg5[%add3A_251], %mul3A_252 masked %and3A_113 {add = true} : memref<114688xf32, #tpu.memory_space<vmem>>[vector<16xi32>], vector<16xf32>, vector<16xi1>
          %add3A_253 = arith.constant 49152 : i32
          %add3A_254 = vector.broadcast %add3A_253 : i32 to vector<16xi32>
          %add3A_255 = arith.addi %add3A_241, %add3A_254 : vector<16xi32>
          %mul3A_256 = arith.mulf %mul3A_238, %get3A_53 : vector<16xf32>
          tpu.vector_store_idx %arg5[%add3A_255], %mul3A_256 masked %and3A_113 {add = true} : memref<114688xf32, #tpu.memory_space<vmem>>[vector<16xi32>], vector<16xf32>, vector<16xi1>
          %add3A_257 = arith.constant 65536 : i32
          %add3A_258 = vector.broadcast %add3A_257 : i32 to vector<16xi32>
          %add3A_259 = arith.addi %add3A_241, %add3A_258 : vector<16xi32>
          %mul3A_260 = arith.mulf %mul3A_238, %get3A_57 : vector<16xf32>
          tpu.vector_store_idx %arg5[%add3A_259], %mul3A_260 masked %and3A_113 {add = true} : memref<114688xf32, #tpu.memory_space<vmem>>[vector<16xi32>], vector<16xf32>, vector<16xi1>
          %add3A_261 = arith.constant 81920 : i32
          %add3A_262 = vector.broadcast %add3A_261 : i32 to vector<16xi32>
          %add3A_263 = arith.addi %add3A_241, %add3A_262 : vector<16xi32>
          %mul3A_264 = arith.mulf %mul3A_238, %get3A_61 : vector<16xf32>
          tpu.vector_store_idx %arg5[%add3A_263], %mul3A_264 masked %and3A_113 {add = true} : memref<114688xf32, #tpu.memory_space<vmem>>[vector<16xi32>], vector<16xf32>, vector<16xi1>
          %add3A_265 = arith.constant 98304 : i32
          %add3A_266 = vector.broadcast %add3A_265 : i32 to vector<16xi32>
          %add3A_267 = arith.addi %add3A_241, %add3A_266 : vector<16xi32>
          %mul3A_268 = arith.mulf %mul3A_238, %get3A_65 : vector<16xf32>
          tpu.vector_store_idx %arg5[%add3A_267], %mul3A_268 masked %and3A_113 {add = true} : memref<114688xf32, #tpu.memory_space<vmem>>[vector<16xi32>], vector<16xf32>, vector<16xi1>
          %mul3A_269 = arith.mulf %sub3A_81, %mul3A_106 : vector<16xf32>
          %add3A_270 = arith.constant 130 : i32
          %add3A_271 = vector.broadcast %add3A_270 : i32 to vector<16xi32>
          %add3A_272 = arith.addi %get3A_33, %add3A_271 : vector<16xi32>
          %mul3A_273 = arith.constant 1.52587891E-5 : f32
          %mul3A_274 = vector.broadcast %mul3A_273 : f32 to vector<16xf32>
          %mul3A_275 = arith.mulf %mul3A_269, %mul3A_274 : vector<16xf32>
          tpu.vector_store_idx %arg5[%add3A_272], %mul3A_275 masked %and3A_113 {add = true} : memref<114688xf32, #tpu.memory_space<vmem>>[vector<16xi32>], vector<16xf32>, vector<16xi1>
          %add3A_276 = arith.constant 16384 : i32
          %add3A_277 = vector.broadcast %add3A_276 : i32 to vector<16xi32>
          %add3A_278 = arith.addi %add3A_272, %add3A_277 : vector<16xi32>
          %mul3A_279 = arith.mulf %mul3A_269, %get3A_45 : vector<16xf32>
          tpu.vector_store_idx %arg5[%add3A_278], %mul3A_279 masked %and3A_113 {add = true} : memref<114688xf32, #tpu.memory_space<vmem>>[vector<16xi32>], vector<16xf32>, vector<16xi1>
          %add3A_280 = arith.constant 32768 : i32
          %add3A_281 = vector.broadcast %add3A_280 : i32 to vector<16xi32>
          %add3A_282 = arith.addi %add3A_272, %add3A_281 : vector<16xi32>
          %mul3A_283 = arith.mulf %mul3A_269, %get3A_49 : vector<16xf32>
          tpu.vector_store_idx %arg5[%add3A_282], %mul3A_283 masked %and3A_113 {add = true} : memref<114688xf32, #tpu.memory_space<vmem>>[vector<16xi32>], vector<16xf32>, vector<16xi1>
          %add3A_284 = arith.constant 49152 : i32
          %add3A_285 = vector.broadcast %add3A_284 : i32 to vector<16xi32>
          %add3A_286 = arith.addi %add3A_272, %add3A_285 : vector<16xi32>
          %mul3A_287 = arith.mulf %mul3A_269, %get3A_53 : vector<16xf32>
          tpu.vector_store_idx %arg5[%add3A_286], %mul3A_287 masked %and3A_113 {add = true} : memref<114688xf32, #tpu.memory_space<vmem>>[vector<16xi32>], vector<16xf32>, vector<16xi1>
          %add3A_288 = arith.constant 65536 : i32
          %add3A_289 = vector.broadcast %add3A_288 : i32 to vector<16xi32>
          %add3A_290 = arith.addi %add3A_272, %add3A_289 : vector<16xi32>
          %mul3A_291 = arith.mulf %mul3A_269, %get3A_57 : vector<16xf32>
          tpu.vector_store_idx %arg5[%add3A_290], %mul3A_291 masked %and3A_113 {add = true} : memref<114688xf32, #tpu.memory_space<vmem>>[vector<16xi32>], vector<16xf32>, vector<16xi1>
          %add3A_292 = arith.constant 81920 : i32
          %add3A_293 = vector.broadcast %add3A_292 : i32 to vector<16xi32>
          %add3A_294 = arith.addi %add3A_272, %add3A_293 : vector<16xi32>
          %mul3A_295 = arith.mulf %mul3A_269, %get3A_61 : vector<16xf32>
          tpu.vector_store_idx %arg5[%add3A_294], %mul3A_295 masked %and3A_113 {add = true} : memref<114688xf32, #tpu.memory_space<vmem>>[vector<16xi32>], vector<16xf32>, vector<16xi1>
          %add3A_296 = arith.constant 98304 : i32
          %add3A_297 = vector.broadcast %add3A_296 : i32 to vector<16xi32>
          %add3A_298 = arith.addi %add3A_272, %add3A_297 : vector<16xi32>
          %mul3A_299 = arith.mulf %mul3A_269, %get3A_65 : vector<16xf32>
          tpu.vector_store_idx %arg5[%add3A_298], %mul3A_299 masked %and3A_113 {add = true} : memref<114688xf32, #tpu.memory_space<vmem>>[vector<16xi32>], vector<16xf32>, vector<16xi1>
          %mul3A_300 = arith.mulf %mul3A_85, %mul3A_98 : vector<16xf32>
          %add3A_301 = arith.constant 256 : i32
          %add3A_302 = vector.broadcast %add3A_301 : i32 to vector<16xi32>
          %add3A_303 = arith.addi %get3A_33, %add3A_302 : vector<16xi32>
          %mul3A_304 = arith.constant 1.52587891E-5 : f32
          %mul3A_305 = vector.broadcast %mul3A_304 : f32 to vector<16xf32>
          %mul3A_306 = arith.mulf %mul3A_300, %mul3A_305 : vector<16xf32>
          tpu.vector_store_idx %arg5[%add3A_303], %mul3A_306 masked %and3A_113 {add = true} : memref<114688xf32, #tpu.memory_space<vmem>>[vector<16xi32>], vector<16xf32>, vector<16xi1>
          %add3A_307 = arith.constant 16384 : i32
          %add3A_308 = vector.broadcast %add3A_307 : i32 to vector<16xi32>
          %add3A_309 = arith.addi %add3A_303, %add3A_308 : vector<16xi32>
          %mul3A_310 = arith.mulf %mul3A_300, %get3A_45 : vector<16xf32>
          tpu.vector_store_idx %arg5[%add3A_309], %mul3A_310 masked %and3A_113 {add = true} : memref<114688xf32, #tpu.memory_space<vmem>>[vector<16xi32>], vector<16xf32>, vector<16xi1>
          %add3A_311 = arith.constant 32768 : i32
          %add3A_312 = vector.broadcast %add3A_311 : i32 to vector<16xi32>
          %add3A_313 = arith.addi %add3A_303, %add3A_312 : vector<16xi32>
          %mul3A_314 = arith.mulf %mul3A_300, %get3A_49 : vector<16xf32>
          tpu.vector_store_idx %arg5[%add3A_313], %mul3A_314 masked %and3A_113 {add = true} : memref<114688xf32, #tpu.memory_space<vmem>>[vector<16xi32>], vector<16xf32>, vector<16xi1>
          %add3A_315 = arith.constant 49152 : i32
          %add3A_316 = vector.broadcast %add3A_315 : i32 to vector<16xi32>
          %add3A_317 = arith.addi %add3A_303, %add3A_316 : vector<16xi32>
          %mul3A_318 = arith.mulf %mul3A_300, %get3A_53 : vector<16xf32>
          tpu.vector_store_idx %arg5[%add3A_317], %mul3A_318 masked %and3A_113 {add = true} : memref<114688xf32, #tpu.memory_space<vmem>>[vector<16xi32>], vector<16xf32>, vector<16xi1>
          %add3A_319 = arith.constant 65536 : i32
          %add3A_320 = vector.broadcast %add3A_319 : i32 to vector<16xi32>
          %add3A_321 = arith.addi %add3A_303, %add3A_320 : vector<16xi32>
          %mul3A_322 = arith.mulf %mul3A_300, %get3A_57 : vector<16xf32>
          tpu.vector_store_idx %arg5[%add3A_321], %mul3A_322 masked %and3A_113 {add = true} : memref<114688xf32, #tpu.memory_space<vmem>>[vector<16xi32>], vector<16xf32>, vector<16xi1>
          %add3A_323 = arith.constant 81920 : i32
          %add3A_324 = vector.broadcast %add3A_323 : i32 to vector<16xi32>
          %add3A_325 = arith.addi %add3A_303, %add3A_324 : vector<16xi32>
          %mul3A_326 = arith.mulf %mul3A_300, %get3A_61 : vector<16xf32>
          tpu.vector_store_idx %arg5[%add3A_325], %mul3A_326 masked %and3A_113 {add = true} : memref<114688xf32, #tpu.memory_space<vmem>>[vector<16xi32>], vector<16xf32>, vector<16xi1>
          %add3A_327 = arith.constant 98304 : i32
          %add3A_328 = vector.broadcast %add3A_327 : i32 to vector<16xi32>
          %add3A_329 = arith.addi %add3A_303, %add3A_328 : vector<16xi32>
          %mul3A_330 = arith.mulf %mul3A_300, %get3A_65 : vector<16xf32>
          tpu.vector_store_idx %arg5[%add3A_329], %mul3A_330 masked %and3A_113 {add = true} : memref<114688xf32, #tpu.memory_space<vmem>>[vector<16xi32>], vector<16xf32>, vector<16xi1>
          %mul3A_331 = arith.mulf %mul3A_85, %sub3A_102 : vector<16xf32>
          %add3A_332 = arith.constant 257 : i32
          %add3A_333 = vector.broadcast %add3A_332 : i32 to vector<16xi32>
          %add3A_334 = arith.addi %get3A_33, %add3A_333 : vector<16xi32>
          %mul3A_335 = arith.constant 1.52587891E-5 : f32
          %mul3A_336 = vector.broadcast %mul3A_335 : f32 to vector<16xf32>
          %mul3A_337 = arith.mulf %mul3A_331, %mul3A_336 : vector<16xf32>
          tpu.vector_store_idx %arg5[%add3A_334], %mul3A_337 masked %and3A_113 {add = true} : memref<114688xf32, #tpu.memory_space<vmem>>[vector<16xi32>], vector<16xf32>, vector<16xi1>
          %add3A_338 = arith.constant 16384 : i32
          %add3A_339 = vector.broadcast %add3A_338 : i32 to vector<16xi32>
          %add3A_340 = arith.addi %add3A_334, %add3A_339 : vector<16xi32>
          %mul3A_341 = arith.mulf %mul3A_331, %get3A_45 : vector<16xf32>
          tpu.vector_store_idx %arg5[%add3A_340], %mul3A_341 masked %and3A_113 {add = true} : memref<114688xf32, #tpu.memory_space<vmem>>[vector<16xi32>], vector<16xf32>, vector<16xi1>
          %add3A_342 = arith.constant 32768 : i32
          %add3A_343 = vector.broadcast %add3A_342 : i32 to vector<16xi32>
          %add3A_344 = arith.addi %add3A_334, %add3A_343 : vector<16xi32>
          %mul3A_345 = arith.mulf %mul3A_331, %get3A_49 : vector<16xf32>
          tpu.vector_store_idx %arg5[%add3A_344], %mul3A_345 masked %and3A_113 {add = true} : memref<114688xf32, #tpu.memory_space<vmem>>[vector<16xi32>], vector<16xf32>, vector<16xi1>
          %add3A_346 = arith.constant 49152 : i32
          %add3A_347 = vector.broadcast %add3A_346 : i32 to vector<16xi32>
          %add3A_348 = arith.addi %add3A_334, %add3A_347 : vector<16xi32>
          %mul3A_349 = arith.mulf %mul3A_331, %get3A_53 : vector<16xf32>
          tpu.vector_store_idx %arg5[%add3A_348], %mul3A_349 masked %and3A_113 {add = true} : memref<114688xf32, #tpu.memory_space<vmem>>[vector<16xi32>], vector<16xf32>, vector<16xi1>
          %add3A_350 = arith.constant 65536 : i32
          %add3A_351 = vector.broadcast %add3A_350 : i32 to vector<16xi32>
          %add3A_352 = arith.addi %add3A_334, %add3A_351 : vector<16xi32>
          %mul3A_353 = arith.mulf %mul3A_331, %get3A_57 : vector<16xf32>
          tpu.vector_store_idx %arg5[%add3A_352], %mul3A_353 masked %and3A_113 {add = true} : memref<114688xf32, #tpu.memory_space<vmem>>[vector<16xi32>], vector<16xf32>, vector<16xi1>
          %add3A_354 = arith.constant 81920 : i32
          %add3A_355 = vector.broadcast %add3A_354 : i32 to vector<16xi32>
          %add3A_356 = arith.addi %add3A_334, %add3A_355 : vector<16xi32>
          %mul3A_357 = arith.mulf %mul3A_331, %get3A_61 : vector<16xf32>
          tpu.vector_store_idx %arg5[%add3A_356], %mul3A_357 masked %and3A_113 {add = true} : memref<114688xf32, #tpu.memory_space<vmem>>[vector<16xi32>], vector<16xf32>, vector<16xi1>
          %add3A_358 = arith.constant 98304 : i32
          %add3A_359 = vector.broadcast %add3A_358 : i32 to vector<16xi32>
          %add3A_360 = arith.addi %add3A_334, %add3A_359 : vector<16xi32>
          %mul3A_361 = arith.mulf %mul3A_331, %get3A_65 : vector<16xf32>
          tpu.vector_store_idx %arg5[%add3A_360], %mul3A_361 masked %and3A_113 {add = true} : memref<114688xf32, #tpu.memory_space<vmem>>[vector<16xi32>], vector<16xf32>, vector<16xi1>
          %mul3A_362 = arith.mulf %mul3A_85, %mul3A_106 : vector<16xf32>
          %add3A_363 = arith.constant 258 : i32
          %add3A_364 = vector.broadcast %add3A_363 : i32 to vector<16xi32>
          %add3A_365 = arith.addi %get3A_33, %add3A_364 : vector<16xi32>
          %mul3A_366 = arith.constant 1.52587891E-5 : f32
          %mul3A_367 = vector.broadcast %mul3A_366 : f32 to vector<16xf32>
          %mul3A_368 = arith.mulf %mul3A_362, %mul3A_367 : vector<16xf32>
          tpu.vector_store_idx %arg5[%add3A_365], %mul3A_368 masked %and3A_113 {add = true} : memref<114688xf32, #tpu.memory_space<vmem>>[vector<16xi32>], vector<16xf32>, vector<16xi1>
          %add3A_369 = arith.constant 16384 : i32
          %add3A_370 = vector.broadcast %add3A_369 : i32 to vector<16xi32>
          %add3A_371 = arith.addi %add3A_365, %add3A_370 : vector<16xi32>
          %mul3A_372 = arith.mulf %mul3A_362, %get3A_45 : vector<16xf32>
          tpu.vector_store_idx %arg5[%add3A_371], %mul3A_372 masked %and3A_113 {add = true} : memref<114688xf32, #tpu.memory_space<vmem>>[vector<16xi32>], vector<16xf32>, vector<16xi1>
          %add3A_373 = arith.constant 32768 : i32
          %add3A_374 = vector.broadcast %add3A_373 : i32 to vector<16xi32>
          %add3A_375 = arith.addi %add3A_365, %add3A_374 : vector<16xi32>
          %mul3A_376 = arith.mulf %mul3A_362, %get3A_49 : vector<16xf32>
          tpu.vector_store_idx %arg5[%add3A_375], %mul3A_376 masked %and3A_113 {add = true} : memref<114688xf32, #tpu.memory_space<vmem>>[vector<16xi32>], vector<16xf32>, vector<16xi1>
          %add3A_377 = arith.constant 49152 : i32
          %add3A_378 = vector.broadcast %add3A_377 : i32 to vector<16xi32>
          %add3A_379 = arith.addi %add3A_365, %add3A_378 : vector<16xi32>
          %mul3A_380 = arith.mulf %mul3A_362, %get3A_53 : vector<16xf32>
          tpu.vector_store_idx %arg5[%add3A_379], %mul3A_380 masked %and3A_113 {add = true} : memref<114688xf32, #tpu.memory_space<vmem>>[vector<16xi32>], vector<16xf32>, vector<16xi1>
          %add3A_381 = arith.constant 65536 : i32
          %add3A_382 = vector.broadcast %add3A_381 : i32 to vector<16xi32>
          %add3A_383 = arith.addi %add3A_365, %add3A_382 : vector<16xi32>
          %mul3A_384 = arith.mulf %mul3A_362, %get3A_57 : vector<16xf32>
          tpu.vector_store_idx %arg5[%add3A_383], %mul3A_384 masked %and3A_113 {add = true} : memref<114688xf32, #tpu.memory_space<vmem>>[vector<16xi32>], vector<16xf32>, vector<16xi1>
          %add3A_385 = arith.constant 81920 : i32
          %add3A_386 = vector.broadcast %add3A_385 : i32 to vector<16xi32>
          %add3A_387 = arith.addi %add3A_365, %add3A_386 : vector<16xi32>
          %mul3A_388 = arith.mulf %mul3A_362, %get3A_61 : vector<16xf32>
          tpu.vector_store_idx %arg5[%add3A_387], %mul3A_388 masked %and3A_113 {add = true} : memref<114688xf32, #tpu.memory_space<vmem>>[vector<16xi32>], vector<16xf32>, vector<16xi1>
          %add3A_389 = arith.constant 98304 : i32
          %add3A_390 = vector.broadcast %add3A_389 : i32 to vector<16xi32>
          %add3A_391 = arith.addi %add3A_365, %add3A_390 : vector<16xi32>
          %mul3A_392 = arith.mulf %mul3A_362, %get3A_65 : vector<16xf32>
          tpu.vector_store_idx %arg5[%add3A_391], %mul3A_392 masked %and3A_113 {add = true} : memref<114688xf32, #tpu.memory_space<vmem>>[vector<16xi32>], vector<16xf32>, vector<16xi1>
          %not3A = arith.constant dense<true> : vector<16xi1>
          %not3A_393 = arith.xori %and3A_113, %not3A : vector<16xi1>
          %and3A_394 = arith.andi %while3A_112, %not3A_393 : vector<16xi1>
          scf.yield %and3A_394 : vector<16xi1>
        }
        %scan3A_111 = arith.constant 0 : i32
        scf.yield %scan3A_111 : i32
      }
      %scan3A_27 = arith.constant 64 : i32
      %scan3A_28 = arith.constant 0 : i32
      scf.yield %scan3A_28 : i32
    }
    %scan3A_15 = arith.constant 8 : i32
    "tpu.region"() ({
      %run_scoped3A = tpu.sem_alloc : memref<!tpu.dma_semaphore, #tpu.memory_space<semaphore_mem>>
      %dma_start3A = arith.constant 0 : i32
      %dma_start3A_16 = tpu.memref_slice %arg4[%add3A, %dma_start3A] : memref<32x114688xf32, #tpu.memory_space<hbm>> -> memref<1x114688xf32, #tpu.memory_space<hbm>>
      %dma_start3A_17 = tpu.memref_squeeze %dma_start3A_16 : memref<1x114688xf32, #tpu.memory_space<hbm>> -> memref<114688xf32, #tpu.memory_space<hbm>>
      %dma_start3A_18 = arith.constant 0 : i32
      %dma_start3A_19 = tpu.memref_slice %arg4[%add3A, %dma_start3A_18] : memref<32x114688xf32, #tpu.memory_space<hbm>> -> memref<1x114688xf32, #tpu.memory_space<hbm>>
      %dma_start3A_20 = tpu.memref_squeeze %dma_start3A_19 : memref<1x114688xf32, #tpu.memory_space<hbm>> -> memref<114688xf32, #tpu.memory_space<hbm>>
      tpu.enqueue_dma source(%arg5 : memref<114688xf32, #tpu.memory_space<vmem>>) target(%dma_start3A_20 : memref<114688xf32, #tpu.memory_space<hbm>>) target_semaphore(%run_scoped3A : memref<!tpu.dma_semaphore, #tpu.memory_space<semaphore_mem>>)
      %dma_wait3A = arith.constant 0 : i32
      %dma_wait3A_21 = tpu.memref_slice %arg4[%add3A, %dma_wait3A] : memref<32x114688xf32, #tpu.memory_space<hbm>> -> memref<1x114688xf32, #tpu.memory_space<hbm>>
      %dma_wait3A_22 = tpu.memref_squeeze %dma_wait3A_21 : memref<1x114688xf32, #tpu.memory_space<hbm>> -> memref<114688xf32, #tpu.memory_space<hbm>>
      %dma_wait3A_23 = arith.constant 0 : i32
      %dma_wait3A_24 = tpu.memref_slice %arg4[%add3A, %dma_wait3A_23] : memref<32x114688xf32, #tpu.memory_space<hbm>> -> memref<1x114688xf32, #tpu.memory_space<hbm>>
      %dma_wait3A_25 = tpu.memref_squeeze %dma_wait3A_24 : memref<1x114688xf32, #tpu.memory_space<hbm>> -> memref<114688xf32, #tpu.memory_space<hbm>>
      tpu.wait_dma2 semaphore(%run_scoped3A : memref<!tpu.dma_semaphore, #tpu.memory_space<semaphore_mem>>) src(%arg5 : memref<114688xf32, #tpu.memory_space<vmem>>) dst(%dma_wait3A_25 : memref<114688xf32, #tpu.memory_space<hbm>>)
      tpu.yield
    }) : () -> ()
    return
  }
}

module attributes {stable_mosaic.version = 14 : i64} {
  func.func @_phase1_body(%arg0: i32, %arg1: memref<2xf32, #tpu.memory_space<smem>>, %arg2: memref<2x8192xf32, #tpu.memory_space<vmem>>, %arg3: memref<2x8192xf32, #tpu.memory_space<vmem>>, %arg4: memref<4x8192xf32, #tpu.memory_space<vmem>>, %arg5: memref<4x8192xf32, #tpu.memory_space<vmem>>, %arg6: memref<1x8192xf32, #tpu.memory_space<vmem>>, %arg7: memref<4x8192xf32, #tpu.memory_space<vmem>>, %arg8: memref<1x8192xf32, #tpu.memory_space<vmem>>, %arg9: memref<4x8192xf32, #tpu.memory_space<vmem>>, %arg10: memref<8x8192xf32, #tpu.memory_space<vmem>>, %arg11: memref<1x8192xi32, #tpu.memory_space<vmem>>) attributes {dimension_semantics = [#tpu.dimension_semantics<arbitrary>], iteration_bounds = array<i64: 32>, scalar_prefetch = 0 : i64, scratch_operands = 0 : i64, tpu.core_type = #tpu.core_type<tc>, window_params = [{transform_indices = @transform_0, window_bounds = array<i64: 2>}, {transform_indices = @transform_1, window_bounds = array<i64: 2, 8192>}, {transform_indices = @transform_2, window_bounds = array<i64: 2, 8192>}, {transform_indices = @transform_3, window_bounds = array<i64: 4, 8192>}, {transform_indices = @transform_4, window_bounds = array<i64: 4, 8192>}, {transform_indices = @transform_5, window_bounds = array<i64: 1, 8192>}, {transform_indices = @transform_6, window_bounds = array<i64: 4, 8192>}, {transform_indices = @transform_7, window_bounds = array<i64: 1, 8192>}, {transform_indices = @transform_8, window_bounds = array<i64: 4, 8192>}, {transform_indices = @transform_9, window_bounds = array<i64: 8, 8192>}, {transform_indices = @transform_10, window_bounds = array<i64: 1, 8192>}]} {
    %get3A = arith.constant 0 : index
    %get3A_0 = memref.load %arg1[%get3A] : memref<2xf32, #tpu.memory_space<smem>>
    %get3A_1 = arith.constant 1 : index
    %get3A_2 = memref.load %arg1[%get3A_1] : memref<2xf32, #tpu.memory_space<smem>>
    %get3A_3 = arith.constant 0 : index
    %get3A_4 = arith.constant 0 : index
    %get3A_5 = vector.load %arg2[%get3A_3, %get3A_4] : memref<2x8192xf32, #tpu.memory_space<vmem>>, vector<1x8192xf32>
    %get3A_6 = vector.shape_cast %get3A_5 : vector<1x8192xf32> to vector<8192xf32>
    %get3A_7 = arith.constant 1 : index
    %get3A_8 = arith.constant 0 : index
    %get3A_9 = vector.load %arg2[%get3A_7, %get3A_8] : memref<2x8192xf32, #tpu.memory_space<vmem>>, vector<1x8192xf32>
    %get3A_10 = vector.shape_cast %get3A_9 : vector<1x8192xf32> to vector<8192xf32>
    %get3A_11 = arith.constant 0 : index
    %get3A_12 = arith.constant 0 : index
    %get3A_13 = vector.load %arg3[%get3A_11, %get3A_12] : memref<2x8192xf32, #tpu.memory_space<vmem>>, vector<1x8192xf32>
    %get3A_14 = vector.shape_cast %get3A_13 : vector<1x8192xf32> to vector<8192xf32>
    %get3A_15 = arith.constant 1 : index
    %get3A_16 = arith.constant 0 : index
    %get3A_17 = vector.load %arg3[%get3A_15, %get3A_16] : memref<2x8192xf32, #tpu.memory_space<vmem>>, vector<1x8192xf32>
    %get3A_18 = vector.shape_cast %get3A_17 : vector<1x8192xf32> to vector<8192xf32>
    %get3A_19 = arith.constant 0 : index
    %get3A_20 = arith.constant 0 : index
    %get3A_21 = vector.load %arg4[%get3A_19, %get3A_20] : memref<4x8192xf32, #tpu.memory_space<vmem>>, vector<1x8192xf32>
    %get3A_22 = vector.shape_cast %get3A_21 : vector<1x8192xf32> to vector<8192xf32>
    %get3A_23 = arith.constant 1 : index
    %get3A_24 = arith.constant 0 : index
    %get3A_25 = vector.load %arg4[%get3A_23, %get3A_24] : memref<4x8192xf32, #tpu.memory_space<vmem>>, vector<1x8192xf32>
    %get3A_26 = vector.shape_cast %get3A_25 : vector<1x8192xf32> to vector<8192xf32>
    %get3A_27 = arith.constant 2 : index
    %get3A_28 = arith.constant 0 : index
    %get3A_29 = vector.load %arg4[%get3A_27, %get3A_28] : memref<4x8192xf32, #tpu.memory_space<vmem>>, vector<1x8192xf32>
    %get3A_30 = vector.shape_cast %get3A_29 : vector<1x8192xf32> to vector<8192xf32>
    %get3A_31 = arith.constant 3 : index
    %get3A_32 = arith.constant 0 : index
    %get3A_33 = vector.load %arg4[%get3A_31, %get3A_32] : memref<4x8192xf32, #tpu.memory_space<vmem>>, vector<1x8192xf32>
    %get3A_34 = vector.shape_cast %get3A_33 : vector<1x8192xf32> to vector<8192xf32>
    %get3A_35 = arith.constant 0 : index
    %get3A_36 = arith.constant 0 : index
    %get3A_37 = vector.load %arg6[%get3A_35, %get3A_36] : memref<1x8192xf32, #tpu.memory_space<vmem>>, vector<1x8192xf32>
    %get3A_38 = vector.shape_cast %get3A_37 : vector<1x8192xf32> to vector<8192xf32>
    %mul3A = arith.constant 1.280000e+02 : f32
    %mul3A_39 = vector.broadcast %mul3A : f32 to vector<8192xf32>
    %mul3A_40 = arith.mulf %get3A_6, %mul3A_39 : vector<8192xf32>
    %mul3A_41 = arith.constant 1.280000e+02 : f32
    %mul3A_42 = vector.broadcast %mul3A_41 : f32 to vector<8192xf32>
    %mul3A_43 = arith.mulf %get3A_10, %mul3A_42 : vector<8192xf32>
    %sub3A = arith.constant 5.000000e-01 : f32
    %sub3A_44 = vector.broadcast %sub3A : f32 to vector<8192xf32>
    %sub3A_45 = arith.subf %mul3A_40, %sub3A_44 : vector<8192xf32>
    %convert_element_type3A = arith.fptosi %sub3A_45 : vector<8192xf32> to vector<8192xi32>
    %sub3A_46 = arith.constant 5.000000e-01 : f32
    %sub3A_47 = vector.broadcast %sub3A_46 : f32 to vector<8192xf32>
    %sub3A_48 = arith.subf %mul3A_43, %sub3A_47 : vector<8192xf32>
    %convert_element_type3A_49 = arith.fptosi %sub3A_48 : vector<8192xf32> to vector<8192xi32>
    %convert_element_type3A_50 = arith.sitofp %convert_element_type3A : vector<8192xi32> to vector<8192xf32>
    %sub3A_51 = arith.subf %mul3A_40, %convert_element_type3A_50 : vector<8192xf32>
    %convert_element_type3A_52 = arith.sitofp %convert_element_type3A_49 : vector<8192xi32> to vector<8192xf32>
    %sub3A_53 = arith.subf %mul3A_43, %convert_element_type3A_52 : vector<8192xf32>
    %get3A_54 = arith.constant 0 : index
    %get3A_55 = arith.constant 0 : index
    %get3A_56 = vector.load %arg5[%get3A_54, %get3A_55] : memref<4x8192xf32, #tpu.memory_space<vmem>>, vector<1x8192xf32>
    %get3A_57 = vector.shape_cast %get3A_56 : vector<1x8192xf32> to vector<8192xf32>
    %get3A_58 = arith.constant 0 : index
    %get3A_59 = arith.constant 0 : index
    %get3A_60 = vector.load %arg5[%get3A_58, %get3A_59] : memref<4x8192xf32, #tpu.memory_space<vmem>>, vector<1x8192xf32>
    %get3A_61 = vector.shape_cast %get3A_60 : vector<1x8192xf32> to vector<8192xf32>
    %mul3A_62 = arith.mulf %get3A_22, %get3A_61 : vector<8192xf32>
    %get3A_63 = arith.constant 2 : index
    %get3A_64 = arith.constant 0 : index
    %get3A_65 = vector.load %arg5[%get3A_63, %get3A_64] : memref<4x8192xf32, #tpu.memory_space<vmem>>, vector<1x8192xf32>
    %get3A_66 = vector.shape_cast %get3A_65 : vector<1x8192xf32> to vector<8192xf32>
    %mul3A_67 = arith.mulf %get3A_26, %get3A_66 : vector<8192xf32>
    %add3A = arith.addf %mul3A_62, %mul3A_67 : vector<8192xf32>
    %mul3A_68 = arith.constant 9.99999974E-5 : f32
    %mul3A_69 = vector.broadcast %mul3A_68 : f32 to vector<8192xf32>
    %mul3A_70 = arith.mulf %mul3A_69, %add3A : vector<8192xf32>
    %add3A_71 = arith.addf %get3A_57, %mul3A_70 : vector<8192xf32>
    %get3A_72 = arith.constant 1 : index
    %get3A_73 = arith.constant 0 : index
    %get3A_74 = vector.load %arg5[%get3A_72, %get3A_73] : memref<4x8192xf32, #tpu.memory_space<vmem>>, vector<1x8192xf32>
    %get3A_75 = vector.shape_cast %get3A_74 : vector<1x8192xf32> to vector<8192xf32>
    %get3A_76 = arith.constant 1 : index
    %get3A_77 = arith.constant 0 : index
    %get3A_78 = vector.load %arg5[%get3A_76, %get3A_77] : memref<4x8192xf32, #tpu.memory_space<vmem>>, vector<1x8192xf32>
    %get3A_79 = vector.shape_cast %get3A_78 : vector<1x8192xf32> to vector<8192xf32>
    %mul3A_80 = arith.mulf %get3A_22, %get3A_79 : vector<8192xf32>
    %get3A_81 = arith.constant 3 : index
    %get3A_82 = arith.constant 0 : index
    %get3A_83 = vector.load %arg5[%get3A_81, %get3A_82] : memref<4x8192xf32, #tpu.memory_space<vmem>>, vector<1x8192xf32>
    %get3A_84 = vector.shape_cast %get3A_83 : vector<1x8192xf32> to vector<8192xf32>
    %mul3A_85 = arith.mulf %get3A_26, %get3A_84 : vector<8192xf32>
    %add3A_86 = arith.addf %mul3A_80, %mul3A_85 : vector<8192xf32>
    %mul3A_87 = arith.constant 9.99999974E-5 : f32
    %mul3A_88 = vector.broadcast %mul3A_87 : f32 to vector<8192xf32>
    %mul3A_89 = arith.mulf %mul3A_88, %add3A_86 : vector<8192xf32>
    %add3A_90 = arith.addf %get3A_75, %mul3A_89 : vector<8192xf32>
    %get3A_91 = arith.constant 2 : index
    %get3A_92 = arith.constant 0 : index
    %get3A_93 = vector.load %arg5[%get3A_91, %get3A_92] : memref<4x8192xf32, #tpu.memory_space<vmem>>, vector<1x8192xf32>
    %get3A_94 = vector.shape_cast %get3A_93 : vector<1x8192xf32> to vector<8192xf32>
    %get3A_95 = arith.constant 0 : index
    %get3A_96 = arith.constant 0 : index
    %get3A_97 = vector.load %arg5[%get3A_95, %get3A_96] : memref<4x8192xf32, #tpu.memory_space<vmem>>, vector<1x8192xf32>
    %get3A_98 = vector.shape_cast %get3A_97 : vector<1x8192xf32> to vector<8192xf32>
    %mul3A_99 = arith.mulf %get3A_30, %get3A_98 : vector<8192xf32>
    %get3A_100 = arith.constant 2 : index
    %get3A_101 = arith.constant 0 : index
    %get3A_102 = vector.load %arg5[%get3A_100, %get3A_101] : memref<4x8192xf32, #tpu.memory_space<vmem>>, vector<1x8192xf32>
    %get3A_103 = vector.shape_cast %get3A_102 : vector<1x8192xf32> to vector<8192xf32>
    %mul3A_104 = arith.mulf %get3A_34, %get3A_103 : vector<8192xf32>
    %add3A_105 = arith.addf %mul3A_99, %mul3A_104 : vector<8192xf32>
    %mul3A_106 = arith.constant 9.99999974E-5 : f32
    %mul3A_107 = vector.broadcast %mul3A_106 : f32 to vector<8192xf32>
    %mul3A_108 = arith.mulf %mul3A_107, %add3A_105 : vector<8192xf32>
    %add3A_109 = arith.addf %get3A_94, %mul3A_108 : vector<8192xf32>
    %get3A_110 = arith.constant 3 : index
    %get3A_111 = arith.constant 0 : index
    %get3A_112 = vector.load %arg5[%get3A_110, %get3A_111] : memref<4x8192xf32, #tpu.memory_space<vmem>>, vector<1x8192xf32>
    %get3A_113 = vector.shape_cast %get3A_112 : vector<1x8192xf32> to vector<8192xf32>
    %get3A_114 = arith.constant 1 : index
    %get3A_115 = arith.constant 0 : index
    %get3A_116 = vector.load %arg5[%get3A_114, %get3A_115] : memref<4x8192xf32, #tpu.memory_space<vmem>>, vector<1x8192xf32>
    %get3A_117 = vector.shape_cast %get3A_116 : vector<1x8192xf32> to vector<8192xf32>
    %mul3A_118 = arith.mulf %get3A_30, %get3A_117 : vector<8192xf32>
    %get3A_119 = arith.constant 3 : index
    %get3A_120 = arith.constant 0 : index
    %get3A_121 = vector.load %arg5[%get3A_119, %get3A_120] : memref<4x8192xf32, #tpu.memory_space<vmem>>, vector<1x8192xf32>
    %get3A_122 = vector.shape_cast %get3A_121 : vector<1x8192xf32> to vector<8192xf32>
    %mul3A_123 = arith.mulf %get3A_34, %get3A_122 : vector<8192xf32>
    %add3A_124 = arith.addf %mul3A_118, %mul3A_123 : vector<8192xf32>
    %mul3A_125 = arith.constant 9.99999974E-5 : f32
    %mul3A_126 = vector.broadcast %mul3A_125 : f32 to vector<8192xf32>
    %mul3A_127 = arith.mulf %mul3A_126, %add3A_124 : vector<8192xf32>
    %add3A_128 = arith.addf %get3A_113, %mul3A_127 : vector<8192xf32>
    %sub3A_129 = arith.constant 1.000000e+00 : f32
    %sub3A_130 = vector.broadcast %sub3A_129 : f32 to vector<8192xf32>
    %sub3A_131 = arith.subf %sub3A_130, %get3A_38 : vector<8192xf32>
    %mul3A_132 = arith.constant 1.000000e+01 : f32
    %mul3A_133 = vector.broadcast %mul3A_132 : f32 to vector<8192xf32>
    %mul3A_134 = arith.mulf %mul3A_133, %sub3A_131 : vector<8192xf32>
    %exp3A = math.exp %mul3A_134 : vector<8192xf32>
    %mul3A_135 = vector.broadcast %get3A_0 : f32 to vector<8192xf32>
    %mul3A_136 = arith.mulf %mul3A_135, %exp3A : vector<8192xf32>
    %mul3A_137 = vector.broadcast %get3A_2 : f32 to vector<8192xf32>
    %mul3A_138 = arith.mulf %mul3A_137, %exp3A : vector<8192xf32>
    %get3A_139 = arith.constant 0 : index
    %get3A_140 = arith.constant 0 : index
    %get3A_141 = vector.load %arg7[%get3A_139, %get3A_140] : memref<4x8192xf32, #tpu.memory_space<vmem>>, vector<1x8192xf32>
    %get3A_142 = vector.shape_cast %get3A_141 : vector<1x8192xf32> to vector<8192xf32>
    %get3A_143 = arith.constant 1 : index
    %get3A_144 = arith.constant 0 : index
    %get3A_145 = vector.load %arg7[%get3A_143, %get3A_144] : memref<4x8192xf32, #tpu.memory_space<vmem>>, vector<1x8192xf32>
    %get3A_146 = vector.shape_cast %get3A_145 : vector<1x8192xf32> to vector<8192xf32>
    %get3A_147 = arith.constant 2 : index
    %get3A_148 = arith.constant 0 : index
    %get3A_149 = vector.load %arg7[%get3A_147, %get3A_148] : memref<4x8192xf32, #tpu.memory_space<vmem>>, vector<1x8192xf32>
    %get3A_150 = vector.shape_cast %get3A_149 : vector<1x8192xf32> to vector<8192xf32>
    %get3A_151 = arith.constant 3 : index
    %get3A_152 = arith.constant 0 : index
    %get3A_153 = vector.load %arg7[%get3A_151, %get3A_152] : memref<4x8192xf32, #tpu.memory_space<vmem>>, vector<1x8192xf32>
    %get3A_154 = vector.shape_cast %get3A_153 : vector<1x8192xf32> to vector<8192xf32>
    %get3A_155 = arith.constant 0 : index
    %get3A_156 = arith.constant 0 : index
    %get3A_157 = vector.load %arg8[%get3A_155, %get3A_156] : memref<1x8192xf32, #tpu.memory_space<vmem>>, vector<1x8192xf32>
    %get3A_158 = vector.shape_cast %get3A_157 : vector<1x8192xf32> to vector<8192xf32>
    %sub3A_159 = arith.subf %add3A_71, %get3A_142 : vector<8192xf32>
    %sub3A_160 = arith.subf %add3A_90, %get3A_146 : vector<8192xf32>
    %sub3A_161 = arith.subf %add3A_109, %get3A_150 : vector<8192xf32>
    %sub3A_162 = arith.subf %add3A_128, %get3A_154 : vector<8192xf32>
    %mul3A_163 = arith.mulf %sub3A_159, %add3A_71 : vector<8192xf32>
    %mul3A_164 = arith.mulf %sub3A_160, %add3A_90 : vector<8192xf32>
    %add3A_165 = arith.addf %mul3A_163, %mul3A_164 : vector<8192xf32>
    %mul3A_166 = arith.mulf %sub3A_159, %add3A_109 : vector<8192xf32>
    %mul3A_167 = arith.mulf %sub3A_160, %add3A_128 : vector<8192xf32>
    %add3A_168 = arith.addf %mul3A_166, %mul3A_167 : vector<8192xf32>
    %mul3A_169 = arith.mulf %sub3A_161, %add3A_71 : vector<8192xf32>
    %mul3A_170 = arith.mulf %sub3A_162, %add3A_90 : vector<8192xf32>
    %add3A_171 = arith.addf %mul3A_169, %mul3A_170 : vector<8192xf32>
    %mul3A_172 = arith.mulf %sub3A_161, %add3A_109 : vector<8192xf32>
    %mul3A_173 = arith.mulf %sub3A_162, %add3A_128 : vector<8192xf32>
    %add3A_174 = arith.addf %mul3A_172, %mul3A_173 : vector<8192xf32>
    %mul3A_175 = arith.mulf %mul3A_138, %get3A_158 : vector<8192xf32>
    %sub3A_176 = arith.constant 1.000000e+00 : f32
    %sub3A_177 = vector.broadcast %sub3A_176 : f32 to vector<8192xf32>
    %sub3A_178 = arith.subf %get3A_158, %sub3A_177 : vector<8192xf32>
    %mul3A_179 = arith.mulf %mul3A_175, %sub3A_178 : vector<8192xf32>
    %mul3A_180 = arith.constant 2.000000e+00 : f32
    %mul3A_181 = vector.broadcast %mul3A_180 : f32 to vector<8192xf32>
    %mul3A_182 = arith.mulf %mul3A_181, %mul3A_136 : vector<8192xf32>
    %mul3A_183 = arith.mulf %mul3A_182, %add3A_165 : vector<8192xf32>
    %add3A_184 = arith.addf %mul3A_183, %mul3A_179 : vector<8192xf32>
    %mul3A_185 = arith.constant -9.99999974E-5 : f32
    %mul3A_186 = vector.broadcast %mul3A_185 : f32 to vector<8192xf32>
    %mul3A_187 = arith.mulf %mul3A_186, %add3A_184 : vector<8192xf32>
    %mul3A_188 = arith.constant 1.52587891E-5 : f32
    %mul3A_189 = vector.broadcast %mul3A_188 : f32 to vector<8192xf32>
    %mul3A_190 = arith.mulf %mul3A_189, %get3A_22 : vector<8192xf32>
    %add3A_191 = arith.addf %mul3A_187, %mul3A_190 : vector<8192xf32>
    %mul3A_192 = arith.constant 2.000000e+00 : f32
    %mul3A_193 = vector.broadcast %mul3A_192 : f32 to vector<8192xf32>
    %mul3A_194 = arith.mulf %mul3A_193, %mul3A_136 : vector<8192xf32>
    %mul3A_195 = arith.mulf %mul3A_194, %add3A_168 : vector<8192xf32>
    %mul3A_196 = arith.constant -9.99999974E-5 : f32
    %mul3A_197 = vector.broadcast %mul3A_196 : f32 to vector<8192xf32>
    %mul3A_198 = arith.mulf %mul3A_197, %mul3A_195 : vector<8192xf32>
    %mul3A_199 = arith.constant 1.52587891E-5 : f32
    %mul3A_200 = vector.broadcast %mul3A_199 : f32 to vector<8192xf32>
    %mul3A_201 = arith.mulf %mul3A_200, %get3A_26 : vector<8192xf32>
    %add3A_202 = arith.addf %mul3A_198, %mul3A_201 : vector<8192xf32>
    %mul3A_203 = arith.constant 2.000000e+00 : f32
    %mul3A_204 = vector.broadcast %mul3A_203 : f32 to vector<8192xf32>
    %mul3A_205 = arith.mulf %mul3A_204, %mul3A_136 : vector<8192xf32>
    %mul3A_206 = arith.mulf %mul3A_205, %add3A_171 : vector<8192xf32>
    %mul3A_207 = arith.constant -9.99999974E-5 : f32
    %mul3A_208 = vector.broadcast %mul3A_207 : f32 to vector<8192xf32>
    %mul3A_209 = arith.mulf %mul3A_208, %mul3A_206 : vector<8192xf32>
    %mul3A_210 = arith.constant 1.52587891E-5 : f32
    %mul3A_211 = vector.broadcast %mul3A_210 : f32 to vector<8192xf32>
    %mul3A_212 = arith.mulf %mul3A_211, %get3A_30 : vector<8192xf32>
    %add3A_213 = arith.addf %mul3A_209, %mul3A_212 : vector<8192xf32>
    %mul3A_214 = arith.constant 2.000000e+00 : f32
    %mul3A_215 = vector.broadcast %mul3A_214 : f32 to vector<8192xf32>
    %mul3A_216 = arith.mulf %mul3A_215, %mul3A_136 : vector<8192xf32>
    %mul3A_217 = arith.mulf %mul3A_216, %add3A_174 : vector<8192xf32>
    %add3A_218 = arith.addf %mul3A_217, %mul3A_179 : vector<8192xf32>
    %mul3A_219 = arith.constant -9.99999974E-5 : f32
    %mul3A_220 = vector.broadcast %mul3A_219 : f32 to vector<8192xf32>
    %mul3A_221 = arith.mulf %mul3A_220, %add3A_218 : vector<8192xf32>
    %mul3A_222 = arith.constant 1.52587891E-5 : f32
    %mul3A_223 = vector.broadcast %mul3A_222 : f32 to vector<8192xf32>
    %mul3A_224 = arith.mulf %mul3A_223, %get3A_34 : vector<8192xf32>
    %add3A_225 = arith.addf %mul3A_221, %mul3A_224 : vector<8192xf32>
    %mul3A_226 = arith.constant 1.52587891E-5 : f32
    %mul3A_227 = vector.broadcast %mul3A_226 : f32 to vector<8192xf32>
    %mul3A_228 = arith.mulf %mul3A_227, %get3A_14 : vector<8192xf32>
    %mul3A_229 = arith.mulf %add3A_191, %get3A_6 : vector<8192xf32>
    %mul3A_230 = arith.mulf %add3A_202, %get3A_10 : vector<8192xf32>
    %add3A_231 = arith.addf %mul3A_229, %mul3A_230 : vector<8192xf32>
    %sub3A_232 = arith.subf %mul3A_228, %add3A_231 : vector<8192xf32>
    %mul3A_233 = arith.constant 1.52587891E-5 : f32
    %mul3A_234 = vector.broadcast %mul3A_233 : f32 to vector<8192xf32>
    %mul3A_235 = arith.mulf %mul3A_234, %get3A_18 : vector<8192xf32>
    %mul3A_236 = arith.mulf %add3A_213, %get3A_6 : vector<8192xf32>
    %mul3A_237 = arith.mulf %add3A_225, %get3A_10 : vector<8192xf32>
    %add3A_238 = arith.addf %mul3A_236, %mul3A_237 : vector<8192xf32>
    %sub3A_239 = arith.subf %mul3A_235, %add3A_238 : vector<8192xf32>
    %swap3A = arith.constant 0 : index
    %swap3A_240 = arith.constant 0 : index
    %swap3A_241 = vector.load %arg9[%swap3A, %swap3A_240] : memref<4x8192xf32, #tpu.memory_space<vmem>>, vector<1x8192xf32>
    %swap3A_242 = vector.shape_cast %swap3A_241 : vector<1x8192xf32> to vector<8192xf32>
    %swap3A_243 = vector.shape_cast %add3A_71 : vector<8192xf32> to vector<1x8192xf32>
    tpu.vector_store %arg9[%swap3A, %swap3A_240], %swap3A_243 {strides = array<i32>} : memref<4x8192xf32, #tpu.memory_space<vmem>>, vector<1x8192xf32>,
    %swap3A_244 = arith.constant 1 : index
    %swap3A_245 = arith.constant 0 : index
    %swap3A_246 = vector.load %arg9[%swap3A_244, %swap3A_245] : memref<4x8192xf32, #tpu.memory_space<vmem>>, vector<1x8192xf32>
    %swap3A_247 = vector.shape_cast %swap3A_246 : vector<1x8192xf32> to vector<8192xf32>
    %swap3A_248 = vector.shape_cast %add3A_90 : vector<8192xf32> to vector<1x8192xf32>
    tpu.vector_store %arg9[%swap3A_244, %swap3A_245], %swap3A_248 {strides = array<i32>} : memref<4x8192xf32, #tpu.memory_space<vmem>>, vector<1x8192xf32>,
    %swap3A_249 = arith.constant 2 : index
    %swap3A_250 = arith.constant 0 : index
    %swap3A_251 = vector.load %arg9[%swap3A_249, %swap3A_250] : memref<4x8192xf32, #tpu.memory_space<vmem>>, vector<1x8192xf32>
    %swap3A_252 = vector.shape_cast %swap3A_251 : vector<1x8192xf32> to vector<8192xf32>
    %swap3A_253 = vector.shape_cast %add3A_109 : vector<8192xf32> to vector<1x8192xf32>
    tpu.vector_store %arg9[%swap3A_249, %swap3A_250], %swap3A_253 {strides = array<i32>} : memref<4x8192xf32, #tpu.memory_space<vmem>>, vector<1x8192xf32>,
    %swap3A_254 = arith.constant 3 : index
    %swap3A_255 = arith.constant 0 : index
    %swap3A_256 = vector.load %arg9[%swap3A_254, %swap3A_255] : memref<4x8192xf32, #tpu.memory_space<vmem>>, vector<1x8192xf32>
    %swap3A_257 = vector.shape_cast %swap3A_256 : vector<1x8192xf32> to vector<8192xf32>
    %swap3A_258 = vector.shape_cast %add3A_128 : vector<8192xf32> to vector<1x8192xf32>
    tpu.vector_store %arg9[%swap3A_254, %swap3A_255], %swap3A_258 {strides = array<i32>} : memref<4x8192xf32, #tpu.memory_space<vmem>>, vector<1x8192xf32>,
    %swap3A_259 = arith.constant 0 : index
    %swap3A_260 = arith.constant 0 : index
    %swap3A_261 = vector.load %arg10[%swap3A_259, %swap3A_260] : memref<8x8192xf32, #tpu.memory_space<vmem>>, vector<1x8192xf32>
    %swap3A_262 = vector.shape_cast %swap3A_261 : vector<1x8192xf32> to vector<8192xf32>
    %swap3A_263 = vector.shape_cast %sub3A_51 : vector<8192xf32> to vector<1x8192xf32>
    tpu.vector_store %arg10[%swap3A_259, %swap3A_260], %swap3A_263 {strides = array<i32>} : memref<8x8192xf32, #tpu.memory_space<vmem>>, vector<1x8192xf32>,
    %swap3A_264 = arith.constant 1 : index
    %swap3A_265 = arith.constant 0 : index
    %swap3A_266 = vector.load %arg10[%swap3A_264, %swap3A_265] : memref<8x8192xf32, #tpu.memory_space<vmem>>, vector<1x8192xf32>
    %swap3A_267 = vector.shape_cast %swap3A_266 : vector<1x8192xf32> to vector<8192xf32>
    %swap3A_268 = vector.shape_cast %sub3A_53 : vector<8192xf32> to vector<1x8192xf32>
    tpu.vector_store %arg10[%swap3A_264, %swap3A_265], %swap3A_268 {strides = array<i32>} : memref<8x8192xf32, #tpu.memory_space<vmem>>, vector<1x8192xf32>,
    %swap3A_269 = arith.constant 2 : index
    %swap3A_270 = arith.constant 0 : index
    %swap3A_271 = vector.load %arg10[%swap3A_269, %swap3A_270] : memref<8x8192xf32, #tpu.memory_space<vmem>>, vector<1x8192xf32>
    %swap3A_272 = vector.shape_cast %swap3A_271 : vector<1x8192xf32> to vector<8192xf32>
    %swap3A_273 = vector.shape_cast %sub3A_232 : vector<8192xf32> to vector<1x8192xf32>
    tpu.vector_store %arg10[%swap3A_269, %swap3A_270], %swap3A_273 {strides = array<i32>} : memref<8x8192xf32, #tpu.memory_space<vmem>>, vector<1x8192xf32>,
    %swap3A_274 = arith.constant 3 : index
    %swap3A_275 = arith.constant 0 : index
    %swap3A_276 = vector.load %arg10[%swap3A_274, %swap3A_275] : memref<8x8192xf32, #tpu.memory_space<vmem>>, vector<1x8192xf32>
    %swap3A_277 = vector.shape_cast %swap3A_276 : vector<1x8192xf32> to vector<8192xf32>
    %swap3A_278 = vector.shape_cast %sub3A_239 : vector<8192xf32> to vector<1x8192xf32>
    tpu.vector_store %arg10[%swap3A_274, %swap3A_275], %swap3A_278 {strides = array<i32>} : memref<8x8192xf32, #tpu.memory_space<vmem>>, vector<1x8192xf32>,
    %swap3A_279 = arith.constant 4 : index
    %swap3A_280 = arith.constant 0 : index
    %swap3A_281 = vector.load %arg10[%swap3A_279, %swap3A_280] : memref<8x8192xf32, #tpu.memory_space<vmem>>, vector<1x8192xf32>
    %swap3A_282 = vector.shape_cast %swap3A_281 : vector<1x8192xf32> to vector<8192xf32>
    %swap3A_283 = vector.shape_cast %add3A_191 : vector<8192xf32> to vector<1x8192xf32>
    tpu.vector_store %arg10[%swap3A_279, %swap3A_280], %swap3A_283 {strides = array<i32>} : memref<8x8192xf32, #tpu.memory_space<vmem>>, vector<1x8192xf32>,
    %swap3A_284 = arith.constant 5 : index
    %swap3A_285 = arith.constant 0 : index
    %swap3A_286 = vector.load %arg10[%swap3A_284, %swap3A_285] : memref<8x8192xf32, #tpu.memory_space<vmem>>, vector<1x8192xf32>
    %swap3A_287 = vector.shape_cast %swap3A_286 : vector<1x8192xf32> to vector<8192xf32>
    %swap3A_288 = vector.shape_cast %add3A_202 : vector<8192xf32> to vector<1x8192xf32>
    tpu.vector_store %arg10[%swap3A_284, %swap3A_285], %swap3A_288 {strides = array<i32>} : memref<8x8192xf32, #tpu.memory_space<vmem>>, vector<1x8192xf32>,
    %swap3A_289 = arith.constant 6 : index
    %swap3A_290 = arith.constant 0 : index
    %swap3A_291 = vector.load %arg10[%swap3A_289, %swap3A_290] : memref<8x8192xf32, #tpu.memory_space<vmem>>, vector<1x8192xf32>
    %swap3A_292 = vector.shape_cast %swap3A_291 : vector<1x8192xf32> to vector<8192xf32>
    %swap3A_293 = vector.shape_cast %add3A_213 : vector<8192xf32> to vector<1x8192xf32>
    tpu.vector_store %arg10[%swap3A_289, %swap3A_290], %swap3A_293 {strides = array<i32>} : memref<8x8192xf32, #tpu.memory_space<vmem>>, vector<1x8192xf32>,
    %swap3A_294 = arith.constant 7 : index
    %swap3A_295 = arith.constant 0 : index
    %swap3A_296 = vector.load %arg10[%swap3A_294, %swap3A_295] : memref<8x8192xf32, #tpu.memory_space<vmem>>, vector<1x8192xf32>
    %swap3A_297 = vector.shape_cast %swap3A_296 : vector<1x8192xf32> to vector<8192xf32>
    %swap3A_298 = vector.shape_cast %add3A_225 : vector<8192xf32> to vector<1x8192xf32>
    tpu.vector_store %arg10[%swap3A_294, %swap3A_295], %swap3A_298 {strides = array<i32>} : memref<8x8192xf32, #tpu.memory_space<vmem>>, vector<1x8192xf32>,
    %mul3A_299 = arith.constant 128 : i32
    %mul3A_300 = vector.broadcast %mul3A_299 : i32 to vector<8192xi32>
    %mul3A_301 = arith.muli %convert_element_type3A, %mul3A_300 : vector<8192xi32>
    %add3A_302 = arith.addi %mul3A_301, %convert_element_type3A_49 : vector<8192xi32>
    %swap3A_303 = arith.constant 0 : index
    %swap3A_304 = arith.constant 0 : index
    %swap3A_305 = vector.load %arg11[%swap3A_303, %swap3A_304] : memref<1x8192xi32, #tpu.memory_space<vmem>>, vector<1x8192xi32>
    %swap3A_306 = vector.shape_cast %swap3A_305 : vector<1x8192xi32> to vector<8192xi32>
    %swap3A_307 = vector.shape_cast %add3A_302 : vector<8192xi32> to vector<1x8192xi32>
    tpu.vector_store %arg11[%swap3A_303, %swap3A_304], %swap3A_307 {strides = array<i32>} : memref<1x8192xi32, #tpu.memory_space<vmem>>, vector<1x8192xi32>,
    return
  }
  func.func @transform_0(%arg0: i32) -> i32 {
    %c0_i32 = arith.constant 0 : i32
    %c0_i32_0 = arith.constant 0 : i32
    return %c0_i32 : i32
  }
  func.func @transform_1(%arg0: i32) -> (i32, i32) {
    %c0_i32 = arith.constant 0 : i32
    %c0_i32_0 = arith.constant 0 : i32
    return %c0_i32, %arg0 : i32, i32
  }
  func.func @transform_2(%arg0: i32) -> (i32, i32) {
    %c0_i32 = arith.constant 0 : i32
    %c0_i32_0 = arith.constant 0 : i32
    return %c0_i32, %arg0 : i32, i32
  }
  func.func @transform_3(%arg0: i32) -> (i32, i32) {
    %c0_i32 = arith.constant 0 : i32
    %c0_i32_0 = arith.constant 0 : i32
    return %c0_i32, %arg0 : i32, i32
  }
  func.func @transform_4(%arg0: i32) -> (i32, i32) {
    %c0_i32 = arith.constant 0 : i32
    %c0_i32_0 = arith.constant 0 : i32
    return %c0_i32, %arg0 : i32, i32
  }
  func.func @transform_5(%arg0: i32) -> (i32, i32) {
    %c0_i32 = arith.constant 0 : i32
    %c0_i32_0 = arith.constant 0 : i32
    return %c0_i32, %arg0 : i32, i32
  }
  func.func @transform_6(%arg0: i32) -> (i32, i32) {
    %c0_i32 = arith.constant 0 : i32
    %c0_i32_0 = arith.constant 0 : i32
    return %c0_i32, %arg0 : i32, i32
  }
  func.func @transform_7(%arg0: i32) -> (i32, i32) {
    %c0_i32 = arith.constant 0 : i32
    %c0_i32_0 = arith.constant 0 : i32
    return %c0_i32, %arg0 : i32, i32
  }
  func.func @transform_8(%arg0: i32) -> (i32, i32) {
    %c0_i32 = arith.constant 0 : i32
    %c0_i32_0 = arith.constant 0 : i32
    return %c0_i32, %arg0 : i32, i32
  }
  func.func @transform_9(%arg0: i32) -> (i32, i32) {
    %c0_i32 = arith.constant 0 : i32
    %c0_i32_0 = arith.constant 0 : i32
    return %c0_i32, %arg0 : i32, i32
  }
  func.func @transform_10(%arg0: i32) -> (i32, i32) {
    %c0_i32 = arith.constant 0 : i32
    %c0_i32_0 = arith.constant 0 : i32
    return %c0_i32, %arg0 : i32, i32
  }
}

module attributes {stable_mosaic.version = 14 : i64} {
  func.func @_phase2_body(%arg0: memref<32x7x128x128xf32, #tpu.memory_space<vmem>>, %arg1: memref<2x128x128xf32, #tpu.memory_space<vmem>>) attributes {dimension_semantics = [], scalar_prefetch = 0 : i64, scratch_operands = 0 : i64, tpu.core_type = #tpu.core_type<tc>} {
    %get3A = arith.constant 0 : index
    %get3A_0 = arith.constant 0 : index
    %get3A_1 = arith.constant 0 : index
    %get3A_2 = arith.constant 0 : index
    %get3A_3 = vector.load %arg0[%get3A, %get3A_0, %get3A_1, %get3A_2] : memref<32x7x128x128xf32, #tpu.memory_space<vmem>>, vector<32x7x128x128xf32>
    %reduce_sum3A = arith.constant dense<0.000000e+00> : vector<7x128x128xf32>
    %reduce_sum3A_4 = vector.multi_reduction <add>, %get3A_3, %reduce_sum3A [0] : vector<32x7x128x128xf32> to vector<7x128x128xf32>
    %slice3A = vector.extract_strided_slice %reduce_sum3A_4 {offsets = [0, 0, 0], sizes = [1, 128, 128], strides = [1, 1, 1]} : vector<7x128x128xf32> to vector<1x128x128xf32>
    %squeeze3A = vector.shape_cast %slice3A : vector<1x128x128xf32> to vector<128x128xf32>
    %slice3A_5 = vector.extract_strided_slice %reduce_sum3A_4 {offsets = [1, 0, 0], sizes = [1, 128, 128], strides = [1, 1, 1]} : vector<7x128x128xf32> to vector<1x128x128xf32>
    %squeeze3A_6 = vector.shape_cast %slice3A_5 : vector<1x128x128xf32> to vector<128x128xf32>
    %slice3A_7 = vector.extract_strided_slice %reduce_sum3A_4 {offsets = [2, 0, 0], sizes = [1, 128, 128], strides = [1, 1, 1]} : vector<7x128x128xf32> to vector<1x128x128xf32>
    %squeeze3A_8 = vector.shape_cast %slice3A_7 : vector<1x128x128xf32> to vector<128x128xf32>
    %iota3A = tpu.iota {dimensions = array<i32: 0>} : vector<128x128xi32>
    %iota3A_9 = tpu.iota {dimensions = array<i32: 1>} : vector<128x128xi32>
    %convert_element_type3A = arith.sitofp %iota3A : vector<128x128xi32> to vector<128x128xf32>
    %mul3A = arith.constant 7.812500e-03 : f32
    %mul3A_10 = vector.broadcast %mul3A : f32 to vector<128x128xf32>
    %mul3A_11 = arith.mulf %convert_element_type3A, %mul3A_10 : vector<128x128xf32>
    %convert_element_type3A_12 = arith.sitofp %iota3A_9 : vector<128x128xi32> to vector<128x128xf32>
    %mul3A_13 = arith.constant 7.812500e-03 : f32
    %mul3A_14 = vector.broadcast %mul3A_13 : f32 to vector<128x128xf32>
    %mul3A_15 = arith.mulf %convert_element_type3A_12, %mul3A_14 : vector<128x128xf32>
    %slice3A_16 = vector.extract_strided_slice %reduce_sum3A_4 {offsets = [3, 0, 0], sizes = [1, 128, 128], strides = [1, 1, 1]} : vector<7x128x128xf32> to vector<1x128x128xf32>
    %squeeze3A_17 = vector.shape_cast %slice3A_16 : vector<1x128x128xf32> to vector<128x128xf32>
    %mul3A_18 = arith.mulf %squeeze3A_17, %mul3A_11 : vector<128x128xf32>
    %add3A = arith.addf %squeeze3A_6, %mul3A_18 : vector<128x128xf32>
    %slice3A_19 = vector.extract_strided_slice %reduce_sum3A_4 {offsets = [4, 0, 0], sizes = [1, 128, 128], strides = [1, 1, 1]} : vector<7x128x128xf32> to vector<1x128x128xf32>
    %squeeze3A_20 = vector.shape_cast %slice3A_19 : vector<1x128x128xf32> to vector<128x128xf32>
    %mul3A_21 = arith.mulf %squeeze3A_20, %mul3A_15 : vector<128x128xf32>
    %add3A_22 = arith.addf %add3A, %mul3A_21 : vector<128x128xf32>
    %slice3A_23 = vector.extract_strided_slice %reduce_sum3A_4 {offsets = [5, 0, 0], sizes = [1, 128, 128], strides = [1, 1, 1]} : vector<7x128x128xf32> to vector<1x128x128xf32>
    %squeeze3A_24 = vector.shape_cast %slice3A_23 : vector<1x128x128xf32> to vector<128x128xf32>
    %mul3A_25 = arith.mulf %squeeze3A_24, %mul3A_11 : vector<128x128xf32>
    %add3A_26 = arith.addf %squeeze3A_8, %mul3A_25 : vector<128x128xf32>
    %slice3A_27 = vector.extract_strided_slice %reduce_sum3A_4 {offsets = [6, 0, 0], sizes = [1, 128, 128], strides = [1, 1, 1]} : vector<7x128x128xf32> to vector<1x128x128xf32>
    %squeeze3A_28 = vector.shape_cast %slice3A_27 : vector<1x128x128xf32> to vector<128x128xf32>
    %mul3A_29 = arith.mulf %squeeze3A_28, %mul3A_15 : vector<128x128xf32>
    %add3A_30 = arith.addf %add3A_26, %mul3A_29 : vector<128x128xf32>
    %gt3A = arith.constant 0.000000e+00 : f32
    %gt3A_31 = vector.broadcast %gt3A : f32 to vector<128x128xf32>
    %gt3A_32 = arith.cmpf ogt, %squeeze3A, %gt3A_31 : vector<128x128xf32>
    %jit3A = arith.constant 1.000000e+00 : f32
    %broadcast_in_dim3A = vector.broadcast %jit3A : f32 to vector<128x128xf32>
    %select_n3A = arith.select %gt3A_32, %squeeze3A, %broadcast_in_dim3A : vector<128x128xi1>, vector<128x128xf32>
    %div3A = arith.divf %add3A_22, %select_n3A : vector<128x128xf32>
    %select_n3A_33 = arith.select %gt3A_32, %div3A, %add3A_22 : vector<128x128xi1>, vector<128x128xf32>
    %div3A_34 = arith.divf %add3A_30, %select_n3A : vector<128x128xf32>
    %select_n3A_35 = arith.select %gt3A_32, %div3A_34, %add3A_30 : vector<128x128xi1>, vector<128x128xf32>
    %sub3A = arith.constant 1.000000e-03 : f32
    %sub3A_36 = vector.broadcast %sub3A : f32 to vector<128x128xf32>
    %sub3A_37 = arith.subf %select_n3A_35, %sub3A_36 : vector<128x128xf32>
    %lt3A = arith.constant 3 : i32
    %lt3A_38 = vector.broadcast %lt3A : i32 to vector<128x128xi32>
    %lt3A_39 = arith.cmpi slt, %iota3A, %lt3A_38 : vector<128x128xi32>
    %max3A = arith.constant 0.000000e+00 : f32
    %max3A_40 = vector.broadcast %max3A : f32 to vector<128x128xf32>
    %max3A_41 = arith.maximumf %select_n3A_33, %max3A_40 : vector<128x128xf32>
    %select_n3A_42 = arith.select %lt3A_39, %max3A_41, %select_n3A_33 : vector<128x128xi1>, vector<128x128xf32>
    %ge3A = arith.constant 126 : i32
    %ge3A_43 = vector.broadcast %ge3A : i32 to vector<128x128xi32>
    %ge3A_44 = arith.cmpi sge, %iota3A, %ge3A_43 : vector<128x128xi32>
    %min3A = arith.constant 0.000000e+00 : f32
    %min3A_45 = vector.broadcast %min3A : f32 to vector<128x128xf32>
    %min3A_46 = arith.minimumf %select_n3A_42, %min3A_45 : vector<128x128xf32>
    %select_n3A_47 = arith.select %ge3A_44, %min3A_46, %select_n3A_42 : vector<128x128xi1>, vector<128x128xf32>
    %lt3A_48 = arith.constant 3 : i32
    %lt3A_49 = vector.broadcast %lt3A_48 : i32 to vector<128x128xi32>
    %lt3A_50 = arith.cmpi slt, %iota3A_9, %lt3A_49 : vector<128x128xi32>
    %max3A_51 = arith.constant 0.000000e+00 : f32
    %max3A_52 = vector.broadcast %max3A_51 : f32 to vector<128x128xf32>
    %max3A_53 = arith.maximumf %sub3A_37, %max3A_52 : vector<128x128xf32>
    %select_n3A_54 = arith.select %lt3A_50, %max3A_53, %sub3A_37 : vector<128x128xi1>, vector<128x128xf32>
    %ge3A_55 = arith.constant 126 : i32
    %ge3A_56 = vector.broadcast %ge3A_55 : i32 to vector<128x128xi32>
    %ge3A_57 = arith.cmpi sge, %iota3A_9, %ge3A_56 : vector<128x128xi32>
    %min3A_58 = arith.constant 0.000000e+00 : f32
    %min3A_59 = vector.broadcast %min3A_58 : f32 to vector<128x128xf32>
    %min3A_60 = arith.minimumf %select_n3A_54, %min3A_59 : vector<128x128xf32>
    %select_n3A_61 = arith.select %ge3A_57, %min3A_60, %select_n3A_54 : vector<128x128xi1>, vector<128x128xf32>
    %swap3A = arith.constant 0 : index
    %swap3A_62 = arith.constant 0 : index
    %swap3A_63 = arith.constant 0 : index
    %swap3A_64 = vector.load %arg1[%swap3A, %swap3A_62, %swap3A_63] : memref<2x128x128xf32, #tpu.memory_space<vmem>>, vector<1x128x128xf32>
    %swap3A_65 = vector.shape_cast %swap3A_64 : vector<1x128x128xf32> to vector<128x128xf32>
    %swap3A_66 = vector.shape_cast %select_n3A_47 : vector<128x128xf32> to vector<1x128x128xf32>
    tpu.vector_store %arg1[%swap3A, %swap3A_62, %swap3A_63], %swap3A_66 {strides = array<i32>} : memref<2x128x128xf32, #tpu.memory_space<vmem>>, vector<1x128x128xf32>,
    %swap3A_67 = arith.constant 1 : index
    %swap3A_68 = arith.constant 0 : index
    %swap3A_69 = arith.constant 0 : index
    %swap3A_70 = vector.load %arg1[%swap3A_67, %swap3A_68, %swap3A_69] : memref<2x128x128xf32, #tpu.memory_space<vmem>>, vector<1x128x128xf32>
    %swap3A_71 = vector.shape_cast %swap3A_70 : vector<1x128x128xf32> to vector<128x128xf32>
    %swap3A_72 = vector.shape_cast %select_n3A_61 : vector<128x128xf32> to vector<1x128x128xf32>
    tpu.vector_store %arg1[%swap3A_67, %swap3A_68, %swap3A_69], %swap3A_72 {strides = array<i32>} : memref<2x128x128xf32, #tpu.memory_space<vmem>>, vector<1x128x128xf32>,
    return
  }
}

</mosaic_0001>

<sc_bundles>
// kernel: gather_offload_async_start.1
scs
__scs_entry_jumppad:
0x0: {  	(pc) =	sbr.rel $0x88, $3  }
0x1: {  	(tag) =	ssettag $0x0;
	lr =	simm.s32 $0x1  }
0x2: {  	[smem:$0x3F99] =	sst lr;
	_ =	strace $0xD0000000  }
0x3: {  	_ = 	snop  }
0x4: {  	_ = 	snop  }
0x5: {  	_ = 	snop  }
0x6: {  	_ = 	snop  }
0x7: {  	_ = 	snop  }
__scs_overlays_trampoline_lowered:
0x8: {  	[smem:$0x3FA8] =	sst s0  }
0x9: {  	[smem:$0x3FA9] =	sst s1  }
0xa: {  	[smem:$0x3FAA] =	sst s2  }
0xb: {  	[smem:$0x3FAB] =	sst s3  }
0xc: {  	[smem:$0x3FAC] =	sst s4  }
0xd: {  	[smem:$0x3FAD] =	sst s5  }
0xe: {  	[smem:$0x3FAE] =	sst s6  }
0xf: {  	[smem:$0x3FAF] =	sst s7  }
0x10: {  	[smem:$0x3FB0] =	sst s8  }
0x11: {  	[smem:$0x3FB1] =	sst s9;
	s0 =	simm.s32 @!p0 $0x0  }
0x12: {  	s1 =	sld [smem:$0x3F97];
	s0 =	simm.s32 @p0 $0x1  }
0x13: {  	[smem:$0x3FB2] =	sst s0;
	s0 =	simm.s32 @!p1 $0x0  }
0x14: {  	s2 =	sld [smem:$0x3F96];
	s0 =	simm.s32 @p1 $0x1  }
0x15: {  	[smem:$0x3FB3] =	sst s0;
	s0 =	simm.s32 @!p2 $0x0  }
0x16: {  	s3 =	sld [smem:$0x3FDB];
	s0 =	simm.s32 @p2 $0x1  }
0x17: {  	s4 =	simm.s32 $0x1BF5;
	[smem:$0x3FB5] =	sst s0  }
0x18: {  	s0 =	sld [smem:$0x3F98];
	_ =	swait.ge [sflag:s4], $0x0  }
0x19: {  	s7 =	sld [smem:$0x3F99]  }
0x1a: {  	s8 =	sadd.s32 $0xFFFFE003, lr  }
0x1b: {  	s9 =	sadd.s32 $0xFFFFFEF7, lr;
	s5 =	simm.s32 $0xFFFFFFFF;
	p2 =	slt.u32 s8, $0xFFFFF086  }
0x1c: {  	p1 =	slt.u32 s9, $0xF7A;
	s5 =	simm.s32 @!p2 $0x0  }
0x1d: {  	s5 =	simm.s32 @p1 $0x1;
	p0 =	seq.s32 s7, s2  }
0x1e: {  	s7 =	smul.u32 @!p0 $0xF7A, s2;
	p2 =	seq.s32 @!p0 s5, $0x0  }
0x1f: {  	s9 =	smul.u32 $0xF7A, s1;
	s8 =	simm.s32 @!p0 $0x1BF5;
	p2 =	por !p2, p0  }
0x20: {  	[sflag:s8] =	ssyncset.s32 @!p0 $0xFFFFF086;
	s6 =	sadd.s32 @!p0 s3, s7;
	s7 =	simm.s32 @!p0 $0x108  }
0x21: {  	s3 =	sadd.s32 s3, s9;
	s6 =	sadd.s32 @!p0 $0x88, s6;
	s7 =	simm.s32 @p2 $0x1082  }
0x22: {  	[simem:s7], [sflag:s8] =	dma.local @!p0 [hbm:s6], $0xF7A  }
0x23: {  	s9 =	sor.u32 $0xD0000000, s2;
	s6 =	simm.s32 $0x108;
	_ =	swait.ge @!p0 [sflag:s8], $0x0  }
0x24: {  	s3 =	sadd.s32 $0x88, s3;
	s6 =	simm.s32 @!p1 $0x1082;
	[sflag:s4] =	ssyncset.s32 $0xFFFFF086  }
0x25: {  	[simem:s6], [sflag:s4] =	dma.local [hbm:s3], $0xF7A  }
0x26: {  	[smem:$0x3F99] =	sst s1;
	(tag) =	ssettag s2;
	_ =	strace s9  }
0x27: {  	s1 =	sld [smem:$0x3FA9]  }
0x28: {  	s2 =	sld [smem:$0x3FAA]  }
0x29: {  	s4 =	sld [smem:$0x3FAC]  }
0x2a: {  	p0 =	seq.s32 s5, $0x0;
	s5 =	sld [smem:$0x3FAD]  }
0x2b: {  	s6 =	sld [smem:$0x3FAE]  }
0x2c: {  	s7 =	sld [smem:$0x3FAF]  }
0x2d: {  	s3 =	simm.s32 $0x108;
	s8 =	sld [smem:$0x3FB0]  }
0x2e: {  	s3 =	simm.s32 @!p0 $0x1082;
	s9 =	sld [smem:$0x3FB1]  }
0x2f: {  	lr =	sadd.s32 s0, s3;
	s0 =	sld [smem:$0x3FA8]  }
0x30: {  	s3 =	sld [smem:$0x3FAB]  }
0x31: {  	[smem:$0x3FB4] =	sst s10  }
0x32: {  	s10 =	sld [smem:$0x3FB2];
	_ =	sdelay $0x3  }
0x33: {  	p0 =	seq.s32 s10, $0x1;
	s10 =	sld [smem:$0x3FB4];
	_ =	sdelay $0x3  }
0x34: {  	[smem:$0x3FB4] =	sst s10  }
0x35: {  	s10 =	sld [smem:$0x3FB3];
	_ =	sdelay $0x3  }
0x36: {  	p1 =	seq.s32 s10, $0x1;
	s10 =	sld [smem:$0x3FB4];
	_ =	sdelay $0x3  }
0x37: {  	[smem:$0x3FB4] =	sst s10  }
0x38: {  	s10 =	sld [smem:$0x3FB5]  }
0x39: {  	_ = 	snop;
	(pc) =	sbr.ind lr, $3  }
0x3a: {  	_ = 	snop  }
0x3b: {  	_ = 	snop  }
0x3c: {  	p2 =	seq.s32 s10, $0x1;
	s10 =	sld [smem:$0x3FB4]  }
0x3d: {  	_ =	shalt  }
0x3e: {  	_ =	shalt  }
0x3f: {  	_ =	shalt  }
0x40: {  	_ =	shalt  }
0x41: {  	_ =	shalt  }
0x42: {  	_ =	shalt  }
0x43: {  	_ =	shalt  }
0x44: {  	_ =	shalt  }
0x45: {  	_ =	shalt  }
0x46: {  	_ =	shalt  }
0x47: {  	_ =	shalt  }
0x48: {  	_ =	shalt  }
0x49: {  	_ =	shalt  }
0x4a: {  	_ =	shalt  }
0x4b: {  	_ =	shalt  }
0x4c: {  	_ =	shalt  }
0x4d: {  	_ =	shalt  }
0x4e: {  	_ =	shalt  }
0x4f: {  	_ =	shalt  }
0x50: {  	_ =	shalt  }
0x51: {  	_ =	shalt  }
0x52: {  	_ =	shalt  }
0x53: {  	_ =	shalt  }
0x54: {  	_ =	shalt  }
0x55: {  	_ =	shalt  }
0x56: {  	_ =	shalt  }
0x57: {  	_ =	shalt  }
0x58: {  	_ =	shalt  }
0x59: {  	_ =	shalt  }
0x5a: {  	_ =	shalt  }
0x5b: {  	_ =	shalt  }
0x5c: {  	_ =	shalt  }
0x5d: {  	_ =	shalt  }
0x5e: {  	_ =	shalt  }
0x5f: {  	_ =	shalt  }
0x60: {  	_ =	shalt  }
0x61: {  	_ =	shalt  }
0x62: {  	_ =	shalt  }
0x63: {  	_ =	shalt  }
0x64: {  	_ =	shalt  }
0x65: {  	_ =	shalt  }
0x66: {  	_ =	shalt  }
0x67: {  	_ =	shalt  }
0x68: {  	_ =	shalt  }
0x69: {  	_ =	shalt  }
0x6a: {  	_ =	shalt  }
0x6b: {  	_ =	shalt  }
0x6c: {  	_ =	shalt  }
0x6d: {  	_ =	shalt  }
0x6e: {  	_ =	shalt  }
0x6f: {  	_ =	shalt  }
0x70: {  	_ =	shalt  }
0x71: {  	_ =	shalt  }
0x72: {  	_ =	shalt  }
0x73: {  	_ =	shalt  }
0x74: {  	_ =	shalt  }
0x75: {  	_ =	shalt  }
0x76: {  	_ =	shalt  }
0x77: {  	_ =	shalt  }
0x78: {  	_ =	shalt  }
0x79: {  	_ =	shalt  }
0x7a: {  	_ =	shalt  }
0x7b: {  	_ =	shalt  }
0x7c: {  	_ =	shalt  }
0x7d: {  	_ =	shalt  }
0x7e: {  	_ =	shalt  }
0x7f: {  	_ =	shalt  }
0x80: {  	_ =	shalt  }
0x81: {  	_ =	shalt  }
0x82: {  	_ =	shalt  }
0x83: {  	_ =	shalt  }
0x84: {  	_ =	shalt  }
0x85: {  	_ =	shalt  }
0x86: {  	_ =	shalt  }
0x87: {  	_ =	shalt  }
.Lfunc_end0:
.L_simem_size_0:
called_computation.1_lowered:
.L_overlay_start_0:
0x88: {  	s2 =	sld [smem:$0x3FD9]  }
0x89: {  	s3 =	sld [smem:$0x3FFE];
	_ =	sdelay $0x1  }
0x8a: {  	s1 =	srdreg.scid  }
0x8b: {  	s0 =	sand.u32 $0x1, s1  }
0x8c: {  	s14 =	sshll.u32 s0, $0xA;
	s2 =	sadd.s32 s3, s2  }
0x8d: {  	s2 =	sadd.s32 s2, s14  }
0x8e: {  	[smem:$0x3FC0] =	sst s2  }
0x8f: {  	_ = 	snop  }
0x90: {  	s2 =	sld [smem:$0x3FD0];
	_ =	sdelay $0x2  }
0x91: {  	s15 =	simm.s32 $0xA;
	s4 =	simm.s32 $0x10  }
0x92: {  	[smem:s4], [sflag:s15] =	dma.local [hbm:s2], $0x1  }
0x93: {  	_ =	swait.eq [sflag:s15], $0x1  }
0x94: {  	[sflag:s15] =	ssyncset.done $0x0  }
0x95: {  	s16 =	sld [smem:$0x10];
	[sflag:s15] =	ssyncadd.s32 $0xFFFFFFFF  }
0x96: {  	s17 =	sld [smem:$0x11];
	(tm) =	ssettm $0x1  }
0x97: {  	s18 =	sld [smem:$0x3FFB];
	_ =	sdelay $0x3  }
0x98: {  	_ =	strace s18  }
0x99: {  	s4 =	sld [smem:$0x3FFC];
	_ =	sdelay $0x3  }
0x9a: {  	_ =	strace s4  }
0x9b: {  	s4 =	sld [smem:$0x3FFD];
	_ =	sdelay $0x3  }
0x9c: {  	_ =	strace s4  }
0x9d: {  	_ =	strace $0x8FFFFFFF  }
0x9e: {  	s19 =	sld [smem:$0x3FDB];
	_ =	sdelay $0x1  }
0x9f: {  	s5 =	simm.s32 $_scs_section_size  }
0xa0: {  	s6 =	simm.s32 $_size__tile_overlayer_lowered;
	s7 =	simm.s32 $_tile_overlayer_lowered  }
0xa1: {  	s22 =	simm.s32 $0x1BFF;
	s21 =	sshll.u32 s7, $0x1;
	s4 =	sadd.s32 s5, s19  }
0xa2: {  	s8 =	simm.s32 $0x0;
	s20 =	sshll.u32 s6, $0x1;
	s6 =	sadd.s32 s21, s4  }
0xa3: {  	[timem:s8], [sflag:s22] =	dma.local [hbm:s6], s20  }
0xa4: {  	_ =	swait.ge [sflag:s22], s20  }
0xa5: {  	s5 =	ssub.s32 $0x0, s20;
	[sflag:s22] =	ssyncset.done $0x0  }
0xa6: {  	[sflag:s22] =	ssyncadd.s32 s5;
	_ =	sdelay $0x1  }
0xa7: {  	s23 =	simm.s32 $0x1B8B  }
0xa8: {  	_ =	swait.ge [sflag:s23], $0x1  }
0xa9: {  	[sflag:s23] =	ssyncset.done $0x0  }
0xaa: {  	s25 =	simm.s32 $0x1B8E;
	s24 =	sld [smem:$0x3FFE];
	[sflag:s23] =	ssyncadd.s32 $0xFFFFFFFF  }
0xab: {  	s26 =	simm.s32 $execute0_lowered;
	[smem:$0x3FD2] =	sst s25  }
0xac: {  	s6 =	sshll.u32 s26, $0x1;
	_ =	strace $0x80000046;
	[dreg:$0x1] =	wrdreg $0xFFFFFFFF  }
0xad: {  	s28 =	simm.s32 $_size_execute0_lowered;
	s4 =	sadd.s32 s4, s6;
	[dreg:$0x0] =	wrdreg $0x0  }
0xae: {  	s6 =	sshll.u32 s28, $0x1;
	[dreg:$0x2] =	wrdreg s4  }
0xaf: {  	[dreg:$0x3] =	wrdreg s6  }
0xb0: {  	[dreg:$0x4] =	wrdreg $0xC0  }
0xb1: {  	_ =	task [dreg:s8], $0x5FFFF  }
0xb2: {  	[dreg:$0x1] =	wrdreg $0xFFFFFFFF  }
0xb3: {  	[dreg:$0x0] =	wrdreg $0x60  }
0xb4: {  	[dreg:$0x2] =	wrdreg s16  }
0xb5: {  	[dreg:$0x3] =	wrdreg s17  }
0xb6: {  	[dreg:$0x4] =	wrdreg s24  }
0xb7: {  	[dreg:$0x5] =	wrdreg $0x9  }
0xb8: {  	_ =	task.clear_ibuf [dreg:s8], $0x6FFFF;
	_ =	strace $0x90000046  }
0xb9: {  	s29 =	simm.s32 $0x9;
	_ =	strace $0x80000048  }
0xba: {  	_ =	swait.ge [sflag:s29], $0x1  }
0xbb: {  	[sflag:s29] =	ssyncadd.s32 $0xFFFFFFFF  }
0xbc: {  	_ =	strace $0x90000048  }
0xbd: {  	_ =	sfence  }
0xbe: {  	s30 =	sld [smem:$0x0];
	_ =	sdelay $0x2  }
0xbf: {  	s31 =	sshll.u32 s1, $0xD;
	s1 =	sshrl.u32 s1, $0x2  }
0xc0: {  	s3 =	sand.u32 $0x4000, s31;
	s1 =	sadd.s32 s1, s30  }
0xc1: {  	s0 =	sor.u32 s3, s0;
	s1 =	sshll.u32 s1, $0x11  }
0xc2: {  	s0 =	sor.u32 s1, s0  }
0xc3: {  	s0 =	sadd.s32 $0x8F2B, s0  }
0xc4: {  	[sflag:s0] =	ssyncadd.remote.s32 $0x1  }
0xc5: {  	_ =	sfence.sel $0xFFFF  }
0xc6: {  	[dreg:$0x0] =	wrdreg $0xFFFFFFFF;
	(pc) =	sbr.abs _section_cstart, $3  }
0xc7: {  	[dreg:$0x1] =	wrdreg $0xFFFFFFFF  }
0xc8: {  	_ =	task.clear_ibuf [dreg:s8], $0x2FFFF;
	_ =	strace $0x9FFFFFFF  }
0xc9: {  	(tm) =	ssettm $0x7FFFFFFF  }
tec
execute0_lowered:
.L_overlay_start_1:
0x0: {  	(tag) =	ssettag $0x1  }
0x1: {  	s2 =	rddreg [dreg:$0x0]  }
0x2: {  	s1 =	srdreg.scid;
	s3 =	rddreg [dreg:$0x1]  }
0x3: {  	s0 =	stileid.u32;
	s5 =	rddreg [dreg:$0x2]  }
0x4: {  	s9 =	simm.s32 $0x1;
	s10 =	simm.s32 $0x3;
	s1 =	sshll.u32 s1, $0xD  }
0x5: {  	s13 =	simm.s32 $0x0;
	s4 =	sshll.u32 s0, $0xE;
	s6 =	sand.u32 $0x2000, s1  }
0x6: {  	s12 =	simm.s32 $0x0;
	s5 =	sadd.s32 $0x20E00, s5;
	s4 =	sor.u32 s4, s6  }
0x7: {  	s1 =	rddreg [dreg:$0x3];
	_ =	strace $0x80000047;
	s8 =	ssub.s32 $0x80000, s4  }
.Ltmp0:
0x8: {  	s6 =	simm.s32 $0x1;
	s7 =	sand.u32 $0x3E000, s8;
	(pc) =	sbr.rel .LBB2_1-.Ltmp0, $4  }
0x9: {  	[sflag:s6] =	ssyncpa.u1 $0x0;
	s11 =	smov.u32 s4;
	p0 =	sne.s32 s7, $0x0  }
0xa: {  	s8 =	sshrl.u32 s8, $0x12;
	s7 =	simm.s32 $0x2;
	s9 =	simm.s32 @!p0 $0x0  }
0xb: {  	[sflag:s7] =	ssyncpa.u1 $0x0;
	p0 =	por $0x0, $0x0;
	s8 =	sadd.s32 s9, s8  }
0xc: {  	vm0 =	vmmov $0xffff;
	[sflag:s10] =	ssyncpa.u1 $0x0;
	s10 =	simm.s32 $0x0;
	s9 =	sadd.s32 $0x1, s8  }
.LBB2_4:
0xd: {  	v1 =	vsel vm1, $0xFFFFFFFF, v1;
	v2 =	vand.u32 $0x1, v2  }
0xe: {  	v2 =	vsel vm1, $0xFFFFFFFF, v2;
	v3 =	vshll.u32 v1, $0x1  }
0xf: {  	v4 =	vand.u32 $0xFFF80000, v2;
	v3 =	vand.u32 $0xFFFFFF00, v3;
	v2 =	vshll.u32 v2, $0x7  }
0x10: {  	v3 =	vadd.s32 v3, v4;
	v2 =	vand.u32 $0x80, v2  }
0x11: {  	v1 =	vand.u32 $0x7F, v1;
	v2 =	vor.u32 v2, v3  }
0x12: {  	v1 =	vor.u32 v1, v2;
	_ =	sdelay $0x1  }
0x13: {  	(ifvalue) =	ssetifvalue $0x7FFFFFFF;
	s15 =	sadd.s32 $0x10, s15  }
0x14: {  	[tilespmem:s15], [sflag:$0x1] =	stream.indirect_vreg.gather [hbm4b:s2+s10], $0x1, v0, vm0, $0x4038;
	[tilespmem:$0x8000] =	vst v63  }
0x15: {  	(ifvalue) =	ssetifvalue $0x7FFFFFFF;
	s15 =	sadd.s32 $0x10, s15  }
0x16: {  	[tilespmem:s15], [sflag:$0x1] =	stream.indirect_vreg.gather [hbm4b:s2+s10], $0x1, v1, vm0, $0x4038;
	[tilespmem:$0x8000] =	vst v63  }
0x17: {  	_ =	swait.ge [sflag:s6], $0x2000  }
0x18: {  	s30 =	sshrl.u32 s13, $0x3;
	[sflag:s6] =	ssyncset.done $0x0  }
0x19: {  	s31 =	sand.u32 $0x7, s13;
	s15 =	sadd.s32 s5, s30;
	[sflag:s6] =	ssyncadd.s32 $0xFFFFE000  }
0x1a: {  	[hbm4b:s15+s31] =	stream.linear.scatter [tilespmem:s14], [sflag:$0x3], $0x2000, $0x38;
	[tilespmem:$0x8000] =	vst v63  }
.LBB2_5:
0x1b: {  	s15 =	sadd.s32 $0x40000, s11  }
0x1c: {  	p2 =	sgt.s32 s15, $0x7FFFF  }
0x1d: {  	s15 =	smov.u32 @p2 s4;
	p2 =	sne.s32 s12, s9  }
.Ltmp1:
0x1e: {  	p1 =	slt.u32 s12, $0x2;
	(pc) =	sbr.rel @!p2 .LBB2_6-.Ltmp1, $4  }
0x1f: {  	s14 =	simm.s32 @!p1 $0x3  }
0x20: {  	s16 =	sadd.s32 $0x1, s12;
	_ =	swait.ge @!p1 [sflag:s14], $0x2000  }
0x21: {  	s13 =	smov.u32 s11;
	p0 =	por !p0, !p0;
	[sflag:s14] =	ssyncset.done @!p1 $0x0  }
0x22: {  	s12 =	smov.u32 s16;
	s11 =	smov.u32 s15;
	[sflag:s14] =	ssyncadd.s32 @!p1 $0xFFFFE000  }
.LBB2_1:
0x23: {  	p1 =	sge.u32 s12, s8  }
0x24: {  	s14 =	sxor.u32 @!p1 $0xFFFFFFFF, s12  }
0x25: {  	s31 =	sadd.s32 $0xFFFFFFFF, s12;
	s15 =	sshrl.u32 @!p1 s11, $0x3;
	s14 =	sshll.u32 @!p1 s14, $0xD  }
0x26: {  	s16 =	sand.u32 @!p1 $0x7, s11;
	s15 =	sadd.s32 @!p1 s3, s15;
	s14 =	sand.u32 @!p1 $0x2000, s14  }
0x27: {  	[tilespmem:s14], [sflag:$0x2] =	stream.linear.gather @!p1 [hbm4b:s15+s16], $0x2000, $0x38;
	[tilespmem:$0x8000] =	vst v63  }
0x28: {  	p1 =	sge.u32 s31, s8  }
.Ltmp2:
0x29: {  	_ = 	snop;
	(pc) =	sbr.rel @p1 .LBB2_5-.Ltmp2, $1  }
0x2a: {  	_ =	sdelay $0x3  }
0x2b: {  	s14 =	simm.s32 $0x1  }
0x2c: {  	_ =	swait.ge [sflag:s7], $0x2000;
	s14 =	simm.s32 @!p0 $0x0  }
0x2d: {  	[sflag:s7] =	ssyncset.done $0x0;
	s14 =	sshll.u32 s14, $0xD  }
0x2e: {  	[sflag:s7] =	ssyncadd.s32 $0xFFFFE000;
	(ifvalue) =	ssetifvalue $0x7FFFFFFF;
	v0 =	vld.msk [tilespmem:s14+$0x0 ss:$0x1], $0xffff;
	_ =	sdelay $0x3  }
0x2f: {  	s15 =	sadd.s32 $0x10, s14  }
0x30: {  	v2 =	vld.msk [tilespmem:s15+$0x0 ss:$0x1], $0xffff;
	vm1 =	veq.s32 v0, $0x80000000;
	v1 =	vand.u32 $0x3FFFF, v0;
	v0 =	vshrl.u32 v0, $0x12  }
0x31: {  	v1 =	vsel vm1, $0xFFFFFFFF, v1;
	v0 =	vand.u32 $0x1, v0  }
0x32: {  	v0 =	vsel vm1, $0xFFFFFFFF, v0;
	v3 =	vshll.u32 v1, $0x1  }
0x33: {  	v4 =	vand.u32 $0xFFF80000, v0;
	v3 =	vand.u32 $0xFFFFFF00, v3;
	v0 =	vshll.u32 v0, $0x7  }
0x34: {  	v3 =	vadd.s32 v3, v4;
	v0 =	vand.u32 $0x80, v0  }
0x35: {  	v1 =	vand.u32 $0x7F, v1;
	vm1 =	veq.s32 v2, $0x80000000;
	v0 =	vor.u32 v0, v3  }
0x36: {  	v0 =	vor.u32 v1, v0;
	v1 =	vand.u32 $0x3FFFF, v2;
	v2 =	vshrl.u32 v2, $0x12  }
0x37: {  	s17 =	sadd.s32 $0x10, s15;
	v1 =	vsel vm1, $0xFFFFFFFF, v1;
	v2 =	vand.u32 $0x1, v2  }
0x38: {  	v3 =	vld.msk [tilespmem:s17+$0x0 ss:$0x1], $0xffff;
	v2 =	vsel vm1, $0xFFFFFFFF, v2;
	v63 =	vshll.u32 v1, $0x1  }
0x39: {  	v5 =	vand.u32 $0xFFF80000, v2;
	v4 =	vand.u32 $0xFFFFFF00, v63;
	v2 =	vshll.u32 v2, $0x7  }
0x3a: {  	s31 =	sshll.u32 s12, $0xD;
	s15 =	sor.u32 $0x4000, s14;
	(ifvalue) =	ssetifvalue $0x7FFFFFFF;
	v4 =	vadd.s32 v4, v5;
	v2 =	vand.u32 $0x80, v2  }
0x3b: {  	[tilespmem:s15], [sflag:$0x1] =	stream.indirect_vreg.gather [hbm4b:s2+s10], $0x1, v0, vm0, $0x4038;
	v0 =	vand.u32 $0x7F, v1;
	v1 =	vor.u32 v2, v4;
	[tilespmem:$0x8000] =	vst v63  }
0x3c: {  	s14 =	sand.u32 $0x2000, s31;
	v0 =	vor.u32 v0, v1  }
0x3d: {  	s16 =	simm.s32 $0x20;
	s14 =	sor.u32 $0x4000, s14;
	s17 =	sadd.s32 $0x10, s17;
	vm1 =	veq.s32 v3, $0x80000000;
	v2 =	vshrl.u32 v3, $0x12;
	v1 =	vand.u32 $0x3FFFF, v3  }
.LBB2_3:
0x3e: {  	v3 =	vld.msk [tilespmem:s17+$0x0 ss:$0x1], $0xffff;
	s16 =	sadd.s32 $0x10, s16;
	v1 =	vsel vm1, $0xFFFFFFFF, v1;
	v2 =	vand.u32 $0x1, v2  }
0x3f: {  	p1 =	slt.u32 s16, $0x1FF0;
	v2 =	vsel vm1, $0xFFFFFFFF, v2;
	v4 =	vshll.u32 v1, $0x1  }
.Ltmp3:
0x40: {  	s15 =	sadd.s32 $0x10, s15;
	v5 =	vand.u32 $0xFFF80000, v2;
	v4 =	vand.u32 $0xFFFFFF00, v4;
	v2 =	vshll.u32 v2, $0x7;
	(ifvalue) =	ssetifvalue $0x7FFFFFFF;
	(pc) =	sbr.rel @p1 .LBB2_3-.Ltmp3, $4  }
0x41: {  	v4 =	vadd.s32 v4, v5;
	v2 =	vand.u32 $0x80, v2;
	[tilespmem:s15], [sflag:$0x1] =	stream.indirect_vreg.gather [hbm4b:s2+s10], $0x1, v0, vm0, $0x4038;
	[tilespmem:$0x8000] =	vst v63  }
0x42: {  	v0 =	vand.u32 $0x7F, v1;
	v1 =	vor.u32 v2, v4  }
0x43: {  	v0 =	vor.u32 v0, v1  }
0x44: {  	s17 =	sadd.s32 $0x10, s17;
	vm1 =	veq.s32 v3, $0x80000000;
	v1 =	vand.u32 $0x3FFFF, v3;
	v2 =	vshrl.u32 v3, $0x12  }
.Ltmp4:
0x45: {  	_ = 	snop;
	(pc) =	sbr.rel .LBB2_4-.Ltmp4, $1  }
0x46: {  	_ =	sdelay $0x3  }
.LBB2_6:
0x47: {  	_ =	sfence.sel $0x180000  }
0x48: {  	s2 =	simm.s32 $0x2;
	[bflag:$0x0] =	sbarrier.arrive $0xFFFF  }
0x49: {  	s30 =	simm.s32 $0x3;
	[sflag:s2] =	ssyncpa.u1 $0x1  }
0x4a: {  	s31 =	simm.s32 $0x1;
	[sflag:s30] =	ssyncpa.u1 $0x1  }
0x4b: {  	[sflag:s31] =	ssyncpa.u1 $0x1  }
0x4c: {  	p0 =	sne.s32 s0, $0x0;
	_ =	strace $0x90000047  }
0x4d: {  	s0 =	sadd.s32 @!p0 $0x100000, s1;
	[bflag:$0x2] =	sbarrier.arrive $0xFFFF  }
0x4e: {  	[sflag:s0] =	ssyncadd.tile.s32 @!p0 $0x1;
	_ =	shalt  }
.Lfunc_end2:
_tile_overlayer_lowered:
.L_overlay_start_2:
0x4f: {  	(tag) =	ssettag $0x2  }
0x50: {  	s0 =	rddreg [dreg:$0x0];
	s2 =	stileid.u32  }
0x51: {  	s1 =	rddreg [dreg:$0x1];
	p0 =	sne.s32 s2, $0x0  }
0x52: {  	s3 =	rddreg [dreg:$0x2];
	[bflag:$0x3] =	sbarrier.arrive $0xFFFF;
	s2 =	simm.s32 @!p0 $0x1C01  }
0x53: {  	[timem:s3], [sflag:s2] =	dma.local @!p0 [hbm:s0], s1  }
0x54: {  	s0 =	simm.s32 @!p0 $0x1  }
0x55: {  	_ =	swait.ge @!p0 [sflag:s0], s1  }
0x56: {  	s1 =	ssub.s32 @!p0 $0x0, s1;
	[sflag:s0] =	ssyncset.done @!p0 $0x0  }
0x57: {  	[sflag:s0] =	ssyncadd.s32 @!p0 s1  }
0x58: {  	[bflag:$0x3] =	sbarrier.arrive $0xFFFF  }
0x59: {  	_ =	shalt  }

// kernel: gather_offload_async_start
scs
__scs_entry_jumppad:
0x0: {  	(pc) =	sbr.rel $0x88, $3  }
0x1: {  	(tag) =	ssettag $0x0;
	lr =	simm.s32 $0x1  }
0x2: {  	[smem:$0x3F99] =	sst lr;
	_ =	strace $0xD0000000  }
0x3: {  	_ = 	snop  }
0x4: {  	_ = 	snop  }
0x5: {  	_ = 	snop  }
0x6: {  	_ = 	snop  }
0x7: {  	_ = 	snop  }
__scs_overlays_trampoline_lowered:
0x8: {  	[smem:$0x3FA8] =	sst s0  }
0x9: {  	[smem:$0x3FA9] =	sst s1  }
0xa: {  	[smem:$0x3FAA] =	sst s2  }
0xb: {  	[smem:$0x3FAB] =	sst s3  }
0xc: {  	[smem:$0x3FAC] =	sst s4  }
0xd: {  	[smem:$0x3FAD] =	sst s5  }
0xe: {  	[smem:$0x3FAE] =	sst s6  }
0xf: {  	[smem:$0x3FAF] =	sst s7  }
0x10: {  	[smem:$0x3FB0] =	sst s8  }
0x11: {  	[smem:$0x3FB1] =	sst s9;
	s0 =	simm.s32 @!p0 $0x0  }
0x12: {  	s1 =	sld [smem:$0x3F97];
	s0 =	simm.s32 @p0 $0x1  }
0x13: {  	[smem:$0x3FB2] =	sst s0;
	s0 =	simm.s32 @!p1 $0x0  }
0x14: {  	s2 =	sld [smem:$0x3F96];
	s0 =	simm.s32 @p1 $0x1  }
0x15: {  	[smem:$0x3FB3] =	sst s0;
	s0 =	simm.s32 @!p2 $0x0  }
0x16: {  	s3 =	sld [smem:$0x3FDB];
	s0 =	simm.s32 @p2 $0x1  }
0x17: {  	s4 =	simm.s32 $0x1BF5;
	[smem:$0x3FB5] =	sst s0  }
0x18: {  	s0 =	sld [smem:$0x3F98];
	_ =	swait.ge [sflag:s4], $0x0  }
0x19: {  	s7 =	sld [smem:$0x3F99]  }
0x1a: {  	s8 =	sadd.s32 $0xFFFFE003, lr  }
0x1b: {  	s9 =	sadd.s32 $0xFFFFFEF7, lr;
	s5 =	simm.s32 $0xFFFFFFFF;
	p2 =	slt.u32 s8, $0xFFFFF086  }
0x1c: {  	p1 =	slt.u32 s9, $0xF7A;
	s5 =	simm.s32 @!p2 $0x0  }
0x1d: {  	s5 =	simm.s32 @p1 $0x1;
	p0 =	seq.s32 s7, s2  }
0x1e: {  	s7 =	smul.u32 @!p0 $0xF7A, s2;
	p2 =	seq.s32 @!p0 s5, $0x0  }
0x1f: {  	s9 =	smul.u32 $0xF7A, s1;
	s8 =	simm.s32 @!p0 $0x1BF5;
	p2 =	por !p2, p0  }
0x20: {  	[sflag:s8] =	ssyncset.s32 @!p0 $0xFFFFF086;
	s6 =	sadd.s32 @!p0 s3, s7;
	s7 =	simm.s32 @!p0 $0x108  }
0x21: {  	s3 =	sadd.s32 s3, s9;
	s6 =	sadd.s32 @!p0 $0x88, s6;
	s7 =	simm.s32 @p2 $0x1082  }
0x22: {  	[simem:s7], [sflag:s8] =	dma.local @!p0 [hbm:s6], $0xF7A  }
0x23: {  	s9 =	sor.u32 $0xD0000000, s2;
	s6 =	simm.s32 $0x108;
	_ =	swait.ge @!p0 [sflag:s8], $0x0  }
0x24: {  	s3 =	sadd.s32 $0x88, s3;
	s6 =	simm.s32 @!p1 $0x1082;
	[sflag:s4] =	ssyncset.s32 $0xFFFFF086  }
0x25: {  	[simem:s6], [sflag:s4] =	dma.local [hbm:s3], $0xF7A  }
0x26: {  	[smem:$0x3F99] =	sst s1;
	(tag) =	ssettag s2;
	_ =	strace s9  }
0x27: {  	s1 =	sld [smem:$0x3FA9]  }
0x28: {  	s2 =	sld [smem:$0x3FAA]  }
0x29: {  	s4 =	sld [smem:$0x3FAC]  }
0x2a: {  	p0 =	seq.s32 s5, $0x0;
	s5 =	sld [smem:$0x3FAD]  }
0x2b: {  	s6 =	sld [smem:$0x3FAE]  }
0x2c: {  	s7 =	sld [smem:$0x3FAF]  }
0x2d: {  	s3 =	simm.s32 $0x108;
	s8 =	sld [smem:$0x3FB0]  }
0x2e: {  	s3 =	simm.s32 @!p0 $0x1082;
	s9 =	sld [smem:$0x3FB1]  }
0x2f: {  	lr =	sadd.s32 s0, s3;
	s0 =	sld [smem:$0x3FA8]  }
0x30: {  	s3 =	sld [smem:$0x3FAB]  }
0x31: {  	[smem:$0x3FB4] =	sst s10  }
0x32: {  	s10 =	sld [smem:$0x3FB2];
	_ =	sdelay $0x3  }
0x33: {  	p0 =	seq.s32 s10, $0x1;
	s10 =	sld [smem:$0x3FB4];
	_ =	sdelay $0x3  }
0x34: {  	[smem:$0x3FB4] =	sst s10  }
0x35: {  	s10 =	sld [smem:$0x3FB3];
	_ =	sdelay $0x3  }
0x36: {  	p1 =	seq.s32 s10, $0x1;
	s10 =	sld [smem:$0x3FB4];
	_ =	sdelay $0x3  }
0x37: {  	[smem:$0x3FB4] =	sst s10  }
0x38: {  	s10 =	sld [smem:$0x3FB5]  }
0x39: {  	_ = 	snop;
	(pc) =	sbr.ind lr, $3  }
0x3a: {  	_ = 	snop  }
0x3b: {  	_ = 	snop  }
0x3c: {  	p2 =	seq.s32 s10, $0x1;
	s10 =	sld [smem:$0x3FB4]  }
0x3d: {  	_ =	shalt  }
0x3e: {  	_ =	shalt  }
0x3f: {  	_ =	shalt  }
0x40: {  	_ =	shalt  }
0x41: {  	_ =	shalt  }
0x42: {  	_ =	shalt  }
0x43: {  	_ =	shalt  }
0x44: {  	_ =	shalt  }
0x45: {  	_ =	shalt  }
0x46: {  	_ =	shalt  }
0x47: {  	_ =	shalt  }
0x48: {  	_ =	shalt  }
0x49: {  	_ =	shalt  }
0x4a: {  	_ =	shalt  }
0x4b: {  	_ =	shalt  }
0x4c: {  	_ =	shalt  }
0x4d: {  	_ =	shalt  }
0x4e: {  	_ =	shalt  }
0x4f: {  	_ =	shalt  }
0x50: {  	_ =	shalt  }
0x51: {  	_ =	shalt  }
0x52: {  	_ =	shalt  }
0x53: {  	_ =	shalt  }
0x54: {  	_ =	shalt  }
0x55: {  	_ =	shalt  }
0x56: {  	_ =	shalt  }
0x57: {  	_ =	shalt  }
0x58: {  	_ =	shalt  }
0x59: {  	_ =	shalt  }
0x5a: {  	_ =	shalt  }
0x5b: {  	_ =	shalt  }
0x5c: {  	_ =	shalt  }
0x5d: {  	_ =	shalt  }
0x5e: {  	_ =	shalt  }
0x5f: {  	_ =	shalt  }
0x60: {  	_ =	shalt  }
0x61: {  	_ =	shalt  }
0x62: {  	_ =	shalt  }
0x63: {  	_ =	shalt  }
0x64: {  	_ =	shalt  }
0x65: {  	_ =	shalt  }
0x66: {  	_ =	shalt  }
0x67: {  	_ =	shalt  }
0x68: {  	_ =	shalt  }
0x69: {  	_ =	shalt  }
0x6a: {  	_ =	shalt  }
0x6b: {  	_ =	shalt  }
0x6c: {  	_ =	shalt  }
0x6d: {  	_ =	shalt  }
0x6e: {  	_ =	shalt  }
0x6f: {  	_ =	shalt  }
0x70: {  	_ =	shalt  }
0x71: {  	_ =	shalt  }
0x72: {  	_ =	shalt  }
0x73: {  	_ =	shalt  }
0x74: {  	_ =	shalt  }
0x75: {  	_ =	shalt  }
0x76: {  	_ =	shalt  }
0x77: {  	_ =	shalt  }
0x78: {  	_ =	shalt  }
0x79: {  	_ =	shalt  }
0x7a: {  	_ =	shalt  }
0x7b: {  	_ =	shalt  }
0x7c: {  	_ =	shalt  }
0x7d: {  	_ =	shalt  }
0x7e: {  	_ =	shalt  }
0x7f: {  	_ =	shalt  }
0x80: {  	_ =	shalt  }
0x81: {  	_ =	shalt  }
0x82: {  	_ =	shalt  }
0x83: {  	_ =	shalt  }
0x84: {  	_ =	shalt  }
0x85: {  	_ =	shalt  }
0x86: {  	_ =	shalt  }
0x87: {  	_ =	shalt  }
.Lfunc_end0:
.L_simem_size_0:
called_computation_lowered:
.L_overlay_start_0:
0x88: {  	s2 =	sld [smem:$0x3FD9]  }
0x89: {  	s3 =	sld [smem:$0x3FFE];
	_ =	sdelay $0x1  }
0x8a: {  	s1 =	srdreg.scid  }
0x8b: {  	s0 =	sand.u32 $0x1, s1  }
0x8c: {  	s14 =	sshll.u32 s0, $0xA;
	s2 =	sadd.s32 s3, s2  }
0x8d: {  	s2 =	sadd.s32 s2, s14  }
0x8e: {  	[smem:$0x3FC0] =	sst s2  }
0x8f: {  	_ = 	snop  }
0x90: {  	s2 =	sld [smem:$0x3FD0];
	_ =	sdelay $0x2  }
0x91: {  	s15 =	simm.s32 $0xA;
	s4 =	simm.s32 $0x10  }
0x92: {  	[smem:s4], [sflag:s15] =	dma.local [hbm:s2], $0x1  }
0x93: {  	_ =	swait.eq [sflag:s15], $0x1  }
0x94: {  	[sflag:s15] =	ssyncset.done $0x0  }
0x95: {  	[sflag:s15] =	ssyncadd.s32 $0xFFFFFFFF  }
0x96: {  	s16 =	sld [smem:$0x11];
	(tm) =	ssettm $0x1  }
0x97: {  	s17 =	sld [smem:$0x3FFB];
	_ =	sdelay $0x3  }
0x98: {  	_ =	strace s17  }
0x99: {  	s3 =	sld [smem:$0x3FFC];
	_ =	sdelay $0x3  }
0x9a: {  	_ =	strace s3  }
0x9b: {  	s3 =	sld [smem:$0x3FFD];
	_ =	sdelay $0x3  }
0x9c: {  	_ =	strace s3  }
0x9d: {  	_ =	strace $0x8FFFFFFF  }
0x9e: {  	s18 =	sld [smem:$0x3FDB];
	_ =	sdelay $0x1  }
0x9f: {  	s19 =	simm.s32 $_scs_section_size  }
0xa0: {  	s5 =	simm.s32 $_size__tile_overlayer_lowered;
	s6 =	simm.s32 $_tile_overlayer_lowered  }
0xa1: {  	s22 =	simm.s32 $0x1BFF;
	s21 =	sshll.u32 s6, $0x1;
	s3 =	sadd.s32 s19, s18  }
0xa2: {  	s7 =	simm.s32 $0x0;
	s20 =	sshll.u32 s5, $0x1;
	s5 =	sadd.s32 s21, s3  }
0xa3: {  	[timem:s7], [sflag:s22] =	dma.local [hbm:s5], s20  }
0xa4: {  	_ =	swait.ge [sflag:s22], s20  }
0xa5: {  	s4 =	ssub.s32 $0x0, s20;
	[sflag:s22] =	ssyncset.done $0x0  }
0xa6: {  	[sflag:s22] =	ssyncadd.s32 s4;
	_ =	sdelay $0x1  }
0xa7: {  	s23 =	simm.s32 $0x1B8B  }
0xa8: {  	_ =	swait.ge [sflag:s23], $0x1  }
0xa9: {  	[sflag:s23] =	ssyncset.done $0x0  }
0xaa: {  	s25 =	simm.s32 $0x1B8E;
	s24 =	sld [smem:$0x3FFE];
	[sflag:s23] =	ssyncadd.s32 $0xFFFFFFFF  }
0xab: {  	s26 =	simm.s32 $execute0_lowered;
	[smem:$0x3FD2] =	sst s25  }
0xac: {  	s5 =	sshll.u32 s26, $0x1;
	_ =	strace $0x80000049;
	[dreg:$0x1] =	wrdreg $0xFFFFFFFF  }
0xad: {  	s28 =	simm.s32 $_size_execute0_lowered;
	s3 =	sadd.s32 s3, s5;
	[dreg:$0x0] =	wrdreg $0x0  }
0xae: {  	s5 =	sshll.u32 s28, $0x1;
	[dreg:$0x2] =	wrdreg s3  }
0xaf: {  	[dreg:$0x3] =	wrdreg s5  }
0xb0: {  	[dreg:$0x4] =	wrdreg $0xC0  }
0xb1: {  	_ =	task [dreg:s7], $0x5FFFF  }
0xb2: {  	[dreg:$0x1] =	wrdreg $0xFFFFFFFF  }
0xb3: {  	[dreg:$0x0] =	wrdreg $0x60  }
0xb4: {  	[dreg:$0x2] =	wrdreg s24  }
0xb5: {  	[dreg:$0x3] =	wrdreg s16  }
0xb6: {  	[dreg:$0x4] =	wrdreg $0x9  }
0xb7: {  	_ =	task.clear_ibuf [dreg:s7], $0x5FFFF;
	_ =	strace $0x90000049  }
0xb8: {  	s29 =	simm.s32 $0x9;
	_ =	strace $0x8000004B  }
0xb9: {  	_ =	swait.ge [sflag:s29], $0x1  }
0xba: {  	[sflag:s29] =	ssyncadd.s32 $0xFFFFFFFF  }
0xbb: {  	_ =	strace $0x9000004B  }
0xbc: {  	_ =	sfence  }
0xbd: {  	s30 =	sld [smem:$0x0];
	_ =	sdelay $0x2  }
0xbe: {  	s31 =	sshll.u32 s1, $0xD;
	s1 =	sshrl.u32 s1, $0x2  }
0xbf: {  	s3 =	sand.u32 $0x4000, s31;
	s1 =	sadd.s32 s1, s30  }
0xc0: {  	s0 =	sor.u32 s3, s0;
	s1 =	sshll.u32 s1, $0x11  }
0xc1: {  	s0 =	sor.u32 s1, s0  }
0xc2: {  	s0 =	sadd.s32 $0x8F2B, s0  }
0xc3: {  	[sflag:s0] =	ssyncadd.remote.s32 $0x1  }
0xc4: {  	_ =	sfence.sel $0xFFFF  }
0xc5: {  	[dreg:$0x0] =	wrdreg $0xFFFFFFFF;
	(pc) =	sbr.abs _section_cstart, $3  }
0xc6: {  	[dreg:$0x1] =	wrdreg $0xFFFFFFFF  }
0xc7: {  	_ =	task.clear_ibuf [dreg:s7], $0x2FFFF;
	_ =	strace $0x9FFFFFFF  }
0xc8: {  	(tm) =	ssettm $0x7FFFFFFF  }
0xc9: {  	_ =	shalt  }
tec
execute0_lowered:
.L_overlay_start_1:
0x0: {  	(tag) =	ssettag $0x1  }
0x1: {  	s4 =	rddreg [dreg:$0x0]  }
0x2: {  	s0 =	srdreg.scid;
	s8 =	rddreg [dreg:$0x1]  }
0x3: {  	s1 =	stileid.u32;
	s6 =	simm.s32 $0x2;
	s10 =	simm.s32 $0x3  }
0x4: {  	s12 =	simm.s32 $0x0;
	s11 =	simm.s32 $0x0;
	s2 =	sshll.u32 s0, $0xE  }
0x5: {  	s0 =	rddreg [dreg:$0x2];
	s3 =	sshll.u32 s1, $0xF;
	s5 =	sand.u32 $0x4000, s2  }
0x6: {  	_ =	strace $0x8000004A;
	s2 =	sadd.s32 $0x30E00, s4;
	s3 =	sor.u32 s3, s5  }
0x7: {  	s4 =	sadd.s32 $0xA00, s4;
	s5 =	simm.s32 $0x1;
	s7 =	ssub.s32 $0x80000, s3  }
.Ltmp0:
0x8: {  	[sflag:s5] =	ssyncpa.u1 $0x0;
	s9 =	sand.u32 $0x7C000, s7;
	(pc) =	sbr.rel .LBB2_1-.Ltmp0, $4  }
0x9: {  	s31 =	sshrl.u32 s3, $0x3;
	p0 =	sne.s32 s9, $0x0;
	s9 =	simm.s32 $0x1  }
0xa: {  	[sflag:s6] =	ssyncpa.u1 $0x0;
	s7 =	sshrl.u32 s7, $0x13;
	s9 =	simm.s32 @!p0 $0x0  }
0xb: {  	s8 =	sadd.s32 s8, s31;
	[sflag:s10] =	ssyncpa.u1 $0x0;
	s7 =	sadd.s32 s9, s7  }
0xc: {  	vm0 =	vmmov $0xffff;
	s10 =	simm.s32 $0x0;
	p0 =	por $0x0, $0x0;
	s9 =	sadd.s32 $0x1, s7  }
.LBB2_4:
0xd: {  	vm1 =	veq.s32 v0, $0x80000000;
	v1 =	vand.u32 $0x3FFFF, v0  }
0xe: {  	v63 =	vshll.u32 v0, $0x1;
	v1 =	vsel vm1, $0xFFFFFFFF, v1  }
0xf: {  	v0 =	vand.u32 $0x80000, v63;
	v2 =	vshll.u32 v1, $0x1  }
0x10: {  	v0 =	vsel vm1, $0xFFF80000, v0;
	v2 =	vand.u32 $0xFFFFFF00, v2  }
0x11: {  	v1 =	vand.u32 $0x7F, v1;
	v0 =	vadd.s32 v0, v2  }
0x12: {  	v0 =	vor.u32 v1, v0  }
0x13: {  	s14 =	sadd.s32 $0x20, s14  }
0x14: {  	s14 =	sand.u32 $0x7F00, s14  }
0x15: {  	s15 =	sand.u32 $0x70, s15;
	(ifvalue) =	ssetifvalue $0x7FFFFFFF;
	s14 =	sadd.s32 s14, s13;
	v1 =	vor.u32 $0x80, v0  }
0x16: {  	(ifvalue) =	ssetifvalue $0x7FFFFFFF;
	s14 =	sadd.s32 s15, s14  }
0x17: {  	[tilespmem:s14], [sflag:$0x1] =	stream.indirect_vreg.gather [hbm4b:s2+s10], $0x1, v0, vm0, $0x4038;
	[tilespmem:$0x18000] =	vst v63  }
0x18: {  	(ifvalue) =	ssetifvalue $0x7FFFFFFF  }
0x19: {  	s30 =	sshll.u32 s12, $0x1;
	s14 =	sadd.s32 $0x80, s14;
	(ifvalue) =	ssetifvalue $0x7FFFFFFF  }
0x1a: {  	[tilespmem:s14], [sflag:$0x1] =	stream.indirect_vreg.gather [hbm4b:s2+s10], $0x1, v1, vm0, $0x4038;
	[tilespmem:$0x18000] =	vst v63  }
0x1b: {  	s31 =	sand.u32 $0x78, s12;
	s14 =	sand.u32 $0x7FFFFF00, s30  }
0x1c: {  	_ =	swait.ge [sflag:s5], $0x8000;
	s12 =	sor.u32 s31, s14  }
0x1d: {  	[sflag:s5] =	ssyncset.done $0x0;
	s12 =	sshrl.u32 s12, $0x3  }
0x1e: {  	[sflag:s5] =	ssyncadd.s32 $0xFFFF8000;
	s12 =	sadd.s32 s4, s12  }
0x1f: {  	[hbm:s12] =	stream.linear.scatter [tilespmem:s13], [sflag:$0x3], $0x8000, $0x38;
	[tilespmem:$0x18000] =	vst v63  }
.LBB2_5:
0x20: {  	p2 =	sne.s32 s11, s9  }
.Ltmp1:
0x21: {  	p1 =	slt.u32 s11, $0x2;
	(pc) =	sbr.rel @!p2 .LBB2_6-.Ltmp1, $4  }
0x22: {  	s12 =	simm.s32 @!p1 $0x3  }
0x23: {  	_ =	swait.ge @!p1 [sflag:s12], $0x8000  }
0x24: {  	s13 =	sadd.s32 $0x1, s11;
	p0 =	por !p0, !p0;
	[sflag:s12] =	ssyncset.done @!p1 $0x0  }
0x25: {  	s11 =	smov.u32 s13;
	[sflag:s12] =	ssyncadd.s32 @!p1 $0xFFFF8000;
	s12 =	smov.u32 s3  }
.LBB2_1:
0x26: {  	p1 =	sge.u32 s11, s7  }
0x27: {  	s13 =	sxor.u32 @!p1 $0xFFFFFFFF, s11  }
0x28: {  	s13 =	sshll.u32 @!p1 s13, $0xE  }
0x29: {  	s31 =	sadd.s32 $0xFFFFFFFF, s11;
	s14 =	simm.s32 @!p1 $0x0;
	s13 =	sand.u32 @!p1 $0x4000, s13  }
0x2a: {  	[tilespmem:s13], [sflag:$0x2] =	stream.linear.gather @!p1 [hbm4b:s8+s14], $0x4000, $0x38;
	[tilespmem:$0x18000] =	vst v63  }
0x2b: {  	p1 =	sge.u32 s31, s7  }
.Ltmp2:
0x2c: {  	_ = 	snop;
	(pc) =	sbr.rel @p1 .LBB2_5-.Ltmp2, $1  }
0x2d: {  	_ =	sdelay $0x3  }
0x2e: {  	s13 =	simm.s32 $0x1;
	_ =	swait.ge [sflag:s6], $0x4000  }
0x2f: {  	s13 =	simm.s32 @!p0 $0x0;
	[sflag:s6] =	ssyncset.done $0x0  }
0x30: {  	s15 =	sshll.u32 s13, $0xE;
	[sflag:s6] =	ssyncadd.s32 $0xFFFFC000  }
0x31: {  	v0 =	vld.msk [tilespmem:s15+$0x0 ss:$0x1], $0xffff;
	_ =	sdelay $0x4  }
0x32: {  	vm1 =	veq.s32 v0, $0x80000000;
	v1 =	vand.u32 $0x3FFFF, v0  }
0x33: {  	v0 =	vshll.u32 v0, $0x1;
	v1 =	vsel vm1, $0xFFFFFFFF, v1  }
0x34: {  	v0 =	vand.u32 $0x80000, v0;
	v2 =	vshll.u32 v1, $0x1  }
0x35: {  	v0 =	vsel vm1, $0xFFF80000, v0;
	v2 =	vand.u32 $0xFFFFFF00, v2  }
0x36: {  	v1 =	vand.u32 $0x7F, v1;
	v0 =	vadd.s32 v0, v2  }
0x37: {  	s31 =	sand.u32 $0x1, s11;
	v0 =	vor.u32 v1, v0  }
0x38: {  	s14 =	simm.s32 $0x0;
	s13 =	sshll.u32 s31, $0xF  }
0x39: {  	s16 =	sand.u32 $0x7F00, s14;
	s13 =	sadd.s32 $0x8000, s13  }
0x3a: {  	s17 =	sand.u32 $0x70, s14;
	(ifvalue) =	ssetifvalue $0x7FFFFFFF;
	s16 =	sadd.s32 s16, s13;
	v1 =	vor.u32 $0x80, v0  }
0x3b: {  	(ifvalue) =	ssetifvalue $0x7FFFFFFF;
	s16 =	sadd.s32 s17, s16  }
0x3c: {  	[tilespmem:s16], [sflag:$0x1] =	stream.indirect_vreg.gather [hbm4b:s2+s10], $0x1, v0, vm0, $0x4038;
	[tilespmem:$0x18000] =	vst v63  }
0x3d: {  	(ifvalue) =	ssetifvalue $0x7FFFFFFF  }
0x3e: {  	s16 =	sadd.s32 $0x80, s16;
	(ifvalue) =	ssetifvalue $0x7FFFFFFF  }
0x3f: {  	[tilespmem:s16], [sflag:$0x1] =	stream.indirect_vreg.gather [hbm4b:s2+s10], $0x1, v1, vm0, $0x4038;
	[tilespmem:$0x18000] =	vst v63  }
0x40: {  	s16 =	sadd.s32 $0x10, s15  }
0x41: {  	v0 =	vld.msk [tilespmem:s16+$0x0 ss:$0x1], $0xffff  }
0x42: {  	s17 =	simm.s32 $0x20;
	s15 =	simm.s32 $0x10  }
.LBB2_3:
0x43: {  	p1 =	sne.s32 s17, $0x3FF0;
	_ =	sdelay $0x2  }
0x44: {  	vm1 =	veq.s32 v0, $0x80000000;
	v1 =	vand.u32 $0x3FFFF, v0  }
0x45: {  	v0 =	vshll.u32 v0, $0x1;
	v1 =	vsel vm1, $0xFFFFFFFF, v1  }
0x46: {  	v0 =	vand.u32 $0x80000, v0;
	v2 =	vshll.u32 v1, $0x1  }
0x47: {  	v0 =	vsel vm1, $0xFFF80000, v0;
	v2 =	vand.u32 $0xFFFFFF00, v2  }
0x48: {  	v1 =	vand.u32 $0x7F, v1;
	v0 =	vadd.s32 v0, v2  }
0x49: {  	v0 =	vor.u32 v1, v0  }
0x4a: {  	s14 =	sadd.s32 $0x20, s14  }
0x4b: {  	s18 =	sand.u32 $0x7F00, s14  }
0x4c: {  	s15 =	sand.u32 $0x70, s15;
	s18 =	sadd.s32 s18, s13;
	v1 =	vor.u32 $0x80, v0;
	(ifvalue) =	ssetifvalue $0x7FFFFFFF  }
0x4d: {  	s18 =	sadd.s32 s15, s18;
	s15 =	smov.u32 s17;
	(ifvalue) =	ssetifvalue $0x7FFFFFFF  }
0x4e: {  	[tilespmem:s18], [sflag:$0x1] =	stream.indirect_vreg.gather [hbm4b:s2+s10], $0x1, v0, vm0, $0x4038;
	[tilespmem:$0x18000] =	vst v63  }
0x4f: {  	s16 =	sadd.s32 $0x10, s16;
	(ifvalue) =	ssetifvalue $0x7FFFFFFF  }
.Ltmp3:
0x50: {  	s18 =	sadd.s32 $0x80, s18;
	(ifvalue) =	ssetifvalue $0x7FFFFFFF;
	(pc) =	sbr.rel @p1 .LBB2_3-.Ltmp3, $3  }
0x51: {  	[tilespmem:s18], [sflag:$0x1] =	stream.indirect_vreg.gather [hbm4b:s2+s10], $0x1, v1, vm0, $0x4038;
	[tilespmem:$0x18000] =	vst v63  }
0x52: {  	v0 =	vld.msk [tilespmem:s16+$0x0 ss:$0x1], $0xffff;
	_ =	sdelay $0x1  }
0x53: {  	s17 =	sadd.s32 $0x10, s17  }
.Ltmp4:
0x54: {  	_ = 	snop;
	(pc) =	sbr.rel .LBB2_4-.Ltmp4, $1  }
0x55: {  	_ =	sdelay $0x3  }
.LBB2_6:
0x56: {  	_ =	sfence.sel $0x180000  }
0x57: {  	s2 =	simm.s32 $0x2;
	[bflag:$0x0] =	sbarrier.arrive $0xFFFF  }
0x58: {  	s30 =	simm.s32 $0x3;
	[sflag:s2] =	ssyncpa.u1 $0x1  }
0x59: {  	s31 =	simm.s32 $0x1;
	[sflag:s30] =	ssyncpa.u1 $0x1  }
0x5a: {  	[sflag:s31] =	ssyncpa.u1 $0x1  }
0x5b: {  	p0 =	sne.s32 s1, $0x0;
	_ =	strace $0x9000004A  }
0x5c: {  	s0 =	sadd.s32 @!p0 $0x100000, s0;
	[bflag:$0x2] =	sbarrier.arrive $0xFFFF  }
0x5d: {  	[sflag:s0] =	ssyncadd.tile.s32 @!p0 $0x1;
	_ =	shalt  }
.Lfunc_end2:
_tile_overlayer_lowered:
.L_overlay_start_2:
0x5e: {  	(tag) =	ssettag $0x2  }
0x5f: {  	s0 =	rddreg [dreg:$0x0];
	s2 =	stileid.u32  }
0x60: {  	s1 =	rddreg [dreg:$0x1];
	p0 =	sne.s32 s2, $0x0  }
0x61: {  	s3 =	rddreg [dreg:$0x2];
	[bflag:$0x3] =	sbarrier.arrive $0xFFFF;
	s2 =	simm.s32 @!p0 $0x1C01  }
0x62: {  	[timem:s3], [sflag:s2] =	dma.local @!p0 [hbm:s0], s1  }
0x63: {  	s0 =	simm.s32 @!p0 $0x1  }
0x64: {  	_ =	swait.ge @!p0 [sflag:s0], s1  }
0x65: {  	s1 =	ssub.s32 @!p0 $0x0, s1;
	[sflag:s0] =	ssyncset.done @!p0 $0x0  }
0x66: {  	[sflag:s0] =	ssyncadd.s32 @!p0 s1  }
0x67: {  	[bflag:$0x3] =	sbarrier.arrive $0xFFFF  }
0x68: {  	_ =	shalt  }

// kernel: kernel.6.cloned.1.call-start
scs
__scs_entry_jumppad:
0x0: {  	(pc) =	sbr.rel $0x88, $3  }
0x1: {  	(tag) =	ssettag $0x0;
	lr =	simm.s32 $0x1  }
0x2: {  	[smem:$0x3F99] =	sst lr;
	_ =	strace $0xD0000000  }
0x3: {  	_ = 	snop  }
0x4: {  	_ = 	snop  }
0x5: {  	_ = 	snop  }
0x6: {  	_ = 	snop  }
0x7: {  	_ = 	snop  }
__scs_overlays_trampoline_lowered:
0x8: {  	[smem:$0x3FA8] =	sst s0  }
0x9: {  	[smem:$0x3FA9] =	sst s1  }
0xa: {  	[smem:$0x3FAA] =	sst s2  }
0xb: {  	[smem:$0x3FAB] =	sst s3  }
0xc: {  	[smem:$0x3FAC] =	sst s4  }
0xd: {  	[smem:$0x3FAD] =	sst s5  }
0xe: {  	[smem:$0x3FAE] =	sst s6  }
0xf: {  	[smem:$0x3FAF] =	sst s7  }
0x10: {  	[smem:$0x3FB0] =	sst s8  }
0x11: {  	[smem:$0x3FB1] =	sst s9;
	s0 =	simm.s32 @!p0 $0x0  }
0x12: {  	s1 =	sld [smem:$0x3F97];
	s0 =	simm.s32 @p0 $0x1  }
0x13: {  	[smem:$0x3FB2] =	sst s0;
	s0 =	simm.s32 @!p1 $0x0  }
0x14: {  	s2 =	sld [smem:$0x3F96];
	s0 =	simm.s32 @p1 $0x1  }
0x15: {  	[smem:$0x3FB3] =	sst s0;
	s0 =	simm.s32 @!p2 $0x0  }
0x16: {  	s3 =	sld [smem:$0x3FDB];
	s0 =	simm.s32 @p2 $0x1  }
0x17: {  	s4 =	simm.s32 $0x1BF5;
	[smem:$0x3FB5] =	sst s0  }
0x18: {  	s0 =	sld [smem:$0x3F98];
	_ =	swait.ge [sflag:s4], $0x0  }
0x19: {  	s7 =	sld [smem:$0x3F99]  }
0x1a: {  	s8 =	sadd.s32 $0xFFFFE003, lr  }
0x1b: {  	s9 =	sadd.s32 $0xFFFFFEF7, lr;
	s5 =	simm.s32 $0xFFFFFFFF;
	p2 =	slt.u32 s8, $0xFFFFF086  }
0x1c: {  	p1 =	slt.u32 s9, $0xF7A;
	s5 =	simm.s32 @!p2 $0x0  }
0x1d: {  	s5 =	simm.s32 @p1 $0x1;
	p0 =	seq.s32 s7, s2  }
0x1e: {  	s7 =	smul.u32 @!p0 $0xF7A, s2;
	p2 =	seq.s32 @!p0 s5, $0x0  }
0x1f: {  	s9 =	smul.u32 $0xF7A, s1;
	s8 =	simm.s32 @!p0 $0x1BF5;
	p2 =	por !p2, p0  }
0x20: {  	[sflag:s8] =	ssyncset.s32 @!p0 $0xFFFFF086;
	s6 =	sadd.s32 @!p0 s3, s7;
	s7 =	simm.s32 @!p0 $0x108  }
0x21: {  	s3 =	sadd.s32 s3, s9;
	s6 =	sadd.s32 @!p0 $0x88, s6;
	s7 =	simm.s32 @p2 $0x1082  }
0x22: {  	[simem:s7], [sflag:s8] =	dma.local @!p0 [hbm:s6], $0xF7A  }
0x23: {  	s9 =	sor.u32 $0xD0000000, s2;
	s6 =	simm.s32 $0x108;
	_ =	swait.ge @!p0 [sflag:s8], $0x0  }
0x24: {  	s3 =	sadd.s32 $0x88, s3;
	s6 =	simm.s32 @!p1 $0x1082;
	[sflag:s4] =	ssyncset.s32 $0xFFFFF086  }
0x25: {  	[simem:s6], [sflag:s4] =	dma.local [hbm:s3], $0xF7A  }
0x26: {  	[smem:$0x3F99] =	sst s1;
	(tag) =	ssettag s2;
	_ =	strace s9  }
0x27: {  	s1 =	sld [smem:$0x3FA9]  }
0x28: {  	s2 =	sld [smem:$0x3FAA]  }
0x29: {  	s4 =	sld [smem:$0x3FAC]  }
0x2a: {  	p0 =	seq.s32 s5, $0x0;
	s5 =	sld [smem:$0x3FAD]  }
0x2b: {  	s6 =	sld [smem:$0x3FAE]  }
0x2c: {  	s7 =	sld [smem:$0x3FAF]  }
0x2d: {  	s3 =	simm.s32 $0x108;
	s8 =	sld [smem:$0x3FB0]  }
0x2e: {  	s3 =	simm.s32 @!p0 $0x1082;
	s9 =	sld [smem:$0x3FB1]  }
0x2f: {  	lr =	sadd.s32 s0, s3;
	s0 =	sld [smem:$0x3FA8]  }
0x30: {  	s3 =	sld [smem:$0x3FAB]  }
0x31: {  	[smem:$0x3FB4] =	sst s10  }
0x32: {  	s10 =	sld [smem:$0x3FB2];
	_ =	sdelay $0x3  }
0x33: {  	p0 =	seq.s32 s10, $0x1;
	s10 =	sld [smem:$0x3FB4];
	_ =	sdelay $0x3  }
0x34: {  	[smem:$0x3FB4] =	sst s10  }
0x35: {  	s10 =	sld [smem:$0x3FB3];
	_ =	sdelay $0x3  }
0x36: {  	p1 =	seq.s32 s10, $0x1;
	s10 =	sld [smem:$0x3FB4];
	_ =	sdelay $0x3  }
0x37: {  	[smem:$0x3FB4] =	sst s10  }
0x38: {  	s10 =	sld [smem:$0x3FB5]  }
0x39: {  	_ = 	snop;
	(pc) =	sbr.ind lr, $3  }
0x3a: {  	_ = 	snop  }
0x3b: {  	_ = 	snop  }
0x3c: {  	p2 =	seq.s32 s10, $0x1;
	s10 =	sld [smem:$0x3FB4]  }
0x3d: {  	_ =	shalt  }
0x3e: {  	_ =	shalt  }
0x3f: {  	_ =	shalt  }
0x40: {  	_ =	shalt  }
0x41: {  	_ =	shalt  }
0x42: {  	_ =	shalt  }
0x43: {  	_ =	shalt  }
0x44: {  	_ =	shalt  }
0x45: {  	_ =	shalt  }
0x46: {  	_ =	shalt  }
0x47: {  	_ =	shalt  }
0x48: {  	_ =	shalt  }
0x49: {  	_ =	shalt  }
0x4a: {  	_ =	shalt  }
0x4b: {  	_ =	shalt  }
0x4c: {  	_ =	shalt  }
0x4d: {  	_ =	shalt  }
0x4e: {  	_ =	shalt  }
0x4f: {  	_ =	shalt  }
0x50: {  	_ =	shalt  }
0x51: {  	_ =	shalt  }
0x52: {  	_ =	shalt  }
0x53: {  	_ =	shalt  }
0x54: {  	_ =	shalt  }
0x55: {  	_ =	shalt  }
0x56: {  	_ =	shalt  }
0x57: {  	_ =	shalt  }
0x58: {  	_ =	shalt  }
0x59: {  	_ =	shalt  }
0x5a: {  	_ =	shalt  }
0x5b: {  	_ =	shalt  }
0x5c: {  	_ =	shalt  }
0x5d: {  	_ =	shalt  }
0x5e: {  	_ =	shalt  }
0x5f: {  	_ =	shalt  }
0x60: {  	_ =	shalt  }
0x61: {  	_ =	shalt  }
0x62: {  	_ =	shalt  }
0x63: {  	_ =	shalt  }
0x64: {  	_ =	shalt  }
0x65: {  	_ =	shalt  }
0x66: {  	_ =	shalt  }
0x67: {  	_ =	shalt  }
0x68: {  	_ =	shalt  }
0x69: {  	_ =	shalt  }
0x6a: {  	_ =	shalt  }
0x6b: {  	_ =	shalt  }
0x6c: {  	_ =	shalt  }
0x6d: {  	_ =	shalt  }
0x6e: {  	_ =	shalt  }
0x6f: {  	_ =	shalt  }
0x70: {  	_ =	shalt  }
0x71: {  	_ =	shalt  }
0x72: {  	_ =	shalt  }
0x73: {  	_ =	shalt  }
0x74: {  	_ =	shalt  }
0x75: {  	_ =	shalt  }
0x76: {  	_ =	shalt  }
0x77: {  	_ =	shalt  }
0x78: {  	_ =	shalt  }
0x79: {  	_ =	shalt  }
0x7a: {  	_ =	shalt  }
0x7b: {  	_ =	shalt  }
0x7c: {  	_ =	shalt  }
0x7d: {  	_ =	shalt  }
0x7e: {  	_ =	shalt  }
0x7f: {  	_ =	shalt  }
0x80: {  	_ =	shalt  }
0x81: {  	_ =	shalt  }
0x82: {  	_ =	shalt  }
0x83: {  	_ =	shalt  }
0x84: {  	_ =	shalt  }
0x85: {  	_ =	shalt  }
0x86: {  	_ =	shalt  }
0x87: {  	_ =	shalt  }
.Lfunc_end0:
.L_simem_size_0:
called_computation.2_lowered:
.L_overlay_start_0:
0x88: {  	s2 =	sld [smem:$0x3FD9]  }
0x89: {  	s3 =	sld [smem:$0x3FFE];
	_ =	sdelay $0x1  }
0x8a: {  	s1 =	srdreg.scid  }
0x8b: {  	s0 =	sand.u32 $0x1, s1  }
0x8c: {  	s14 =	sshll.u32 s0, $0xA;
	s2 =	sadd.s32 s3, s2  }
0x8d: {  	s2 =	sadd.s32 s2, s14  }
0x8e: {  	[smem:$0x3FC0] =	sst s2  }
0x8f: {  	_ = 	snop  }
0x90: {  	s2 =	sld [smem:$0x3FD0];
	_ =	sdelay $0x2  }
0x91: {  	s15 =	simm.s32 $0xA;
	s4 =	simm.s32 $0x10  }
0x92: {  	[smem:s4], [sflag:s15] =	dma.local [hbm:s2], $0x1  }
0x93: {  	_ =	swait.eq [sflag:s15], $0x1  }
0x94: {  	[sflag:s15] =	ssyncset.done $0x0  }
0x95: {  	[sflag:s15] =	ssyncadd.s32 $0xFFFFFFFF  }
0x96: {  	s16 =	sld [smem:$0x15];
	(tm) =	ssettm $0x1  }
0x97: {  	s17 =	sld [smem:$0x3FFB];
	_ =	sdelay $0x3  }
0x98: {  	_ =	strace s17  }
0x99: {  	s3 =	sld [smem:$0x3FFC];
	_ =	sdelay $0x3  }
0x9a: {  	_ =	strace s3  }
0x9b: {  	s3 =	sld [smem:$0x3FFD];
	_ =	sdelay $0x3  }
0x9c: {  	_ =	strace s3  }
0x9d: {  	_ =	strace $0x8FFFFFFF  }
0x9e: {  	s18 =	sld [smem:$0x3FDB];
	_ =	sdelay $0x1  }
0x9f: {  	s19 =	simm.s32 $_scs_section_size  }
0xa0: {  	s5 =	simm.s32 $_size__tile_overlayer_lowered;
	s6 =	simm.s32 $_tile_overlayer_lowered  }
0xa1: {  	s22 =	simm.s32 $0x1BFF;
	s21 =	sshll.u32 s6, $0x1;
	s3 =	sadd.s32 s19, s18  }
0xa2: {  	s7 =	simm.s32 $0x0;
	s20 =	sshll.u32 s5, $0x1;
	s5 =	sadd.s32 s21, s3  }
0xa3: {  	[timem:s7], [sflag:s22] =	dma.local [hbm:s5], s20  }
0xa4: {  	_ =	swait.ge [sflag:s22], s20  }
0xa5: {  	s4 =	ssub.s32 $0x0, s20;
	[sflag:s22] =	ssyncset.done $0x0  }
0xa6: {  	[sflag:s22] =	ssyncadd.s32 s4;
	_ =	sdelay $0x1  }
0xa7: {  	s23 =	simm.s32 $0x1B8B  }
0xa8: {  	_ =	swait.ge [sflag:s23], $0x1  }
0xa9: {  	[sflag:s23] =	ssyncset.done $0x0  }
0xaa: {  	s25 =	simm.s32 $0x1B8E;
	s24 =	sld [smem:$0x3FFE];
	[sflag:s23] =	ssyncadd.s32 $0xFFFFFFFF  }
0xab: {  	s26 =	simm.s32 $execute0_lowered;
	[smem:$0x3FD2] =	sst s25  }
0xac: {  	s5 =	sshll.u32 s26, $0x1;
	_ =	strace $0x8000004C;
	[dreg:$0x1] =	wrdreg $0xFFFFFFFF  }
0xad: {  	s28 =	simm.s32 $_size_execute0_lowered;
	s3 =	sadd.s32 s3, s5;
	[dreg:$0x0] =	wrdreg $0x0  }
0xae: {  	s5 =	sshll.u32 s28, $0x1;
	[dreg:$0x2] =	wrdreg s3  }
0xaf: {  	[dreg:$0x3] =	wrdreg s5  }
0xb0: {  	[dreg:$0x4] =	wrdreg $0xC0  }
0xb1: {  	_ =	task [dreg:s7], $0x5FFFF  }
0xb2: {  	[dreg:$0x1] =	wrdreg $0xFFFFFFFF  }
0xb3: {  	[dreg:$0x0] =	wrdreg $0x60  }
0xb4: {  	[dreg:$0x2] =	wrdreg s24  }
0xb5: {  	[dreg:$0x3] =	wrdreg s16  }
0xb6: {  	[dreg:$0x4] =	wrdreg $0x9  }
0xb7: {  	_ =	task.clear_ibuf [dreg:s7], $0x5FFFF;
	_ =	strace $0x9000004C  }
0xb8: {  	s29 =	simm.s32 $0x9;
	_ =	strace $0x8000004E  }
0xb9: {  	_ =	swait.ge [sflag:s29], $0x1  }
0xba: {  	[sflag:s29] =	ssyncadd.s32 $0xFFFFFFFF  }
0xbb: {  	_ =	strace $0x9000004E  }
0xbc: {  	_ =	sfence  }
0xbd: {  	s30 =	sld [smem:$0x0];
	_ =	sdelay $0x2  }
0xbe: {  	s31 =	sshll.u32 s1, $0xD;
	s1 =	sshrl.u32 s1, $0x2  }
0xbf: {  	s3 =	sand.u32 $0x4000, s31;
	s1 =	sadd.s32 s1, s30  }
0xc0: {  	s0 =	sor.u32 s3, s0;
	s1 =	sshll.u32 s1, $0x11  }
0xc1: {  	s0 =	sor.u32 s1, s0  }
0xc2: {  	s0 =	sadd.s32 $0x8F2B, s0  }
0xc3: {  	[sflag:s0] =	ssyncadd.remote.s32 $0x1  }
0xc4: {  	_ =	sfence.sel $0xFFFF  }
0xc5: {  	[dreg:$0x0] =	wrdreg $0xFFFFFFFF;
	(pc) =	sbr.abs _section_cstart, $3  }
0xc6: {  	[dreg:$0x1] =	wrdreg $0xFFFFFFFF  }
0xc7: {  	_ =	task.clear_ibuf [dreg:s7], $0x2FFFF;
	_ =	strace $0x9FFFFFFF  }
0xc8: {  	(tm) =	ssettm $0x7FFFFFFF  }
0xc9: {  	_ =	shalt  }
tec
execute0_lowered:
.L_overlay_start_1:
0x0: {  	(tag) =	ssettag $0x1  }
0x1: {  	s5 =	rddreg [dreg:$0x0]  }
0x2: {  	s1 =	rddreg [dreg:$0x1];
	s2 =	simm.s32 $0x0  }
0x3: {  	[smem:$0x7FF] =	sst s2  }
0x4: {  	s0 =	rddreg [dreg:$0x2];
	v0 =	vimm.f32 $1.000000000e+00;
	_ =	strace $0x8000004D  }
0x5: {  	(xrf0) =	vmax.scan.msk.f32 $0xffff, v0;
	_ =	sdelay $0x5  }
0x6: {  	v0, _, _ =	vpop (xrf0)  }
0x7: {  	(v2sf) =	vpush v0, $0xF;
	_ =	sdelay $0x6  }
0x8: {  	s4 =	srdreg.scid;
	s3 =	stileid.u32  }
0x9: {  	s10 =	simm.s32 $0x1E000;
	s4 =	sand.u32 $0x1, s4;
	s6 =	sshll.u32 s3, $0x1  }
0xa: {  	s11 =	simm.s32 $0x1E400;
	s7 =	sshrl.u32 s3, $0x2;
	s6 =	sor.u32 s4, s6  }
0xb: {  	s12 =	simm.s32 $0x80;
	s7 =	smul.u32 $0xE0000, s7;
	s8 =	sshll.u32 s6, $0x7  }
0xc: {  	s13 =	simm.s32 $0x400;
	s14 =	simm.s32 $0x0;
	s8 =	sand.u32 $0x380, s8  }
.Ltmp0:
0xd: {  	s30 =	ssub.s32 $0x2, s4;
	s7 =	sor.u32 s7, s8;
	(pc) =	sbr.rel .LBB2_1-.Ltmp0, $4  }
0xe: {  	s4 =	sadd.s32 $0x20A00, s5;
	s9 =	sshrl.u32 s30, $0x1;
	s7 =	sshrl.u32 s7, $0x3  }
0xf: {  	s8 =	ssub.s32 s30, s9;
	s9 =	simm.s32 $0x1;
	s7 =	sadd.s32 s7, s5  }
0x10: {  	s5 =	sshll.u32 s6, $0xD;
	s6 =	sadd.s32 $0x60A00, s7;
	s31 =	spop (v2sf)  }
0x11: {  	vm0 =	vmmov $0xffff;
	s7 =	smax.u32 s8, $0x1;
	s8 =	simm.s32 $0x1C000;
	v0 =	vimm.f32 $0.0e+00;
	p0 =	sgt.f32 s31, $0.0e+00  }
.LBB2_9:
0x12: {  	s14 =	sadd.s32 $0x1, s14  }
0x13: {  	p1 =	sne.s32 s14, s7  }
.Ltmp1:
0x14: {  	_ = 	snop;
	(pc) =	sbr.rel @!p1 .LBB2_10-.Ltmp1, $4  }
0x15: {  	[hbm4b:s6+s12] =	stream.strided.scatter [tilespmem:s2], [sflag:$0x1], $0x1C000, s13, s12, $0x38;
	[tilespmem:$0x1F400] =	vst v63  }
0x16: {  	_ =	swait.ge [sflag:s9], $0x1C000  }
0x17: {  	[sflag:s9] =	ssyncset.done $0x0  }
0x18: {  	v0 =	vimm.f32 $0.0e+00;
	[sflag:s9] =	ssyncadd.s32 $0xFFFE4000  }
.LBB2_1:
0x19: {  	s15 =	simm.s32 $0x40;
	s16 =	simm.s32 $0x0  }
.LBB2_2:
0x1a: {  	p1 =	sne.s32 s15, $0x6FFC0;
	[tilespmem:s16+$0x0] =	vst v0;
	s16 =	smov.u32 s15;
	s15 =	sadd.s32 $0x40, s15  }
.Ltmp2:
0x1b: {  	(pc) =	sbr.rel @p1 .LBB2_2-.Ltmp2, $2  }
0x1c: {  	_ =	sdelay $0x2  }
0x1d: {  	s16 =	sshra.s32 s16, $0x2  }
.Ltmp3:
0x1e: {  	(pc) =	sbr.rel .LBB2_4-.Ltmp3, $2  }
0x1f: {  	_ =	sdelay $0x2  }
0x20: {  	[tilespmem:s16+$0x0] =	vst v0;
	s15 =	simm.s32 $0x0;
	s16 =	simm.s32 $0x0  }
.LBB2_8:
0x21: {  	s16 =	sadd.s32 $0x1, s16  }
0x22: {  	p1 =	sne.s32 s16, $0x8  }
.Ltmp4:
0x23: {  	_ = 	snop;
	(pc) =	sbr.rel @!p1 .LBB2_9-.Ltmp4, $1  }
0x24: {  	_ =	sdelay $0x3  }
.LBB2_4:
0x25: {  	s17 =	sshll.u32 s16, $0xA  }
0x26: {  	s17 =	sadd.s32 s5, s17  }
0x27: {  	s18 =	sadd.s32 s4, s17  }
0x28: {  	[tilespmem:s8], [sflag:$0x1] =	stream.linear.gather [hbm4b:s18+s15], $0x2000, $0x38;
	[tilespmem:$0x1F400] =	vst v63  }
0x29: {  	_ =	swait.ge [sflag:s9], $0x2000  }
0x2a: {  	s17 =	sshrl.u32 s17, $0x3;
	[sflag:s9] =	ssyncset.done $0x0  }
.Ltmp5:
0x2b: {  	s17 =	sadd.s32 s1, s17;
	[sflag:s9] =	ssyncadd.s32 $0xFFFFE000;
	(pc) =	sbr.rel @!p0 .LBB2_8-.Ltmp5, $4  }
0x2c: {  	[tilespmem:s10], [sflag:$0x1] =	stream.linear.gather [hbm4b:s17+s15], $0x400, $0x38;
	[tilespmem:$0x1F400] =	vst v63  }
0x2d: {  	_ =	swait.ge [sflag:s9], $0x400  }
0x2e: {  	[sflag:s9] =	ssyncset.done $0x0  }
0x2f: {  	s17 =	simm.s32 $0x0;
	[sflag:s9] =	ssyncadd.s32 $0xFFFFFC00  }
.LBB2_5:
0x30: {  	s18 =	sshll.u32 s17, $0x4;
	s19 =	sshll.u32 s17, $0x7  }
0x31: {  	s20 =	sand.u32 $0x70, s18;
	s21 =	sand.u32 $0x1C00, s19  }
0x32: {  	s20 =	sor.u32 s20, s21  }
0x33: {  	v0 =	vld [tilespmem:s20+$0x1C000]  }
0x34: {  	v1 =	vld [tilespmem:s20+$0x1C080];
	_ =	sdelay $0x4  }
0x35: {  	v2 =	vsub.f32 $1.500000000e+00, v0;
	v3 =	vsub.f32 $1.500000000e+00, v1;
	_ =	sdelay $0x1  }
0x36: {  	v5 =	vmul.f32 $5.000000000e-01, v2;
	v6 =	vmul.f32 $5.000000000e-01, v3  }
0x37: {  	v9 =	vadd.f32 $-1.000000000e+00, v1  }
0x38: {  	v8 =	vadd.f32 $-5.000000000e-01, v0;
	v2 =	vmul.f32 v5, v2;
	v3 =	vmul.f32 v6, v3  }
0x39: {  	v4 =	vld [tilespmem:s20+$0x1C100];
	v9 =	vmul.f32 v9, v9  }
0x3a: {  	v5 =	vld [tilespmem:s20+$0x1C280];
	v6 =	vmul.f32 $5.000000000e-01, v8;
	v13 =	vmul.f32 v3, v2  }
0x3b: {  	v7 =	vld [tilespmem:s20+$0x1C180];
	v1 =	vadd.f32 $-5.000000000e-01, v1  }
0x3c: {  	v11 =	vld [tilespmem:s20+$0x1C300];
	v6 =	vmul.f32 v6, v8;
	v8 =	vsub.f32 $7.500000000e-01, v9;
	v9 =	vmul.f32 $1.525878910e-05, v13  }
0x3d: {  	s19 =	sor.u32 s19, s18;
	v10 =	vld [tilespmem:s20+$0x1C200];
	v12 =	vmul.f32 $5.000000000e-01, v1  }
0x3e: {  	s19 =	sor.u32 $0x380, s19;
	[tilespmem:$0x1FBE0] =	vst v9;
	v9 =	vmul.f32 v13, v4  }
0x3f: {  	v14 =	vld [tilespmem:s19+$0x1C000];
	v1 =	vmul.f32 v12, v1;
	v12 =	vmul.f32 v5, v13  }
0x40: {  	[tilespmem:$0x1FBF0] =	vst v9;
	v9 =	vmul.f32 v13, v7  }
0x41: {  	[tilespmem:$0x1FC20] =	vst v12;
	v12 =	vmul.f32 v11, v13  }
0x42: {  	[tilespmem:$0x1FC00] =	vst v9;
	v9 =	vmul.f32 v13, v10  }
0x43: {  	[tilespmem:$0x1FC30] =	vst v12  }
0x44: {  	v12 =	vmul.f32 v14, v13;
	[tilespmem:$0x1FC10] =	vst v9;
	v9 =	vmul.f32 v8, v2;
	_ =	sdelay $0x1  }
0x45: {  	[tilespmem:$0x1FC40] =	vst v12;
	v12 =	vmul.f32 $1.525878910e-05, v9;
	_ =	sdelay $0x1  }
0x46: {  	[tilespmem:$0x1FC50] =	vst v12;
	v12 =	vmul.f32 v9, v4;
	_ =	sdelay $0x1  }
0x47: {  	[tilespmem:$0x1FC60] =	vst v12;
	v12 =	vmul.f32 v9, v7;
	_ =	sdelay $0x1  }
0x48: {  	[tilespmem:$0x1FC70] =	vst v12;
	v12 =	vmul.f32 v9, v10;
	_ =	sdelay $0x1  }
0x49: {  	[tilespmem:$0x1FC80] =	vst v12;
	v12 =	vmul.f32 v5, v9  }
0x4a: {  	v2 =	vmul.f32 v1, v2  }
0x4b: {  	[tilespmem:$0x1FC90] =	vst v12;
	v12 =	vmul.f32 v11, v9;
	v9 =	vmul.f32 v14, v9;
	_ =	sdelay $0x1  }
0x4c: {  	[tilespmem:$0x1FCB0] =	vst v9;
	v9 =	vmul.f32 $1.525878910e-05, v2;
	_ =	sdelay $0x1  }
0x4d: {  	v0 =	vadd.f32 $-1.000000000e+00, v0;
	[tilespmem:$0x1FCC0] =	vst v9;
	v9 =	vmul.f32 v2, v4;
	_ =	sdelay $0x1  }
0x4e: {  	v0 =	vmul.f32 v0, v0;
	[tilespmem:$0x1FCD0] =	vst v9;
	v9 =	vmul.f32 v2, v7  }
0x4f: {  	[tilespmem:$0x1FCA0] =	vst v12;
	v12 =	vmul.f32 v5, v2  }
0x50: {  	v0 =	vsub.f32 $7.500000000e-01, v0;
	[tilespmem:$0x1FCE0] =	vst v9;
	v9 =	vmul.f32 v2, v10  }
0x51: {  	[tilespmem:$0x1FD00] =	vst v12;
	v12 =	vmul.f32 v11, v2  }
0x52: {  	v2 =	vmul.f32 v14, v2;
	[tilespmem:$0x1FCF0] =	vst v9;
	v9 =	vmul.f32 v3, v0;
	_ =	sdelay $0x1  }
0x53: {  	[tilespmem:$0x1FD20] =	vst v2;
	v2 =	vmul.f32 $1.525878910e-05, v9;
	_ =	sdelay $0x1  }
0x54: {  	[tilespmem:$0x1FD30] =	vst v2;
	v2 =	vmul.f32 v9, v4;
	_ =	sdelay $0x1  }
0x55: {  	[tilespmem:$0x1FD40] =	vst v2;
	v2 =	vmul.f32 v9, v7  }
0x56: {  	[tilespmem:$0x1FD10] =	vst v12;
	v12 =	vmul.f32 v5, v9  }
0x57: {  	[tilespmem:$0x1FD50] =	vst v2;
	v2 =	vmul.f32 v9, v10  }
0x58: {  	[tilespmem:$0x1FD70] =	vst v12;
	v12 =	vmul.f32 v11, v9  }
0x59: {  	v9 =	vmul.f32 v14, v9;
	[tilespmem:$0x1FD60] =	vst v2;
	v2 =	vmul.f32 v8, v0;
	_ =	sdelay $0x1  }
0x5a: {  	[tilespmem:$0x1FD90] =	vst v9;
	v9 =	vmul.f32 $1.525878910e-05, v2;
	_ =	sdelay $0x1  }
0x5b: {  	[tilespmem:$0x1FDA0] =	vst v9;
	v9 =	vmul.f32 v2, v4;
	_ =	sdelay $0x1  }
0x5c: {  	[tilespmem:$0x1FDB0] =	vst v9;
	v9 =	vmul.f32 v2, v7;
	_ =	sdelay $0x1  }
0x5d: {  	[tilespmem:$0x1FDC0] =	vst v9;
	v9 =	vmul.f32 v2, v10;
	_ =	sdelay $0x1  }
0x5e: {  	[tilespmem:$0x1FDD0] =	vst v9;
	v9 =	vmul.f32 v5, v2  }
0x5f: {  	v0 =	vmul.f32 v1, v0  }
0x60: {  	[tilespmem:$0x1FDE0] =	vst v9;
	v9 =	vmul.f32 v11, v2;
	v2 =	vmul.f32 v14, v2;
	_ =	sdelay $0x1  }
0x61: {  	[tilespmem:$0x1FE00] =	vst v2;
	v2 =	vmul.f32 $1.525878910e-05, v0;
	_ =	sdelay $0x1  }
0x62: {  	[tilespmem:$0x1FE10] =	vst v2;
	v2 =	vmul.f32 v0, v4;
	_ =	sdelay $0x1  }
0x63: {  	[tilespmem:$0x1FE20] =	vst v2;
	v2 =	vmul.f32 v0, v7;
	_ =	sdelay $0x1  }
0x64: {  	[tilespmem:$0x1FE30] =	vst v2;
	v2 =	vmul.f32 v0, v10;
	_ =	sdelay $0x1  }
0x65: {  	[tilespmem:$0x1FE40] =	vst v2;
	v2 =	vmul.f32 v3, v6;
	v3 =	vmul.f32 v5, v0;
	_ =	sdelay $0x1  }
0x66: {  	[tilespmem:$0x1FE50] =	vst v3;
	v3 =	vmul.f32 v11, v0;
	v0 =	vmul.f32 v14, v0;
	_ =	sdelay $0x1  }
0x67: {  	[tilespmem:$0x1FE70] =	vst v0;
	v0 =	vmul.f32 $1.525878910e-05, v2;
	_ =	sdelay $0x1  }
0x68: {  	[tilespmem:$0x1FE80] =	vst v0;
	v0 =	vmul.f32 v2, v4;
	_ =	sdelay $0x1  }
0x69: {  	[tilespmem:$0x1FE90] =	vst v0;
	v0 =	vmul.f32 v2, v7  }
0x6a: {  	[tilespmem:$0x1FE60] =	vst v3;
	v3 =	vmul.f32 v5, v2  }
0x6b: {  	[tilespmem:$0x1FEA0] =	vst v0;
	v0 =	vmul.f32 v2, v10  }
0x6c: {  	[tilespmem:$0x1FEC0] =	vst v3;
	v3 =	vmul.f32 v11, v2  }
0x6d: {  	v2 =	vmul.f32 v14, v2;
	[tilespmem:$0x1FEB0] =	vst v0;
	v0 =	vmul.f32 v8, v6  }
0x6e: {  	v55 =	vld [tilespmem:s18+$0x1E000]  }
0x6f: {  	[tilespmem:$0x1FEE0] =	vst v2;
	v2 =	vmul.f32 $1.525878910e-05, v0;
	_ =	sdelay $0x1  }
0x70: {  	[tilespmem:$0x1FEF0] =	vst v2;
	v2 =	vmul.f32 v0, v4;
	_ =	sdelay $0x1  }
0x71: {  	vm1 =	vmmov vm0;
	v15 =	vadd.s32 $0x18001, v55;
	[tilespmem:$0x1FF00] =	vst v2;
	v2 =	vmul.f32 v0, v7  }
0x72: {  	v16 =	vadd.s32 $0x2, v55;
	v17 =	vadd.s32 $0x4002, v55;
	v18 =	vadd.s32 $0x8002, v55  }
0x73: {  	v19 =	vadd.s32 $0xC002, v55;
	v20 =	vadd.s32 $0x10002, v55;
	[tilespmem:$0x1FF10] =	vst v2;
	v2 =	vmul.f32 v0, v10  }
0x74: {  	v21 =	vadd.s32 $0x14002, v55;
	v22 =	vadd.s32 $0x18002, v55;
	v23 =	vadd.s32 $0x80, v55  }
0x75: {  	v24 =	vadd.s32 $0x4080, v55;
	v25 =	vadd.s32 $0x8080, v55;
	[tilespmem:$0x1FF20] =	vst v2;
	v2 =	vmul.f32 v5, v0  }
0x76: {  	v26 =	vadd.s32 $0xC080, v55;
	v27 =	vadd.s32 $0x10080, v55;
	v1 =	vmul.f32 v1, v6  }
0x77: {  	v28 =	vadd.s32 $0x14080, v55;
	[tilespmem:$0x1FF30] =	vst v2;
	v2 =	vmul.f32 v11, v0;
	v0 =	vmul.f32 v14, v0  }
0x78: {  	v29 =	vadd.s32 $0x18080, v55;
	v30 =	vadd.s32 $0x81, v55;
	v31 =	vadd.s32 $0x4081, v55  }
0x79: {  	v32 =	vadd.s32 $0x8081, v55;
	v33 =	vadd.s32 $0xC081, v55;
	[tilespmem:$0x1FF50] =	vst v0;
	v0 =	vmul.f32 v1, v4  }
0x7a: {  	v34 =	vadd.s32 $0x10081, v55;
	v35 =	vadd.s32 $0x14081, v55;
	v36 =	vadd.s32 $0x18081, v55  }
0x7b: {  	v37 =	vadd.s32 $0x82, v55;
	v38 =	vadd.s32 $0x4082, v55;
	[tilespmem:$0x1FF60] =	vst v0;
	v0 =	vmul.f32 v1, v7  }
0x7c: {  	v39 =	vadd.s32 $0x8082, v55;
	v40 =	vadd.s32 $0xC082, v55;
	v41 =	vadd.s32 $0x10082, v55  }
0x7d: {  	v42 =	vadd.s32 $0x14082, v55;
	v43 =	vadd.s32 $0x18082, v55;
	[tilespmem:$0x1FF70] =	vst v0;
	v0 =	vmul.f32 v1, v10  }
0x7e: {  	v44 =	vadd.s32 $0x100, v55;
	v45 =	vadd.s32 $0x4100, v55;
	v46 =	vadd.s32 $0x8100, v55  }
0x7f: {  	v47 =	vadd.s32 $0xC100, v55;
	v48 =	vadd.s32 $0x10100, v55;
	[tilespmem:$0x1FF80] =	vst v0;
	v0 =	vmul.f32 v5, v1  }
0x80: {  	v49 =	vadd.s32 $0x14100, v55;
	v50 =	vadd.s32 $0x18100, v55;
	v51 =	vadd.s32 $0x101, v55;
	[tilespmem:$0x1FD80] =	vst v12  }
0x81: {  	v52 =	vadd.s32 $0x4101, v55;
	v53 =	vadd.s32 $0x8101, v55;
	[tilespmem:$0x1FF90] =	vst v0;
	v0 =	vmul.f32 v11, v1  }
0x82: {  	v54 =	vadd.s32 $0xC101, v55;
	v56 =	vadd.s32 $0x10101, v55;
	v57 =	vadd.s32 $0x14101, v55;
	[tilespmem:$0x1FDF0] =	vst v9  }
0x83: {  	v58 =	vadd.s32 $0x18101, v55;
	v59 =	vadd.s32 $0x102, v55;
	[tilespmem:$0x1FFA0] =	vst v0;
	v0 =	vmul.f32 v14, v1  }
0x84: {  	v60 =	vadd.s32 $0x4102, v55;
	v61 =	vadd.s32 $0x8102, v55;
	v62 =	vadd.s32 $0xC102, v55;
	[tilespmem:$0x1FED0] =	vst v3  }
0x85: {  	v63 =	vadd.s32 $0x10102, v55;
	v13 =	vadd.s32 $0x10001, v55;
	[tilespmem:$0x1FFB0] =	vst v0;
	v0 =	vmul.f32 $1.525878910e-05, v1  }
0x86: {  	v12 =	vadd.s32 $0xC001, v55;
	v9 =	vadd.s32 $0x1, v55;
	[tilespmem:$0x1FF40] =	vst v2;
	v2 =	vand.u32 $0xFFF, v55  }
0x87: {  	v6 =	vadd.s32 $0x10000, v55;
	v8 =	vadd.s32 $0x18000, v55;
	[tilespmem:$0x1FFC0] =	vst v0;
	v0 =	vadd.s32 $0x4000, v55  }
0x88: {  	v4 =	vlaneseq.u32;
	v7 =	vadd.s32 $0x14000, v55;
	[tilespmem:$0x1FFD0] =	vst v0;
	v0 =	vadd.s32 $0x8000, v55  }
0x89: {  	v10 =	vadd.s32 $0x4001, v55;
	v11 =	vadd.s32 $0x8001, v55;
	[tilespmem:$0x1FFE0] =	vst v0;
	v0 =	vadd.s32 $0xC000, v55  }
0x8a: {  	v14 =	vadd.s32 $0x14001, v55;
	v1 =	vadd.s32 $0x18102, v55;
	[tilespmem:$0x1FFF0] =	vst v0;
	v0 =	vadd.s32 $0x14102, v55  }
.LBB2_6:
0x8b: {  	[tilespmem:v2+s11+$0x0] =	vst.idx.msk vm1, v4  }
0x8c: {  	v3 =	vld.idx.msk [tilespmem:v2+s11+$0x0], vm1;
	_ =	sdelay $0x4  }
0x8d: {  	vm2 =	veq.s32 v3, v4  }
0x8e: {  	vm2 =	vmand vm1, vm2  }
0x8f: {  	v3 =	vld [tilespmem:$0x1FBE0];
	_ =	sdelay $0x2  }
0x90: {  	v5 =	vld [tilespmem:$0x1FFD0];
	_ =	sdelay $0x1  }
0x91: {  	[tilespmem:v55+s2+$0x0] =	vst.idx.add.f32.msk vm2, v3  }
0x92: {  	v3 =	vld [tilespmem:$0x1FBF0];
	_ =	sdelay $0x4  }
0x93: {  	[tilespmem:v5+s2+$0x0] =	vst.idx.add.f32.msk vm2, v3  }
0x94: {  	v5 =	vld [tilespmem:$0x1FFE0];
	_ =	sdelay $0x2  }
0x95: {  	v3 =	vld [tilespmem:$0x1FC00];
	_ =	sdelay $0x4  }
0x96: {  	[tilespmem:v5+s2+$0x0] =	vst.idx.add.f32.msk vm2, v3  }
0x97: {  	v5 =	vld [tilespmem:$0x1FFF0];
	_ =	sdelay $0x2  }
0x98: {  	v3 =	vld [tilespmem:$0x1FC10];
	_ =	sdelay $0x4  }
0x99: {  	[tilespmem:v5+s2+$0x0] =	vst.idx.add.f32.msk vm2, v3  }
0x9a: {  	v3 =	vld [tilespmem:$0x1FC20];
	_ =	sdelay $0x4  }
0x9b: {  	[tilespmem:v6+s2+$0x0] =	vst.idx.add.f32.msk vm2, v3  }
0x9c: {  	v3 =	vld [tilespmem:$0x1FC30];
	_ =	sdelay $0x4  }
0x9d: {  	[tilespmem:v7+s2+$0x0] =	vst.idx.add.f32.msk vm2, v3  }
0x9e: {  	v3 =	vld [tilespmem:$0x1FC40];
	_ =	sdelay $0x4  }
0x9f: {  	[tilespmem:v8+s2+$0x0] =	vst.idx.add.f32.msk vm2, v3  }
0xa0: {  	v3 =	vld [tilespmem:$0x1FC50];
	_ =	sdelay $0x4  }
0xa1: {  	[tilespmem:v9+s2+$0x0] =	vst.idx.add.f32.msk vm2, v3  }
0xa2: {  	v3 =	vld [tilespmem:$0x1FC60];
	_ =	sdelay $0x4  }
0xa3: {  	[tilespmem:v10+s2+$0x0] =	vst.idx.add.f32.msk vm2, v3  }
0xa4: {  	v3 =	vld [tilespmem:$0x1FC70];
	_ =	sdelay $0x4  }
0xa5: {  	[tilespmem:v11+s2+$0x0] =	vst.idx.add.f32.msk vm2, v3  }
0xa6: {  	v3 =	vld [tilespmem:$0x1FC80];
	_ =	sdelay $0x4  }
0xa7: {  	[tilespmem:v12+s2+$0x0] =	vst.idx.add.f32.msk vm2, v3  }
0xa8: {  	v3 =	vld [tilespmem:$0x1FC90];
	_ =	sdelay $0x4  }
0xa9: {  	[tilespmem:v13+s2+$0x0] =	vst.idx.add.f32.msk vm2, v3  }
0xaa: {  	v3 =	vld [tilespmem:$0x1FCA0];
	_ =	sdelay $0x4  }
0xab: {  	[tilespmem:v14+s2+$0x0] =	vst.idx.add.f32.msk vm2, v3  }
0xac: {  	v3 =	vld [tilespmem:$0x1FCB0];
	_ =	sdelay $0x4  }
0xad: {  	[tilespmem:v15+s2+$0x0] =	vst.idx.add.f32.msk vm2, v3  }
0xae: {  	v3 =	vld [tilespmem:$0x1FCC0];
	_ =	sdelay $0x4  }
0xaf: {  	[tilespmem:v16+s2+$0x0] =	vst.idx.add.f32.msk vm2, v3  }
0xb0: {  	v3 =	vld [tilespmem:$0x1FCD0];
	_ =	sdelay $0x4  }
0xb1: {  	[tilespmem:v17+s2+$0x0] =	vst.idx.add.f32.msk vm2, v3  }
0xb2: {  	v3 =	vld [tilespmem:$0x1FCE0];
	_ =	sdelay $0x4  }
0xb3: {  	[tilespmem:v18+s2+$0x0] =	vst.idx.add.f32.msk vm2, v3  }
0xb4: {  	v3 =	vld [tilespmem:$0x1FCF0];
	_ =	sdelay $0x4  }
0xb5: {  	[tilespmem:v19+s2+$0x0] =	vst.idx.add.f32.msk vm2, v3  }
0xb6: {  	v3 =	vld [tilespmem:$0x1FD00];
	_ =	sdelay $0x4  }
0xb7: {  	[tilespmem:v20+s2+$0x0] =	vst.idx.add.f32.msk vm2, v3  }
0xb8: {  	v3 =	vld [tilespmem:$0x1FD10];
	_ =	sdelay $0x4  }
0xb9: {  	[tilespmem:v21+s2+$0x0] =	vst.idx.add.f32.msk vm2, v3  }
0xba: {  	v3 =	vld [tilespmem:$0x1FD20];
	_ =	sdelay $0x4  }
0xbb: {  	[tilespmem:v22+s2+$0x0] =	vst.idx.add.f32.msk vm2, v3  }
0xbc: {  	v3 =	vld [tilespmem:$0x1FD30];
	_ =	sdelay $0x4  }
0xbd: {  	[tilespmem:v23+s2+$0x0] =	vst.idx.add.f32.msk vm2, v3  }
0xbe: {  	v3 =	vld [tilespmem:$0x1FD40];
	_ =	sdelay $0x4  }
0xbf: {  	[tilespmem:v24+s2+$0x0] =	vst.idx.add.f32.msk vm2, v3  }
0xc0: {  	v3 =	vld [tilespmem:$0x1FD50];
	_ =	sdelay $0x4  }
0xc1: {  	[tilespmem:v25+s2+$0x0] =	vst.idx.add.f32.msk vm2, v3  }
0xc2: {  	v3 =	vld [tilespmem:$0x1FD60];
	_ =	sdelay $0x4  }
0xc3: {  	[tilespmem:v26+s2+$0x0] =	vst.idx.add.f32.msk vm2, v3  }
0xc4: {  	v3 =	vld [tilespmem:$0x1FD70];
	_ =	sdelay $0x4  }
0xc5: {  	[tilespmem:v27+s2+$0x0] =	vst.idx.add.f32.msk vm2, v3  }
0xc6: {  	v3 =	vld [tilespmem:$0x1FD80];
	_ =	sdelay $0x4  }
0xc7: {  	[tilespmem:v28+s2+$0x0] =	vst.idx.add.f32.msk vm2, v3  }
0xc8: {  	v3 =	vld [tilespmem:$0x1FD90];
	_ =	sdelay $0x4  }
0xc9: {  	[tilespmem:v29+s2+$0x0] =	vst.idx.add.f32.msk vm2, v3  }
0xca: {  	v3 =	vld [tilespmem:$0x1FDA0];
	_ =	sdelay $0x4  }
0xcb: {  	[tilespmem:v30+s2+$0x0] =	vst.idx.add.f32.msk vm2, v3  }
0xcc: {  	v3 =	vld [tilespmem:$0x1FDB0];
	_ =	sdelay $0x4  }
0xcd: {  	[tilespmem:v31+s2+$0x0] =	vst.idx.add.f32.msk vm2, v3  }
0xce: {  	v3 =	vld [tilespmem:$0x1FDC0];
	_ =	sdelay $0x4  }
0xcf: {  	[tilespmem:v32+s2+$0x0] =	vst.idx.add.f32.msk vm2, v3  }
0xd0: {  	v3 =	vld [tilespmem:$0x1FDD0];
	_ =	sdelay $0x4  }
0xd1: {  	[tilespmem:v33+s2+$0x0] =	vst.idx.add.f32.msk vm2, v3  }
0xd2: {  	v3 =	vld [tilespmem:$0x1FDE0];
	_ =	sdelay $0x4  }
0xd3: {  	[tilespmem:v34+s2+$0x0] =	vst.idx.add.f32.msk vm2, v3  }
0xd4: {  	v3 =	vld [tilespmem:$0x1FDF0];
	_ =	sdelay $0x4  }
0xd5: {  	[tilespmem:v35+s2+$0x0] =	vst.idx.add.f32.msk vm2, v3  }
0xd6: {  	v3 =	vld [tilespmem:$0x1FE00];
	_ =	sdelay $0x4  }
0xd7: {  	[tilespmem:v36+s2+$0x0] =	vst.idx.add.f32.msk vm2, v3  }
0xd8: {  	v3 =	vld [tilespmem:$0x1FE10];
	_ =	sdelay $0x4  }
0xd9: {  	[tilespmem:v37+s2+$0x0] =	vst.idx.add.f32.msk vm2, v3  }
0xda: {  	v3 =	vld [tilespmem:$0x1FE20];
	_ =	sdelay $0x4  }
0xdb: {  	vm1 =	vmxor vm1, vm2;
	[tilespmem:v38+s2+$0x0] =	vst.idx.add.f32.msk vm2, v3;
	v3 =	vimm.f32 $0.0e+00  }
0xdc: {  	v5 =	vld [tilespmem:$0x1FE30];
	v3 =	vsel vm1, $0x3F800000, v3  }
0xdd: {  	(xrf0) =	vmax.scan.msk.f32 $0xffff, v3;
	v3 =	vld [tilespmem:$0x1FE40];
	_ =	sdelay $0x3  }
0xde: {  	[tilespmem:v39+s2+$0x0] =	vst.idx.add.f32.msk vm2, v5  }
0xdf: {  	[tilespmem:v40+s2+$0x0] =	vst.idx.add.f32.msk vm2, v3  }
0xe0: {  	v3 =	vld [tilespmem:$0x1FE50];
	_ =	sdelay $0x4  }
0xe1: {  	[tilespmem:v41+s2+$0x0] =	vst.idx.add.f32.msk vm2, v3  }
0xe2: {  	v3 =	vld [tilespmem:$0x1FE60];
	_ =	sdelay $0x4  }
0xe3: {  	[tilespmem:v42+s2+$0x0] =	vst.idx.add.f32.msk vm2, v3  }
0xe4: {  	v3 =	vld [tilespmem:$0x1FE70];
	_ =	sdelay $0x4  }
0xe5: {  	[tilespmem:v43+s2+$0x0] =	vst.idx.add.f32.msk vm2, v3  }
0xe6: {  	v3 =	vld [tilespmem:$0x1FE80];
	_ =	sdelay $0x4  }
0xe7: {  	[tilespmem:v44+s2+$0x0] =	vst.idx.add.f32.msk vm2, v3  }
0xe8: {  	v3 =	vld [tilespmem:$0x1FE90];
	_ =	sdelay $0x4  }
0xe9: {  	[tilespmem:v45+s2+$0x0] =	vst.idx.add.f32.msk vm2, v3;
	v3, _, _ =	vpop (xrf0)  }
0xea: {  	(v2sf) =	vpush v3, $0xF;
	v3 =	vld [tilespmem:$0x1FEA0];
	_ =	sdelay $0x4  }
0xeb: {  	[tilespmem:v46+s2+$0x0] =	vst.idx.add.f32.msk vm2, v3  }
0xec: {  	v3 =	vld [tilespmem:$0x1FEB0];
	_ =	sdelay $0x4  }
0xed: {  	[tilespmem:v47+s2+$0x0] =	vst.idx.add.f32.msk vm2, v3  }
0xee: {  	v3 =	vld [tilespmem:$0x1FEC0];
	_ =	sdelay $0x4  }
0xef: {  	[tilespmem:v48+s2+$0x0] =	vst.idx.add.f32.msk vm2, v3  }
0xf0: {  	v3 =	vld [tilespmem:$0x1FED0];
	_ =	sdelay $0x4  }
0xf1: {  	[tilespmem:v49+s2+$0x0] =	vst.idx.add.f32.msk vm2, v3  }
0xf2: {  	v3 =	vld [tilespmem:$0x1FEE0];
	_ =	sdelay $0x4  }
0xf3: {  	[tilespmem:v50+s2+$0x0] =	vst.idx.add.f32.msk vm2, v3  }
0xf4: {  	v3 =	vld [tilespmem:$0x1FEF0];
	_ =	sdelay $0x4  }
0xf5: {  	[tilespmem:v51+s2+$0x0] =	vst.idx.add.f32.msk vm2, v3  }
0xf6: {  	v3 =	vld [tilespmem:$0x1FF00];
	_ =	sdelay $0x4  }
0xf7: {  	[tilespmem:v52+s2+$0x0] =	vst.idx.add.f32.msk vm2, v3  }
0xf8: {  	v3 =	vld [tilespmem:$0x1FF10];
	_ =	sdelay $0x4  }
0xf9: {  	[tilespmem:v53+s2+$0x0] =	vst.idx.add.f32.msk vm2, v3  }
0xfa: {  	v3 =	vld [tilespmem:$0x1FF20];
	_ =	sdelay $0x4  }
0xfb: {  	[tilespmem:v54+s2+$0x0] =	vst.idx.add.f32.msk vm2, v3  }
0xfc: {  	v3 =	vld [tilespmem:$0x1FF30];
	_ =	sdelay $0x4  }
0xfd: {  	[tilespmem:v56+s2+$0x0] =	vst.idx.add.f32.msk vm2, v3  }
0xfe: {  	v3 =	vld [tilespmem:$0x1FF40];
	_ =	sdelay $0x4  }
0xff: {  	[tilespmem:v57+s2+$0x0] =	vst.idx.add.f32.msk vm2, v3  }
0x100: {  	v3 =	vld [tilespmem:$0x1FF50];
	_ =	sdelay $0x4  }
0x101: {  	[tilespmem:v58+s2+$0x0] =	vst.idx.add.f32.msk vm2, v3  }
0x102: {  	v3 =	vld [tilespmem:$0x1FFC0];
	_ =	sdelay $0x4  }
0x103: {  	[tilespmem:v59+s2+$0x0] =	vst.idx.add.f32.msk vm2, v3  }
0x104: {  	v3 =	vld [tilespmem:$0x1FF60];
	_ =	sdelay $0x4  }
0x105: {  	[tilespmem:v60+s2+$0x0] =	vst.idx.add.f32.msk vm2, v3  }
0x106: {  	v3 =	vld [tilespmem:$0x1FF70];
	_ =	sdelay $0x4  }
0x107: {  	[tilespmem:v61+s2+$0x0] =	vst.idx.add.f32.msk vm2, v3  }
0x108: {  	v3 =	vld [tilespmem:$0x1FF80];
	_ =	sdelay $0x4  }
0x109: {  	[tilespmem:v62+s2+$0x0] =	vst.idx.add.f32.msk vm2, v3  }
0x10a: {  	v3 =	vld [tilespmem:$0x1FF90];
	_ =	sdelay $0x4  }
0x10b: {  	[tilespmem:v63+s2+$0x0] =	vst.idx.add.f32.msk vm2, v3  }
0x10c: {  	v3 =	vld [tilespmem:$0x1FFA0];
	_ =	sdelay $0x4  }
0x10d: {  	s18 =	spop (v2sf);
	[tilespmem:v0+s2+$0x0] =	vst.idx.add.f32.msk vm2, v3  }
0x10e: {  	p1 =	sgt.f32 s18, $0.0e+00;
	v3 =	vld [tilespmem:$0x1FFB0]  }
.Ltmp6:
0x10f: {  	_ = 	snop;
	(pc) =	sbr.rel @p1 .LBB2_6-.Ltmp6, $2  }
0x110: {  	_ =	sdelay $0x2  }
0x111: {  	[tilespmem:v1+s2+$0x0] =	vst.idx.add.f32.msk vm2, v3  }
0x112: {  	s17 =	sadd.s32 $0x1, s17  }
0x113: {  	p1 =	sne.s32 s17, $0x40  }
.Ltmp7:
0x114: {  	_ = 	snop;
	(pc) =	sbr.rel @p1 .LBB2_5-.Ltmp7, $4  }
.Ltmp8:
0x115: {  	_ = 	snop;
	(pc) =	sbr.rel @!p1 .LBB2_8-.Ltmp8, $4  }
0x116: {  	_ = 	snop  }
0x117: {  	_ = 	snop  }
0x118: {  	_ = 	snop  }
0x119: {  	_ = 	snop  }
.LBB2_10:
0x11a: {  	_ =	sfence.sel $0x180000  }
0x11b: {  	[bflag:$0x0] =	sbarrier.arrive $0xFFFF  }
0x11c: {  	p0 =	sne.s32 s3, $0x0;
	_ =	strace $0x9000004D  }
0x11d: {  	s0 =	sadd.s32 @!p0 $0x100000, s0;
	[bflag:$0x2] =	sbarrier.arrive $0xFFFF  }
0x11e: {  	[sflag:s0] =	ssyncadd.tile.s32 @!p0 $0x1;
	_ =	shalt  }
.Lfunc_end2:
_tile_overlayer_lowered:
.L_overlay_start_2:
0x11f: {  	(tag) =	ssettag $0x2  }
0x120: {  	s0 =	rddreg [dreg:$0x0];
	s2 =	stileid.u32  }
0x121: {  	s1 =	rddreg [dreg:$0x1];
	p0 =	sne.s32 s2, $0x0  }
0x122: {  	s3 =	rddreg [dreg:$0x2];
	[bflag:$0x3] =	sbarrier.arrive $0xFFFF;
	s2 =	simm.s32 @!p0 $0x1C01  }
0x123: {  	[timem:s3], [sflag:s2] =	dma.local @!p0 [hbm:s0], s1  }
0x124: {  	s0 =	simm.s32 @!p0 $0x1  }
0x125: {  	_ =	swait.ge @!p0 [sflag:s0], s1  }
0x126: {  	s1 =	ssub.s32 @!p0 $0x0, s1;
	[sflag:s0] =	ssyncset.done @!p0 $0x0  }
0x127: {  	[sflag:s0] =	ssyncadd.s32 @!p0 s1  }
0x128: {  	[bflag:$0x3] =	sbarrier.arrive $0xFFFF  }
0x129: {  	_ =	shalt  }

// kernel: kernel.9.cloned.1.call-start
scs
__scs_entry_jumppad:
0x0: {  	(pc) =	sbr.rel $0x88, $3  }
0x1: {  	(tag) =	ssettag $0x0;
	lr =	simm.s32 $0x1  }
0x2: {  	[smem:$0x3F99] =	sst lr;
	_ =	strace $0xD0000000  }
0x3: {  	_ = 	snop  }
0x4: {  	_ = 	snop  }
0x5: {  	_ = 	snop  }
0x6: {  	_ = 	snop  }
0x7: {  	_ = 	snop  }
__scs_overlays_trampoline_lowered:
0x8: {  	[smem:$0x3FA8] =	sst s0  }
0x9: {  	[smem:$0x3FA9] =	sst s1  }
0xa: {  	[smem:$0x3FAA] =	sst s2  }
0xb: {  	[smem:$0x3FAB] =	sst s3  }
0xc: {  	[smem:$0x3FAC] =	sst s4  }
0xd: {  	[smem:$0x3FAD] =	sst s5  }
0xe: {  	[smem:$0x3FAE] =	sst s6  }
0xf: {  	[smem:$0x3FAF] =	sst s7  }
0x10: {  	[smem:$0x3FB0] =	sst s8  }
0x11: {  	[smem:$0x3FB1] =	sst s9;
	s0 =	simm.s32 @!p0 $0x0  }
0x12: {  	s1 =	sld [smem:$0x3F97];
	s0 =	simm.s32 @p0 $0x1  }
0x13: {  	[smem:$0x3FB2] =	sst s0;
	s0 =	simm.s32 @!p1 $0x0  }
0x14: {  	s2 =	sld [smem:$0x3F96];
	s0 =	simm.s32 @p1 $0x1  }
0x15: {  	[smem:$0x3FB3] =	sst s0;
	s0 =	simm.s32 @!p2 $0x0  }
0x16: {  	s3 =	sld [smem:$0x3FDB];
	s0 =	simm.s32 @p2 $0x1  }
0x17: {  	s4 =	simm.s32 $0x1BF5;
	[smem:$0x3FB5] =	sst s0  }
0x18: {  	s0 =	sld [smem:$0x3F98];
	_ =	swait.ge [sflag:s4], $0x0  }
0x19: {  	s7 =	sld [smem:$0x3F99]  }
0x1a: {  	s8 =	sadd.s32 $0xFFFFE003, lr  }
0x1b: {  	s9 =	sadd.s32 $0xFFFFFEF7, lr;
	s5 =	simm.s32 $0xFFFFFFFF;
	p2 =	slt.u32 s8, $0xFFFFF086  }
0x1c: {  	p1 =	slt.u32 s9, $0xF7A;
	s5 =	simm.s32 @!p2 $0x0  }
0x1d: {  	s5 =	simm.s32 @p1 $0x1;
	p0 =	seq.s32 s7, s2  }
0x1e: {  	s7 =	smul.u32 @!p0 $0xF7A, s2;
	p2 =	seq.s32 @!p0 s5, $0x0  }
0x1f: {  	s9 =	smul.u32 $0xF7A, s1;
	s8 =	simm.s32 @!p0 $0x1BF5;
	p2 =	por !p2, p0  }
0x20: {  	[sflag:s8] =	ssyncset.s32 @!p0 $0xFFFFF086;
	s6 =	sadd.s32 @!p0 s3, s7;
	s7 =	simm.s32 @!p0 $0x108  }
0x21: {  	s3 =	sadd.s32 s3, s9;
	s6 =	sadd.s32 @!p0 $0x88, s6;
	s7 =	simm.s32 @p2 $0x1082  }
0x22: {  	[simem:s7], [sflag:s8] =	dma.local @!p0 [hbm:s6], $0xF7A  }
0x23: {  	s9 =	sor.u32 $0xD0000000, s2;
	s6 =	simm.s32 $0x108;
	_ =	swait.ge @!p0 [sflag:s8], $0x0  }
0x24: {  	s3 =	sadd.s32 $0x88, s3;
	s6 =	simm.s32 @!p1 $0x1082;
	[sflag:s4] =	ssyncset.s32 $0xFFFFF086  }
0x25: {  	[simem:s6], [sflag:s4] =	dma.local [hbm:s3], $0xF7A  }
0x26: {  	[smem:$0x3F99] =	sst s1;
	(tag) =	ssettag s2;
	_ =	strace s9  }
0x27: {  	s1 =	sld [smem:$0x3FA9]  }
0x28: {  	s2 =	sld [smem:$0x3FAA]  }
0x29: {  	s4 =	sld [smem:$0x3FAC]  }
0x2a: {  	p0 =	seq.s32 s5, $0x0;
	s5 =	sld [smem:$0x3FAD]  }
0x2b: {  	s6 =	sld [smem:$0x3FAE]  }
0x2c: {  	s7 =	sld [smem:$0x3FAF]  }
0x2d: {  	s3 =	simm.s32 $0x108;
	s8 =	sld [smem:$0x3FB0]  }
0x2e: {  	s3 =	simm.s32 @!p0 $0x1082;
	s9 =	sld [smem:$0x3FB1]  }
0x2f: {  	lr =	sadd.s32 s0, s3;
	s0 =	sld [smem:$0x3FA8]  }
0x30: {  	s3 =	sld [smem:$0x3FAB]  }
0x31: {  	[smem:$0x3FB4] =	sst s10  }
0x32: {  	s10 =	sld [smem:$0x3FB2];
	_ =	sdelay $0x3  }
0x33: {  	p0 =	seq.s32 s10, $0x1;
	s10 =	sld [smem:$0x3FB4];
	_ =	sdelay $0x3  }
0x34: {  	[smem:$0x3FB4] =	sst s10  }
0x35: {  	s10 =	sld [smem:$0x3FB3];
	_ =	sdelay $0x3  }
0x36: {  	p1 =	seq.s32 s10, $0x1;
	s10 =	sld [smem:$0x3FB4];
	_ =	sdelay $0x3  }
0x37: {  	[smem:$0x3FB4] =	sst s10  }
0x38: {  	s10 =	sld [smem:$0x3FB5]  }
0x39: {  	_ = 	snop;
	(pc) =	sbr.ind lr, $3  }
0x3a: {  	_ = 	snop  }
0x3b: {  	_ = 	snop  }
0x3c: {  	p2 =	seq.s32 s10, $0x1;
	s10 =	sld [smem:$0x3FB4]  }
0x3d: {  	_ =	shalt  }
0x3e: {  	_ =	shalt  }
0x3f: {  	_ =	shalt  }
0x40: {  	_ =	shalt  }
0x41: {  	_ =	shalt  }
0x42: {  	_ =	shalt  }
0x43: {  	_ =	shalt  }
0x44: {  	_ =	shalt  }
0x45: {  	_ =	shalt  }
0x46: {  	_ =	shalt  }
0x47: {  	_ =	shalt  }
0x48: {  	_ =	shalt  }
0x49: {  	_ =	shalt  }
0x4a: {  	_ =	shalt  }
0x4b: {  	_ =	shalt  }
0x4c: {  	_ =	shalt  }
0x4d: {  	_ =	shalt  }
0x4e: {  	_ =	shalt  }
0x4f: {  	_ =	shalt  }
0x50: {  	_ =	shalt  }
0x51: {  	_ =	shalt  }
0x52: {  	_ =	shalt  }
0x53: {  	_ =	shalt  }
0x54: {  	_ =	shalt  }
0x55: {  	_ =	shalt  }
0x56: {  	_ =	shalt  }
0x57: {  	_ =	shalt  }
0x58: {  	_ =	shalt  }
0x59: {  	_ =	shalt  }
0x5a: {  	_ =	shalt  }
0x5b: {  	_ =	shalt  }
0x5c: {  	_ =	shalt  }
0x5d: {  	_ =	shalt  }
0x5e: {  	_ =	shalt  }
0x5f: {  	_ =	shalt  }
0x60: {  	_ =	shalt  }
0x61: {  	_ =	shalt  }
0x62: {  	_ =	shalt  }
0x63: {  	_ =	shalt  }
0x64: {  	_ =	shalt  }
0x65: {  	_ =	shalt  }
0x66: {  	_ =	shalt  }
0x67: {  	_ =	shalt  }
0x68: {  	_ =	shalt  }
0x69: {  	_ =	shalt  }
0x6a: {  	_ =	shalt  }
0x6b: {  	_ =	shalt  }
0x6c: {  	_ =	shalt  }
0x6d: {  	_ =	shalt  }
0x6e: {  	_ =	shalt  }
0x6f: {  	_ =	shalt  }
0x70: {  	_ =	shalt  }
0x71: {  	_ =	shalt  }
0x72: {  	_ =	shalt  }
0x73: {  	_ =	shalt  }
0x74: {  	_ =	shalt  }
0x75: {  	_ =	shalt  }
0x76: {  	_ =	shalt  }
0x77: {  	_ =	shalt  }
0x78: {  	_ =	shalt  }
0x79: {  	_ =	shalt  }
0x7a: {  	_ =	shalt  }
0x7b: {  	_ =	shalt  }
0x7c: {  	_ =	shalt  }
0x7d: {  	_ =	shalt  }
0x7e: {  	_ =	shalt  }
0x7f: {  	_ =	shalt  }
0x80: {  	_ =	shalt  }
0x81: {  	_ =	shalt  }
0x82: {  	_ =	shalt  }
0x83: {  	_ =	shalt  }
0x84: {  	_ =	shalt  }
0x85: {  	_ =	shalt  }
0x86: {  	_ =	shalt  }
0x87: {  	_ =	shalt  }
.Lfunc_end0:
.L_simem_size_0:
called_computation.3_lowered:
.L_overlay_start_0:
0x88: {  	s2 =	sld [smem:$0x3FD9]  }
0x89: {  	s3 =	sld [smem:$0x3FFE];
	_ =	sdelay $0x1  }
0x8a: {  	s1 =	srdreg.scid  }
0x8b: {  	s0 =	sand.u32 $0x1, s1  }
0x8c: {  	s14 =	sshll.u32 s0, $0xA;
	s2 =	sadd.s32 s3, s2  }
0x8d: {  	s2 =	sadd.s32 s2, s14  }
0x8e: {  	[smem:$0x3FC0] =	sst s2  }
0x8f: {  	_ = 	snop  }
0x90: {  	s2 =	sld [smem:$0x3FD0];
	_ =	sdelay $0x2  }
0x91: {  	s4 =	simm.s32 $0xA;
	s5 =	simm.s32 $0x10;
	s15 =	sld [smem:$0x3FC9]  }
0x92: {  	[smem:s5], [sflag:s4] =	dma.local [hbm:s2], $0x1  }
0x93: {  	_ =	swait.eq [sflag:s4], $0x1  }
0x94: {  	[sflag:s4] =	ssyncset.done $0x0  }
0x95: {  	s16 =	sld [smem:$0x14];
	[sflag:s4] =	ssyncadd.s32 $0xFFFFFFFF  }
0x96: {  	s17 =	sld [smem:$0x15];
	(tm) =	ssettm $0x1  }
0x97: {  	s18 =	sld [smem:$0x3FFB];
	_ =	sdelay $0x3  }
0x98: {  	_ =	strace s18  }
0x99: {  	s5 =	sld [smem:$0x3FFC];
	_ =	sdelay $0x3  }
0x9a: {  	_ =	strace s5  }
0x9b: {  	s5 =	sld [smem:$0x3FFD];
	_ =	sdelay $0x3  }
0x9c: {  	_ =	strace s5  }
0x9d: {  	_ =	strace $0x8FFFFFFF  }
0x9e: {  	s19 =	sld [smem:$0x3FDB];
	_ =	sdelay $0x1  }
0x9f: {  	s6 =	simm.s32 $_scs_section_size  }
0xa0: {  	s7 =	simm.s32 $_size__tile_overlayer_lowered;
	s8 =	simm.s32 $_tile_overlayer_lowered  }
0xa1: {  	s22 =	simm.s32 $0x1BFF;
	s21 =	sshll.u32 s8, $0x1;
	s5 =	sadd.s32 s6, s19  }
0xa2: {  	s9 =	simm.s32 $0x0;
	s20 =	sshll.u32 s7, $0x1;
	s7 =	sadd.s32 s21, s5  }
0xa3: {  	[timem:s9], [sflag:s22] =	dma.local [hbm:s7], s20  }
0xa4: {  	_ =	swait.ge [sflag:s22], s20  }
0xa5: {  	s6 =	ssub.s32 $0x0, s20;
	[sflag:s22] =	ssyncset.done $0x0  }
0xa6: {  	[sflag:s22] =	ssyncadd.s32 s6;
	_ =	sdelay $0x1  }
0xa7: {  	s23 =	simm.s32 $0x1B8B  }
0xa8: {  	_ =	swait.ge [sflag:s23], $0x1  }
0xa9: {  	[sflag:s23] =	ssyncset.done $0x0  }
0xaa: {  	s25 =	simm.s32 $0x1B8E;
	s24 =	sld [smem:$0x3FFE];
	[sflag:s23] =	ssyncadd.s32 $0xFFFFFFFF  }
0xab: {  	s26 =	simm.s32 $execute0_lowered;
	[smem:$0x3FD2] =	sst s25  }
0xac: {  	s7 =	sshll.u32 s26, $0x1;
	_ =	strace $0x8000004F;
	[dreg:$0x1] =	wrdreg $0xFFFFFFFF  }
0xad: {  	s28 =	simm.s32 $_size_execute0_lowered;
	s5 =	sadd.s32 s5, s7;
	[dreg:$0x0] =	wrdreg $0x0  }
0xae: {  	s7 =	sshll.u32 s28, $0x1;
	[dreg:$0x2] =	wrdreg s5  }
0xaf: {  	[dreg:$0x3] =	wrdreg s7  }
0xb0: {  	[dreg:$0x4] =	wrdreg $0xC0  }
0xb1: {  	_ =	task [dreg:s9], $0x5FFFF  }
0xb2: {  	[dreg:$0x1] =	wrdreg $0xFFFFFFFF  }
0xb3: {  	[dreg:$0x0] =	wrdreg $0x60  }
0xb4: {  	[dreg:$0x2] =	wrdreg s24  }
0xb5: {  	[dreg:$0x3] =	wrdreg s17  }
0xb6: {  	[dreg:$0x4] =	wrdreg s15  }
0xb7: {  	[dreg:$0x5] =	wrdreg s16  }
0xb8: {  	[dreg:$0x6] =	wrdreg $0x9  }
0xb9: {  	_ =	task.clear_ibuf [dreg:s9], $0x7FFFF;
	_ =	strace $0x9000004F  }
0xba: {  	s29 =	simm.s32 $0x9;
	_ =	strace $0x80000051  }
0xbb: {  	_ =	swait.ge [sflag:s29], $0x1  }
0xbc: {  	[sflag:s29] =	ssyncadd.s32 $0xFFFFFFFF  }
0xbd: {  	_ =	strace $0x90000051  }
0xbe: {  	_ =	sfence  }
0xbf: {  	s30 =	sld [smem:$0x0];
	_ =	sdelay $0x2  }
0xc0: {  	s31 =	sshll.u32 s1, $0xD;
	s1 =	sshrl.u32 s1, $0x2  }
0xc1: {  	s3 =	sand.u32 $0x4000, s31;
	s1 =	sadd.s32 s1, s30  }
0xc2: {  	s0 =	sor.u32 s3, s0;
	s1 =	sshll.u32 s1, $0x11  }
0xc3: {  	s0 =	sor.u32 s1, s0  }
0xc4: {  	s0 =	sadd.s32 $0x8F2B, s0  }
0xc5: {  	[sflag:s0] =	ssyncadd.remote.s32 $0x1  }
0xc6: {  	_ =	sfence.sel $0xFFFF  }
0xc7: {  	[dreg:$0x0] =	wrdreg $0xFFFFFFFF;
	(pc) =	sbr.abs _section_cstart, $3  }
0xc8: {  	[dreg:$0x1] =	wrdreg $0xFFFFFFFF  }
0xc9: {  	_ =	task.clear_ibuf [dreg:s9], $0x2FFFF;
	_ =	strace $0x9FFFFFFF  }
0xca: {  	(tm) =	ssettm $0x7FFFFFFF  }
0xcb: {  	_ =	shalt  }
tec
execute0_lowered:
.L_overlay_start_1:
0x0: {  	(tag) =	ssettag $0x1  }
0x1: {  	s5 =	rddreg [dreg:$0x0]  }
0x2: {  	s1 =	rddreg [dreg:$0x1]  }
0x3: {  	s2 =	rddreg [dreg:$0x2]  }
0x4: {  	s3 =	rddreg [dreg:$0x3]  }
0x5: {  	s0 =	rddreg [dreg:$0x4];
	s4 =	simm.s32 $0x0  }
0x6: {  	s6 =	srdreg.scid;
	s11 =	simm.s32 $0x80;
	s12 =	simm.s32 $0x100  }
0x7: {  	s13 =	simm.s32 $0x1;
	s14 =	simm.s32 $0x4000;
	s15 =	simm.s32 $0x400  }
0x8: {  	s16 =	simm.s32 $0x8000;
	s17 =	simm.s32 $0xB000;
	s18 =	simm.s32 $0xD000  }
0x9: {  	s19 =	simm.s32 $0x0;
	[smem:$0x7FF] =	sst s4;
	s8 =	sand.u32 $0x1, s6  }
0xa: {  	s6 =	sadd.s32 $0x20A00, s5;
	s7 =	sadd.s32 $0x60A00, s5;
	s9 =	ssub.s32 $0x2, s8  }
0xb: {  	s5 =	stileid.u32;
	_ =	strace $0x80000050;
	s10 =	sshrl.u32 s9, $0x1  }
0xc: {  	s31 =	sshll.u32 s5, $0xE;
	s8 =	sshll.u32 s8, $0xD;
	s10 =	ssub.s32 s9, s10  }
0xd: {  	s8 =	sor.u32 s8, s31;
	s9 =	sadd.s32 $0x10, s3;
	s10 =	smax.u32 s10, $0x1  }
.LBB2_1:
0xe: {  	[tilespmem:s4], [sflag:$0x1] =	stream.strided.gather [hbm4b:s3+s11], $0x4000, s12, s11, $0x38;
	[tilespmem:$0x15000] =	vst v63  }
0xf: {  	_ =	swait.ge [sflag:s13], $0x4000  }
0x10: {  	[sflag:s13] =	ssyncset.done $0x0  }
0x11: {  	[sflag:s13] =	ssyncadd.s32 $0xFFFFC000  }
0x12: {  	[tilespmem:s14], [sflag:$0x1] =	stream.strided.gather [hbm4b:s9+s11], $0x4000, s12, s11, $0x38;
	[tilespmem:$0x15000] =	vst v63  }
0x13: {  	_ =	swait.ge [sflag:s13], $0x4000  }
0x14: {  	[sflag:s13] =	ssyncset.done $0x0  }
0x15: {  	p1 =	por $0x1, $0x1;
	s20 =	simm.s32 $0x0;
	[sflag:s13] =	ssyncadd.s32 $0xFFFFC000  }
.LBB2_2:
0x16: {  	s20 =	sor.u32 s8, s20  }
0x17: {  	s21 =	sadd.s32 s6, s20  }
0x18: {  	[tilespmem:s16], [sflag:$0x1] =	stream.strided.gather [hbm4b:s21+s12], $0x2000, s15, s12, $0x38;
	[tilespmem:$0x15000] =	vst v63  }
0x19: {  	_ =	swait.ge [sflag:s13], $0x2000  }
0x1a: {  	s22 =	simm.s32 $0x0;
	s30 =	sshrl.u32 s20, $0x3;
	[sflag:s13] =	ssyncset.done $0x0  }
0x1b: {  	s23 =	simm.s32 $0xA000;
	s21 =	sadd.s32 s1, s30;
	[sflag:s13] =	ssyncadd.s32 $0xFFFFE000  }
0x1c: {  	[tilespmem:s23], [sflag:$0x1] =	stream.linear.gather [hbm4b:s21+s22], $0x1000, $0x38;
	[tilespmem:$0x15000] =	vst v63  }
0x1d: {  	_ =	swait.ge [sflag:s13], $0x1000  }
0x1e: {  	s31 =	sshrl.u32 s20, $0x2;
	[sflag:s13] =	ssyncset.done $0x0  }
0x1f: {  	s21 =	sadd.s32 s2, s31;
	[sflag:s13] =	ssyncadd.s32 $0xFFFFF000  }
0x20: {  	[tilespmem:s17], [sflag:$0x1] =	stream.linear.gather [hbm4b:s21+s22], $0x2000, $0x38;
	[tilespmem:$0x15000] =	vst v63  }
0x21: {  	_ =	swait.ge [sflag:s13], $0x2000  }
0x22: {  	s24 =	simm.s32 $0x0;
	[sflag:s13] =	ssyncset.done $0x0  }
0x23: {  	s24 =	sand.u32 $0xFFFFFF00, s24;
	s21 =	sand.u32 $0x70, s22;
	[sflag:s13] =	ssyncadd.s32 $0xFFFFE000  }
0x24: {  	s24 =	sor.u32 s21, s24;
	v8 =	vld [tilespmem:s23+$0x0]  }
0x25: {  	v0 =	vld [tilespmem:s24+$0x8000]  }
0x26: {  	v1 =	vld [tilespmem:s24+$0x8080];
	_ =	sdelay $0x3  }
0x27: {  	v4 =	vadd.s32 $0x1, v8;
	v6 =	vadd.s32 $0x2, v8;
	v2 =	vsub.f32 $1.500000000e+00, v0  }
0x28: {  	v3 =	vshra.s32 v8, $0x7;
	v5 =	vand.u32 $0x7F, v8;
	v7 =	vsub.f32 $1.500000000e+00, v1  }
0x29: {  	v11 =	vadd.f32 $-5.000000000e-01, v1;
	v1 =	vadd.f32 $-1.000000000e+00, v1;
	v5 =	vcvt.s32.f32 v5  }
0x2a: {  	v10 =	vadd.s32 $0x80, v8;
	v12 =	vcvt.s32.f32 v3;
	v9 =	vmul.f32 $5.000000000e-01, v2  }
0x2b: {  	v13 =	vadd.f32 $-1.000000000e+00, v0;
	v3 =	vmul.f32 $5.000000000e-01, v7;
	v1 =	vmul.f32 v1, v1  }
0x2c: {  	v0 =	vadd.f32 $-5.000000000e-01, v0;
	v19 =	vmul.f32 $7.812500000e-03, v12;
	v9 =	vmul.f32 v9, v2  }
0x2d: {  	v14 =	vld.idx.msk [tilespmem:v8+s4+$0x0], $0xffff;
	v21 =	vadd.f32 $1.000000000e+00, v5;
	v2 =	vmul.f32 $5.000000000e-01, v11;
	v31 =	vmul.f32 v3, v7  }
0x2e: {  	v3 =	vmul.f32 v13, v13;
	v7 =	vsub.f32 $7.500000000e-01, v1;
	v1 =	vmul.f32 $5.000000000e-01, v0;
	v22 =	vld.idx.msk [tilespmem:v4+s4+$0x0], $0xffff  }
0x2f: {  	v13 =	vadd.s32 $0x81, v8;
	v30 =	vld.idx.msk [tilespmem:v4+s14+$0x0], $0xffff;
	v4 =	vmul.f32 $7.812500000e-03, v21;
	v11 =	vmul.f32 v2, v11  }
0x30: {  	v15 =	vmul.f32 v31, v9;
	v18 =	vsub.f32 $7.500000000e-01, v3;
	v3 =	vmul.f32 $7.812500000e-03, v5  }
0x31: {  	v20 =	vld.idx.msk [tilespmem:v8+s14+$0x0], $0xffff;
	v2 =	vadd.f32 $2.000000000e+00, v5;
	v34 =	vmul.f32 v1, v0;
	v29 =	vmul.f32 v7, v9  }
0x32: {  	v16 =	vld.idx.msk [tilespmem:v6+s4+$0x0], $0xffff;
	v5 =	vadd.f32 $1.000000000e+00, v12;
	v17 =	vmul.f32 v11, v9;
	v14 =	vmul.f32 v15, v14  }
0x33: {  	v27 =	vld.idx.msk [tilespmem:v10+s14+$0x0], $0xffff;
	v0 =	vmul.f32 $7.812500000e-03, v2;
	v24 =	vmul.f32 v7, v18  }
0x34: {  	v35 =	vld.idx.msk [tilespmem:v6+s14+$0x0], $0xffff;
	v2 =	vmul.f32 v11, v34;
	v5 =	vmul.f32 $7.812500000e-03, v5  }
0x35: {  	v28 =	vadd.s32 $0x82, v8;
	v7 =	vmul.f32 v7, v34;
	v21 =	vmul.f32 v11, v18;
	v25 =	vld.idx.msk [tilespmem:v13+s4+$0x0], $0xffff  }
0x36: {  	v9 =	vadd.f32 $2.000000000e+00, v12;
	v12 =	vmul.f32 v20, v15;
	v11 =	vld.idx.msk [tilespmem:v13+s14+$0x0], $0xffff;
	v13 =	vmul.f32 v31, v18  }
0x37: {  	v33 =	vadd.s32 $0x100, v8;
	v31 =	vmul.f32 v31, v34;
	v23 =	vmul.f32 v14, v3  }
0x38: {  	v36 =	vadd.s32 $0x101, v8;
	v26 =	vmul.f32 v14, v19;
	v32 =	vmul.f32 v16, v17  }
0x39: {  	v14 =	vadd.f32 $0.0e+00, v14;
	v20 =	vmul.f32 v22, v29;
	v29 =	vmul.f32 v30, v29  }
0x3a: {  	v15 =	vadd.f32 $0.0e+00, v12;
	v30 =	vmul.f32 v12, v3;
	v17 =	vmul.f32 v35, v17  }
0x3b: {  	v10 =	vld.idx.msk [tilespmem:v10+s4+$0x0], $0xffff;
	v16 =	vmul.f32 v27, v13;
	v22 =	vadd.f32 $0.0e+00, v23;
	v18 =	vadd.f32 $0.0e+00, v26  }
0x3c: {  	v26 =	vmul.f32 v32, v19;
	v14 =	vadd.f32 v20, v14;
	v27 =	vmul.f32 v20, v4  }
0x3d: {  	v15 =	vadd.f32 v29, v15;
	v37 =	vmul.f32 v32, v0;
	v20 =	vmul.f32 v20, v19  }
0x3e: {  	v23 =	vld.idx.msk [tilespmem:v28+s4+$0x0], $0xffff;
	v38 =	vadd.f32 $0.0e+00, v30;
	v30 =	vmul.f32 v29, v19;
	v39 =	vmul.f32 v29, v4  }
0x3f: {  	v1 =	vadd.s32 $0x102, v8;
	v28 =	vld.idx.msk [tilespmem:v28+s14+$0x0], $0xffff;
	v6 =	vmul.f32 v25, v24;
	v25 =	vmul.f32 v12, v19  }
0x40: {  	v61 =	vmul.f32 v11, v24;
	v12 =	vmul.f32 v10, v13;
	v10 =	vadd.f32 v17, v15  }
0x41: {  	v13 =	vadd.f32 v32, v14;
	v14 =	vadd.f32 v27, v22;
	v24 =	vmul.f32 v17, v0  }
0x42: {  	v27 =	vmul.f32 v17, v19;
	v15 =	vmul.f32 v61, v4;
	v10 =	vadd.f32 v16, v10  }
0x43: {  	v11 =	vmul.f32 v12, v3;
	v14 =	vadd.f32 v37, v14;
	v62 =	vadd.f32 $0.0e+00, v25  }
0x44: {  	v22 =	vld.idx.msk [tilespmem:v33+s4+$0x0], $0xffff;
	v8 =	vmul.f32 v23, v21;
	v17 =	vmul.f32 v28, v21;
	v21 =	vadd.f32 v20, v18  }
0x45: {  	v63 =	vmul.f32 v12, v5;
	v29 =	vmul.f32 v61, v5;
	v18 =	vld.idx.msk [tilespmem:v36+s14+$0x0], $0xffff;
	v25 =	vadd.f32 v61, v10  }
0x46: {  	v23 =	vmul.f32 v16, v5;
	v28 =	vld.idx.msk [tilespmem:v36+s4+$0x0], $0xffff;
	v32 =	vadd.f32 v30, v62;
	v26 =	vadd.f32 v26, v21  }
0x47: {  	v30 =	vld.idx.msk [tilespmem:v33+s14+$0x0], $0xffff;
	v33 =	vadd.f32 v39, v38;
	v10 =	vmul.f32 v8, v0;
	v20 =	vmul.f32 v17, v0  }
0x48: {  	p0 =	por p1, p1;
	s26 =	simm.s32 $0x1;
	s25 =	simm.s32 $0x0;
	v19 =	vmul.f32 v8, v5;
	v21 =	vmul.f32 v6, v5;
	v26 =	vadd.f32 v63, v26  }
.LBB2_3:
0x49: {  	p1 =	sne.s32 s26, $0xFF;
	v9 =	vmul.f32 $7.812500000e-03, v9;
	v27 =	vadd.f32 v27, v32;
	v32 =	vmul.f32 v6, v4;
	s23 =	sadd.s32 $0x10, s23;
	s22 =	sadd.s32 $0x10, s22  }
0x4a: {  	v16 =	vmul.f32 v16, v3;
	s28 =	smov.u32 s26;
	s26 =	sadd.s32 $0x1, s26;
	v24 =	vadd.f32 v24, v33;
	v22 =	vmul.f32 v22, v31  }
0x4b: {  	v25 =	vadd.f32 v17, v25;
	v23 =	vadd.f32 v23, v27;
	v27 =	vmul.f32 v28, v7;
	v28 =	vld.idx.msk [tilespmem:v1+s4+$0x0], $0xffff  }
0x4c: {  	v7 =	vmul.f32 v18, v7;
	v16 =	vadd.f32 v16, v24;
	v24 =	vmul.f32 v30, v31  }
0x4d: {  	v18 =	vadd.f32 v29, v23;
	v23 =	vmul.f32 v22, v9;
	v29 =	vmul.f32 v27, v9;
	v1 =	vld.idx.msk [tilespmem:v1+s14+$0x0], $0xffff  }
0x4e: {  	v15 =	vadd.f32 v15, v16;
	v16 =	vadd.f32 v24, v25;
	v25 =	vmul.f32 v24, v3  }
0x4f: {  	v12 =	vadd.f32 v12, v13;
	v13 =	vmul.f32 v27, v4;
	v3 =	vmul.f32 v22, v3  }
0x50: {  	v5 =	vmul.f32 v17, v5;
	v21 =	vadd.f32 v21, v26;
	v15 =	vadd.f32 v20, v15  }
0x51: {  	v11 =	vadd.f32 v11, v14;
	v14 =	vadd.f32 v7, v16;
	v16 =	vmul.f32 v28, v2  }
0x52: {  	v17 =	vadd.f32 v19, v21;
	v19 =	vmul.f32 v7, v9;
	v15 =	vadd.f32 v25, v15  }
0x53: {  	v6 =	vadd.f32 v6, v12;
	v1 =	vmul.f32 v1, v2;
	v2 =	vmul.f32 v16, v9  }
0x54: {  	v11 =	vadd.f32 v32, v11;
	v5 =	vadd.f32 v5, v18;
	v18 =	vmul.f32 v24, v9;
	v12 =	vld [tilespmem:s24+$0xB080]  }
0x55: {  	v6 =	vadd.f32 v8, v6;
	v4 =	vmul.f32 v7, v4;
	v8 =	vadd.f32 v23, v17;
	v20 =	vld [tilespmem:s24+$0xB000]  }
0x56: {  	v7 =	vadd.f32 v10, v11;
	v5 =	vadd.f32 v18, v5;
	v10 =	vmul.f32 v1, v0;
	s24 =	sshll.u32 s25, $0x7;
	s25 =	smov.u32 s28  }
0x57: {  	v4 =	vadd.f32 v4, v15;
	v11 =	vadd.f32 v1, v14;
	v1 =	vmul.f32 v1, v9;
	s24 =	sand.u32 $0x3FFFFC00, s24  }
0x58: {  	v6 =	vadd.f32 v22, v6;
	v5 =	vadd.f32 v19, v5;
	v0 =	vmul.f32 v16, v0;
	s21 =	sor.u32 s21, s24  }
0x59: {  	v8 =	vadd.f32 v29, v8;
	v4 =	vadd.f32 v10, v4;
	[tilespmem:s21+$0xD180] =	vst v11;
	v9 =	vmul.f32 v11, v12  }
0x5a: {  	v6 =	vadd.f32 v27, v6;
	v1 =	vadd.f32 v1, v5;
	v5 =	vmul.f32 v11, v20  }
0x5b: {  	v3 =	vadd.f32 v3, v7;
	v7 =	vmul.f32 $9.999999740e-05, v11;
	v4 =	vsub.f32 v4, v9  }
0x5c: {  	v6 =	vadd.f32 v16, v6;
	v1 =	vsub.f32 v1, v5  }
0x5d: {  	v3 =	vadd.f32 v13, v3;
	v5 =	vadd.f32 v7, v12;
	v4 =	vmul.f32 $6.553600000e+04, v4  }
0x5e: {  	v2 =	vadd.f32 v2, v8;
	v7 =	vmul.f32 v6, v20;
	[tilespmem:s21+$0xD100] =	vst v6;
	v1 =	vmul.f32 $6.553600000e+04, v1  }
0x5f: {  	v0 =	vadd.f32 v0, v3;
	v3 =	vmul.f32 $9.999999740e-05, v6;
	v6 =	vmul.f32 v6, v12;
	[tilespmem:s21+$0xD380] =	vst v4  }
0x60: {  	v2 =	vsub.f32 v2, v7;
	[tilespmem:s21+$0xD300] =	vst v1  }
0x61: {  	v1 =	vadd.f32 v3, v20;
	v0 =	vsub.f32 v0, v6;
	[tilespmem:s21+$0xD080] =	vst v5  }
0x62: {  	v2 =	vmul.f32 $6.553600000e+04, v2  }
0x63: {  	v0 =	vmul.f32 $6.553600000e+04, v0;
	[tilespmem:s21+$0xD000] =	vst v1  }
0x64: {  	[tilespmem:s21+$0xD200] =	vst v2  }
0x65: {  	s24 =	sshll.u32 s25, $0x5;
	[tilespmem:s21+$0xD280] =	vst v0  }
0x66: {  	s24 =	sand.u32 $0xFFFFFF00, s24;
	s21 =	sand.u32 $0x70, s22  }
0x67: {  	s24 =	sor.u32 s21, s24;
	v6 =	vld [tilespmem:s23+$0x0]  }
0x68: {  	v0 =	vld [tilespmem:s24+$0x8000]  }
0x69: {  	v1 =	vld [tilespmem:s24+$0x8080];
	_ =	sdelay $0x2  }
0x6a: {  	v2 =	vadd.s32 $0x1, v6;
	v4 =	vadd.s32 $0x2, v6;
	v3 =	vadd.s32 $0x80, v6  }
0x6b: {  	v5 =	vshra.s32 v6, $0x7;
	v7 =	vand.u32 $0x7F, v6;
	v8 =	vsub.f32 $1.500000000e+00, v0  }
0x6c: {  	v7 =	vcvt.s32.f32 v7;
	v9 =	vadd.f32 $-1.000000000e+00, v0;
	v10 =	vsub.f32 $1.500000000e+00, v1  }
0x6d: {  	v12 =	vadd.f32 $-1.000000000e+00, v1;
	v13 =	vadd.f32 $-5.000000000e-01, v1;
	v11 =	vmul.f32 $5.000000000e-01, v8;
	v14 =	vld.idx.msk [tilespmem:v6+s14+$0x0], $0xffff  }
0x6e: {  	v5 =	vcvt.s32.f32 v5;
	v0 =	vadd.f32 $-5.000000000e-01, v0;
	v1 =	vmul.f32 $5.000000000e-01, v10;
	v15 =	vld.idx.msk [tilespmem:v6+s4+$0x0], $0xffff  }
0x6f: {  	v16 =	vadd.f32 $1.000000000e+00, v7;
	v8 =	vmul.f32 v11, v8;
	v11 =	vmul.f32 $5.000000000e-01, v13;
	v17 =	vld.idx.msk [tilespmem:v3+s14+$0x0], $0xffff  }
0x70: {  	v31 =	vmul.f32 v1, v10;
	v10 =	vmul.f32 v12, v12;
	v12 =	vld.idx.msk [tilespmem:v2+s4+$0x0], $0xffff;
	v1 =	vadd.s32 $0x102, v6  }
0x71: {  	v18 =	vadd.s32 $0x81, v6;
	v9 =	vmul.f32 v9, v9;
	v11 =	vmul.f32 v11, v13;
	v13 =	vld.idx.msk [tilespmem:v3+s4+$0x0], $0xffff  }
0x72: {  	v19 =	vadd.f32 $1.000000000e+00, v5;
	v10 =	vsub.f32 $7.500000000e-01, v10;
	v20 =	vmul.f32 v31, v8  }
0x73: {  	v24 =	vadd.s32 $0x82, v6;
	v21 =	vmul.f32 $7.812500000e-03, v5;
	v22 =	vmul.f32 v11, v8;
	v23 =	vld.idx.msk [tilespmem:v4+s4+$0x0], $0xffff  }
0x74: {  	v25 =	vmul.f32 $5.000000000e-01, v0;
	v26 =	vadd.f32 $2.000000000e+00, v7;
	v15 =	vmul.f32 v20, v15;
	v27 =	vld.idx.msk [tilespmem:v2+s14+$0x0], $0xffff  }
0x75: {  	v29 =	vadd.s32 $0x100, v6;
	v28 =	vsub.f32 $7.500000000e-01, v9;
	v3 =	vmul.f32 $7.812500000e-03, v7  }
0x76: {  	v34 =	vmul.f32 v25, v0;
	v0 =	vmul.f32 $7.812500000e-03, v26;
	v25 =	vadd.f32 $0.0e+00, v15;
	v26 =	vld.idx.msk [tilespmem:v18+s4+$0x0], $0xffff  }
0x77: {  	v9 =	vadd.f32 $2.000000000e+00, v5;
	v32 =	vmul.f32 v10, v28;
	v7 =	vmul.f32 v15, v3;
	v30 =	vld.idx.msk [tilespmem:v4+s14+$0x0], $0xffff  }
0x78: {  	v2 =	vmul.f32 v11, v34;
	v4 =	vmul.f32 v15, v21  }
0x79: {  	v5 =	vmul.f32 $7.812500000e-03, v19;
	v8 =	vmul.f32 v10, v8;
	v19 =	vadd.f32 $0.0e+00, v7  }
0x7a: {  	v15 =	vmul.f32 v23, v22;
	v7 =	vmul.f32 v10, v34;
	v33 =	vadd.f32 $0.0e+00, v4;
	v23 =	vld.idx.msk [tilespmem:v24+s4+$0x0], $0xffff  }
0x7b: {  	v36 =	vadd.s32 $0x101, v6;
	v35 =	vmul.f32 v11, v28;
	v4 =	vmul.f32 $7.812500000e-03, v16;
	v10 =	vld.idx.msk [tilespmem:v18+s14+$0x0], $0xffff  }
0x7c: {  	v11 =	vmul.f32 v14, v20;
	v14 =	vmul.f32 v12, v8  }
0x7d: {  	v12 =	vmul.f32 v31, v28;
	v6 =	vmul.f32 v26, v32  }
0x7e: {  	v20 =	vadd.f32 $0.0e+00, v11;
	v37 =	vmul.f32 v15, v21;
	v26 =	vmul.f32 v11, v21  }
0x7f: {  	v38 =	vmul.f32 v27, v8;
	v8 =	vadd.f32 v14, v25;
	v16 =	vmul.f32 v17, v12  }
0x80: {  	v39 =	vmul.f32 v11, v3;
	v17 =	vmul.f32 v30, v22;
	v18 =	vld.idx.msk [tilespmem:v36+s14+$0x0], $0xffff  }
0x81: {  	v11 =	vadd.f32 v38, v20;
	v20 =	vmul.f32 v14, v4;
	v40 =	vmul.f32 v10, v32;
	v10 =	vld.idx.msk [tilespmem:v24+s14+$0x0], $0xffff  }
0x82: {  	v12 =	vmul.f32 v13, v12;
	v25 =	vmul.f32 v15, v0;
	v22 =	vld.idx.msk [tilespmem:v29+s4+$0x0], $0xffff  }
0x83: {  	v13 =	vadd.f32 v15, v8;
	v27 =	vadd.f32 v17, v11;
	v15 =	vmul.f32 v40, v4  }
0x84: {  	v19 =	vadd.f32 v20, v19;
	v11 =	vmul.f32 v12, v3;
	v8 =	vmul.f32 v23, v35  }
0x85: {  	v20 =	vmul.f32 v14, v21;
	v28 =	vadd.f32 v16, v27;
	v24 =	vmul.f32 v17, v0  }
0x86: {  	v14 =	vadd.f32 v25, v19;
	v23 =	vmul.f32 v16, v5;
	v27 =	vmul.f32 v17, v21  }
0x87: {  	v26 =	vadd.f32 $0.0e+00, v26;
	v25 =	vadd.f32 v40, v28;
	v17 =	vmul.f32 v10, v35  }
.Ltmp0:
0x88: {  	v19 =	vadd.f32 v20, v33;
	v35 =	vmul.f32 v12, v5;
	v10 =	vmul.f32 v8, v0;
	v28 =	vld.idx.msk [tilespmem:v36+s4+$0x0], $0xffff;
	(pc) =	sbr.rel @p1 .LBB2_3-.Ltmp0, $4  }
0x89: {  	v33 =	vadd.f32 $0.0e+00, v39;
	v21 =	vmul.f32 v38, v21;
	v20 =	vmul.f32 v17, v0  }
0x8a: {  	v37 =	vadd.f32 v37, v19;
	v19 =	vmul.f32 v8, v5;
	v36 =	vmul.f32 v38, v4;
	v30 =	vld.idx.msk [tilespmem:v29+s14+$0x0], $0xffff  }
0x8b: {  	v32 =	vadd.f32 v21, v26;
	v21 =	vmul.f32 v6, v5;
	v29 =	vmul.f32 v40, v5  }
0x8c: {  	v31 =	vmul.f32 v31, v34;
	v26 =	vadd.f32 v35, v37;
	v33 =	vadd.f32 v36, v33  }
0x8d: {  	v9 =	vmul.f32 $7.812500000e-03, v9  }
0x8e: {  	v27 =	vadd.f32 v27, v32;
	v16 =	vmul.f32 v16, v3;
	v61 =	vmul.f32 v6, v4  }
0x8f: {  	v25 =	vadd.f32 v17, v25;
	v62 =	vmul.f32 v28, v7;
	v34 =	vmul.f32 v18, v7  }
0x90: {  	v12 =	vadd.f32 v12, v13;
	v5 =	vmul.f32 v17, v5;
	v11 =	vadd.f32 v11, v14  }
0x91: {  	v24 =	vadd.f32 v24, v33;
	v22 =	vmul.f32 v22, v31;
	v21 =	vadd.f32 v21, v26  }
0x92: {  	v23 =	vadd.f32 v23, v27;
	v33 =	vmul.f32 v30, v31;
	v37 =	vmul.f32 v62, v9  }
0x93: {  	v38 =	vld.idx.msk [tilespmem:v1+s14+$0x0], $0xffff;
	v42 =	vmul.f32 v62, v4;
	v46 =	vadd.f32 v6, v12;
	v11 =	vadd.f32 v61, v11  }
0x94: {  	v63 =	vld.idx.msk [tilespmem:v1+s4+$0x0], $0xffff;
	v7 =	vmul.f32 v34, v9;
	v16 =	vadd.f32 v16, v24;
	v36 =	vmul.f32 v22, v9  }
0x95: {  	v41 =	vmul.f32 v22, v3;
	v45 =	vadd.f32 v19, v21;
	v35 =	vadd.f32 v29, v23  }
0x96: {  	v39 =	vadd.f32 v33, v25;
	v40 =	vmul.f32 v33, v3;
	v6 =	vadd.f32 v8, v46  }
0x97: {  	v48 =	vmul.f32 v33, v9;
	v10 =	vadd.f32 v10, v11;
	v15 =	vadd.f32 v15, v16  }
0x98: {  	v1 =	vmul.f32 v38, v2;
	v50 =	vadd.f32 v36, v45;
	v43 =	vadd.f32 v34, v39  }
0x99: {  	v44 =	vmul.f32 v63, v2;
	v5 =	vadd.f32 v5, v35;
	v6 =	vadd.f32 v22, v6  }
0x9a: {  	v3 =	vadd.f32 v41, v10;
	v15 =	vadd.f32 v20, v15;
	v52 =	vmul.f32 v1, v0  }
0x9b: {  	v49 =	vld [tilespmem:s24+$0xB000];
	v54 =	vadd.f32 v37, v50;
	v57 =	vmul.f32 v44, v0;
	v5 =	vadd.f32 v48, v5  }
0x9c: {  	v47 =	vld [tilespmem:s24+$0xB080];
	v53 =	vadd.f32 v1, v43;
	v1 =	vmul.f32 v1, v9;
	v6 =	vadd.f32 v62, v6  }
0x9d: {  	v9 =	vmul.f32 v44, v9;
	v3 =	vadd.f32 v42, v3;
	v15 =	vadd.f32 v40, v15  }
0x9e: {  	v51 =	vmul.f32 v34, v4;
	v5 =	vadd.f32 v7, v5;
	v6 =	vadd.f32 v44, v6  }
0x9f: {  	s22 =	sshll.u32 s25, $0x7;
	v58 =	vmul.f32 $9.999999740e-05, v53;
	v7 =	vadd.f32 v9, v54;
	v0 =	vadd.f32 v57, v3  }
0xa0: {  	s22 =	sand.u32 $0x3FFFFC00, s22;
	v56 =	vmul.f32 v53, v49;
	v4 =	vadd.f32 v51, v15;
	v1 =	vadd.f32 v1, v5  }
0xa1: {  	s21 =	sor.u32 s21, s22;
	v59 =	vmul.f32 v6, v49;
	v60 =	vmul.f32 $9.999999740e-05, v6;
	v2 =	vadd.f32 v58, v47  }
0xa2: {  	[tilespmem:s21+$0xD100] =	vst v6;
	v6 =	vmul.f32 v6, v47;
	v4 =	vadd.f32 v52, v4;
	v1 =	vsub.f32 v1, v56  }
0xa3: {  	v55 =	vmul.f32 v53, v47;
	[tilespmem:s21+$0xD180] =	vst v53;
	v61 =	vsub.f32 v7, v59;
	v62 =	vadd.f32 v60, v49  }
0xa4: {  	v0 =	vsub.f32 v0, v6;
	[tilespmem:s21+$0xD080] =	vst v2;
	v1 =	vmul.f32 $6.553600000e+04, v1  }
0xa5: {  	v4 =	vsub.f32 v4, v55;
	v63 =	vmul.f32 $6.553600000e+04, v61;
	[tilespmem:s21+$0xD000] =	vst v62  }
0xa6: {  	v0 =	vmul.f32 $6.553600000e+04, v0;
	[tilespmem:s21+$0xD300] =	vst v1  }
0xa7: {  	v4 =	vmul.f32 $6.553600000e+04, v4;
	[tilespmem:s21+$0xD200] =	vst v63  }
0xa8: {  	[tilespmem:s21+$0xD280] =	vst v0  }
.Ltmp1:
0xa9: {  	s20 =	sadd.s32 s7, s20;
	[tilespmem:s21+$0xD380] =	vst v4;
	(pc) =	sbr.rel @p0 .LBB2_2-.Ltmp1, $4  }
0xaa: {  	[hbm4b:s20+s4] =	stream.linear.scatter [tilespmem:s18], [sflag:$0x1], $0x8000, $0x38;
	[tilespmem:$0x15000] =	vst v63  }
0xab: {  	_ =	swait.ge [sflag:s13], $0x8000  }
0xac: {  	[sflag:s13] =	ssyncset.done $0x0  }
0xad: {  	p1 =	por $0x0, $0x0;
	s20 =	simm.s32 $0x1000;
	[sflag:s13] =	ssyncadd.s32 $0xFFFF8000  }
0xae: {  	s19 =	sadd.s32 $0x1, s19  }
0xaf: {  	p0 =	sne.s32 s19, s10  }
.Ltmp2:
0xb0: {  	_ = 	snop;
	(pc) =	sbr.rel @p0 .LBB2_1-.Ltmp2, $1  }
0xb1: {  	_ =	sdelay $0x3  }
0xb2: {  	_ =	sfence.sel $0x180000  }
0xb3: {  	[bflag:$0x0] =	sbarrier.arrive $0xFFFF  }
0xb4: {  	p0 =	sne.s32 s5, $0x0;
	_ =	strace $0x90000050  }
0xb5: {  	s0 =	sadd.s32 @!p0 $0x100000, s0;
	[bflag:$0x2] =	sbarrier.arrive $0xFFFF  }
0xb6: {  	[sflag:s0] =	ssyncadd.tile.s32 @!p0 $0x1;
	_ =	shalt  }
.Lfunc_end2:
_tile_overlayer_lowered:
.L_overlay_start_2:
0xb7: {  	(tag) =	ssettag $0x2  }
0xb8: {  	s0 =	rddreg [dreg:$0x0];
	s2 =	stileid.u32  }
0xb9: {  	s1 =	rddreg [dreg:$0x1];
	p0 =	sne.s32 s2, $0x0  }
0xba: {  	s3 =	rddreg [dreg:$0x2];
	[bflag:$0x3] =	sbarrier.arrive $0xFFFF;
	s2 =	simm.s32 @!p0 $0x1C01  }
0xbb: {  	[timem:s3], [sflag:s2] =	dma.local @!p0 [hbm:s0], s1  }
0xbc: {  	s0 =	simm.s32 @!p0 $0x1  }
0xbd: {  	_ =	swait.ge @!p0 [sflag:s0], s1  }
0xbe: {  	s1 =	ssub.s32 @!p0 $0x0, s1;
	[sflag:s0] =	ssyncset.done @!p0 $0x0  }
0xbf: {  	[sflag:s0] =	ssyncadd.s32 @!p0 s1  }
0xc0: {  	[bflag:$0x3] =	sbarrier.arrive $0xFFFF  }
0xc1: {  	_ =	shalt  }

</sc_bundles>
